<compile_context>
chip_gen: v7x
topology: tpu7x:2x2x1
jax: 0.10.2.dev20260603
libtpu: 0.0.44.dev20260713+nightly
codegen_flags: <defaults>
</compile_context>

<pallas_src>
import functools

import jax
import jax.numpy as jnp
from jax import lax
from jax.experimental import pallas as pl
from jax.experimental.pallas import tpu as pltpu
from jax.experimental.pallas import tpu_sc as plsc

_BTILE = 8
_KPAD = 8


def _sc_body(logits_hbm, cand_hbm, g_out, f_out, cand_v, idx_v, g_v, f_v, sem,
             *, rows_per, num_k, batch, num_btiles):
    wid = lax.axis_index("s") * 2 + lax.axis_index("c")
    base_row = wid * rows_per
    for kk in range(num_k):
        pltpu.sync_copy(cand_hbm.at[pl.ds(kk * batch + base_row, rows_per)],
                        cand_v.at[pl.ds(kk * rows_per, rows_per)])
    nchunk = rows_per // 16
    for chunk in range(nchunk):
        r = lax.broadcasted_iota(jnp.int32, (16,), 0) + chunk * 16
        cks = [cand_v[pl.ds(kk * rows_per + chunk * 16, 16)]
               for kk in range(num_k)]
        for kk in range(num_k):
            ck = cks[kk]
            fkk = ck >= 0
            for jj in range(kk):
                fkk = jnp.logical_and(fkk, ck != cks[jj])
            safe = jnp.where(ck >= 0, ck, 0)
            o = kk * rows_per + chunk * 16
            idx_v[pl.ds(o, 16)] = (
                ((safe >> 3) * num_btiles + wid) * 1024 + ((safe & 7) << 7) + r)
            f_v[pl.ds(o, 16)] = jnp.where(fkk, 1.0, 0.0)
        for kk in range(num_k, _KPAD):
            o = kk * rows_per + chunk * 16
            f_v[pl.ds(o, 16)] = jnp.zeros((16,), jnp.float32)
            g_v[pl.ds(o, 16)] = jnp.zeros((16,), jnp.float32)
    copies = [pltpu.async_copy(
        logits_hbm.at[idx_v.at[pl.ds(kk * rows_per, rows_per)]],
        g_v.at[pl.ds(kk * rows_per, rows_per)], sem)
        for kk in range(num_k)]
    for cp in copies:
        cp.wait()
    for kk in range(_KPAD):
        pltpu.sync_copy(g_v.at[pl.ds(kk * rows_per, rows_per)],
                        g_out.at[pl.ds(kk * batch + base_row, rows_per)])
        pltpu.sync_copy(f_v.at[pl.ds(kk * rows_per, rows_per)],
                        f_out.at[pl.ds(kk * batch + base_row, rows_per)])


def _sc_gather(logits_flat, cand_flat, batch, num_k):
    rows_per = batch // 32
    mesh = plsc.VectorSubcoreMesh(core_axis_name="c", subcore_axis_name="s")
    body = functools.partial(_sc_body, rows_per=rows_per, num_k=num_k,
                             batch=batch, num_btiles=batch // 128)
    f = pl.kernel(
        body,
        mesh=mesh,
        out_type=[jax.ShapeDtypeStruct((_KPAD * batch,), jnp.float32),
                  jax.ShapeDtypeStruct((_KPAD * batch,), jnp.float32)],
        scratch_types=[
            pltpu.VMEM((num_k * rows_per,), jnp.int32),
            pltpu.VMEM((num_k * rows_per,), jnp.int32),
            pltpu.VMEM((_KPAD * rows_per,), jnp.float32),
            pltpu.VMEM((_KPAD * rows_per,), jnp.float32),
            pltpu.SemaphoreType.DMA,
        ],
    )
    return f(logits_flat, cand_flat)


def _dense_body(x4_ref, out_ref):
    x = x4_ref[...]
    part = jnp.sum(jnp.log1p(jnp.exp(x)))

    @pl.when(pl.program_id(0) == 0)
    def _():
        out_ref[...] = jnp.zeros_like(out_ref)

    out_ref[...] += part.reshape(1, 1)


def _combine_body(g_ref, f_ref, dense_ref, out_ref, *, kpad, inv_batch):
    rows = g_ref.shape[0]
    g = g_ref[...].reshape(kpad, rows // kpad, 128)
    f = f_ref[...].reshape(kpad, rows // kpad, 128)
    s = jnp.sum(g * f, axis=0)
    cnt = jnp.maximum(jnp.sum(f, axis=0), 1.0)
    term1 = jnp.log1p(jnp.exp(-(s / cnt)))
    corr = jnp.sum(jnp.where(f > 0, jnp.log1p(jnp.exp(g)), 0.0), axis=0)
    part = jnp.sum(term1 - corr).reshape(1, 1)
    out_ref[...] = (dense_ref[...] + part) * inv_batch


def kernel(logits, candidates):
    b, c = logits.shape
    num_k = candidates.shape[1]
    ctiles, btiles = c // 8, b // 128
    cand_t = candidates.astype(jnp.int32).T.reshape(-1)
    x4 = logits.T.reshape(ctiles, 8, btiles, 128).transpose(0, 2, 1, 3)
    logits_flat = x4.reshape(-1)
    g, f = _sc_gather(logits_flat, cand_t, b, num_k)
    g = g.reshape(_KPAD * b // 128, 128)
    f = f.reshape(_KPAD * b // 128, 128)
    dense = pl.pallas_call(
        _dense_body,
        grid=(btiles // _BTILE,),
        in_specs=[pl.BlockSpec((ctiles, _BTILE, 8, 128),
                               lambda i: (0, i, 0, 0))],
        out_specs=pl.BlockSpec((1, 1), lambda i: (0, 0)),
        out_shape=jax.ShapeDtypeStruct((1, 1), jnp.float32),
    )(x4)
    gr = _KPAD * b // 128
    out = pl.pallas_call(
        functools.partial(_combine_body, kpad=_KPAD, inv_batch=1.0 / b),
        in_specs=[pl.BlockSpec((gr, 128), lambda: (0, 0)),
                  pl.BlockSpec((gr, 128), lambda: (0, 0)),
                  pl.BlockSpec((1, 1), lambda: (0, 0))],
        out_specs=pl.BlockSpec((1, 1), lambda: (0, 0)),
        out_shape=jax.ShapeDtypeStruct((1, 1), jnp.float32),
    )(g, f, dense)
    return out[0, 0]

# --- scband reference (transcript-rebuilt; emitter-appended) ---
"""Pipeline reference for scband-clplloss-2774548873719 (READ-ONLY COPY).

The authoritative reference and input builder live on the scoring server;
editing this copy changes nothing except your own understanding.
"""

import jax, jax.numpy as jnp
import numpy as np


def setup_inputs(seed: int = 0) -> dict:
    key = jax.random.key(seed)
    k1, k2 = jax.random.split(key)
    logits = jax.random.normal(k1, (4096, 1000), dtype=jnp.float32)
    candidates = jax.random.randint(k2, (4096, 5), 0, 1000, dtype=jnp.int32)
    return {"logits": logits, "candidates": candidates}


def _psi(u):
    # loss_type == 'logistic'
    return jnp.log1p(jnp.exp(-u))


def reference(logits, candidates):
    batch_size, num_classes = logits.shape
    candidates = candidates.astype(jnp.int32)
    valid = candidates >= 0
    safe_cand = jnp.where(valid, candidates, 0)
    row_ids = jnp.broadcast_to(jnp.arange(batch_size)[:, None], candidates.shape)
    # scatter 1.0 into (row, cand) positions for valid entries (duplicates collapse to 1)
    y_mask = jnp.zeros((batch_size, num_classes), dtype=logits.dtype)
    y_mask = y_mask.at[row_ids, safe_cand].add(valid.astype(logits.dtype))
    y_mask = jnp.minimum(y_mask, 1.0)
    y_counts = y_mask.sum(axis=1)
    y_cardinality = jnp.clip(y_counts, 1.0)
    avg_candidate_score = (logits * y_mask).sum(axis=1) / y_cardinality
    term1 = _psi(avg_candidate_score)
    non_candidate_mask = 1.0 - y_mask
    term2 = (_psi(-logits) * non_candidate_mask).sum(axis=1)
    loss = term1 + term2
    return loss.mean()

if __name__ == "__main__":
    import jax
    _d = setup_inputs()
    print(jax.jit(kernel)(*tuple(_d.values())))

</pallas_src>

<mosaic_0001>
#map = affine_map<(d0, d1) -> (0)>
module attributes {stable_mosaic.version = 14 : i64} {
  func.func @_sc_body(%arg0: i32, %arg1: i32, %arg2: memref<4096000xf32, #tpu.memory_space<hbm>>, %arg3: memref<20480xi32, #tpu.memory_space<hbm>>, %arg4: memref<32768xf32, #tpu.memory_space<hbm>>, %arg5: memref<32768xf32, #tpu.memory_space<hbm>>, %arg6: memref<640xi32, #tpu.memory_space<vmem>>, %arg7: memref<640xi32, #tpu.memory_space<vmem>>, %arg8: memref<1024xf32, #tpu.memory_space<vmem>>, %arg9: memref<1024xf32, #tpu.memory_space<vmem>>, %arg10: memref<!tpu.dma_semaphore, #tpu.memory_space<semaphore_mem>>) attributes {dimension_semantics = [#tpu.dimension_semantics<core_parallel>, #tpu.dimension_semantics<subcore_parallel>], iteration_bounds = array<i64: 2, 16>, scalar_prefetch = 0 : i64, scratch_operands = 5 : i64, tpu.core_type = #tpu.core_type<sc_vector_subcore>, window_params = [{transform_indices = #map}, {transform_indices = #map}, {transform_indices = #map}, {transform_indices = #map}]} {
    %mul3A = arith.constant 2 : i32
    %mul3A_0 = arith.muli %arg1, %mul3A : i32
    %add3A = arith.addi %mul3A_0, %arg0 : i32
    %mul3A_1 = arith.constant 128 : i32
    %mul3A_2 = arith.muli %add3A, %mul3A_1 : i32
    %add3A_3 = arith.constant 0 : i32
    %add3A_4 = arith.addi %add3A_3, %mul3A_2 : i32
    "tpu.region"() ({
      %run_scoped3A = tpu.sem_alloc : memref<!tpu.dma_semaphore, #tpu.memory_space<semaphore_mem>>
      %dma_start3A_2332 = arith.constant 0 : i32
      %dma_start3A_2333 = tpu.memref_slice %arg6[%dma_start3A_2332] : memref<640xi32, #tpu.memory_space<vmem>> -> memref<128xi32, #tpu.memory_space<vmem>>
      %dma_start3A_2334 = tpu.memref_slice %arg3[%add3A_4] : memref<20480xi32, #tpu.memory_space<hbm>> -> memref<128xi32, #tpu.memory_space<hbm>>
      %dma_start3A_2335 = arith.constant 0 : i32
      %dma_start3A_2336 = tpu.memref_slice %arg6[%dma_start3A_2335] : memref<640xi32, #tpu.memory_space<vmem>> -> memref<128xi32, #tpu.memory_space<vmem>>
      %dma_start3A_2337 = tpu.memref_slice %arg3[%add3A_4] : memref<20480xi32, #tpu.memory_space<hbm>> -> memref<128xi32, #tpu.memory_space<hbm>>
      tpu.enqueue_dma source(%dma_start3A_2337 : memref<128xi32, #tpu.memory_space<hbm>>) target(%dma_start3A_2336 : memref<128xi32, #tpu.memory_space<vmem>>) target_semaphore(%run_scoped3A : memref<!tpu.dma_semaphore, #tpu.memory_space<semaphore_mem>>)
      %dma_wait3A_2338 = arith.constant 0 : i32
      %dma_wait3A_2339 = tpu.memref_slice %arg6[%dma_wait3A_2338] : memref<640xi32, #tpu.memory_space<vmem>> -> memref<128xi32, #tpu.memory_space<vmem>>
      %dma_wait3A_2340 = tpu.memref_slice %arg3[%add3A_4] : memref<20480xi32, #tpu.memory_space<hbm>> -> memref<128xi32, #tpu.memory_space<hbm>>
      %dma_wait3A_2341 = arith.constant 0 : i32
      %dma_wait3A_2342 = tpu.memref_slice %arg6[%dma_wait3A_2341] : memref<640xi32, #tpu.memory_space<vmem>> -> memref<128xi32, #tpu.memory_space<vmem>>
      %dma_wait3A_2343 = tpu.memref_slice %arg3[%add3A_4] : memref<20480xi32, #tpu.memory_space<hbm>> -> memref<128xi32, #tpu.memory_space<hbm>>
      tpu.wait_dma2 semaphore(%run_scoped3A : memref<!tpu.dma_semaphore, #tpu.memory_space<semaphore_mem>>) src(%dma_wait3A_2343 : memref<128xi32, #tpu.memory_space<hbm>>) dst(%dma_wait3A_2342 : memref<128xi32, #tpu.memory_space<vmem>>)
      tpu.yield
    }) : () -> ()
    %add3A_5 = arith.constant 4096 : i32
    %add3A_6 = arith.addi %add3A_5, %mul3A_2 : i32
    "tpu.region"() ({
      %run_scoped3A = tpu.sem_alloc : memref<!tpu.dma_semaphore, #tpu.memory_space<semaphore_mem>>
      %dma_start3A_2332 = arith.constant 128 : i32
      %dma_start3A_2333 = tpu.memref_slice %arg6[%dma_start3A_2332] : memref<640xi32, #tpu.memory_space<vmem>> -> memref<128xi32, #tpu.memory_space<vmem>>
      %dma_start3A_2334 = tpu.memref_slice %arg3[%add3A_6] : memref<20480xi32, #tpu.memory_space<hbm>> -> memref<128xi32, #tpu.memory_space<hbm>>
      %dma_start3A_2335 = arith.constant 128 : i32
      %dma_start3A_2336 = tpu.memref_slice %arg6[%dma_start3A_2335] : memref<640xi32, #tpu.memory_space<vmem>> -> memref<128xi32, #tpu.memory_space<vmem>>
      %dma_start3A_2337 = tpu.memref_slice %arg3[%add3A_6] : memref<20480xi32, #tpu.memory_space<hbm>> -> memref<128xi32, #tpu.memory_space<hbm>>
      tpu.enqueue_dma source(%dma_start3A_2337 : memref<128xi32, #tpu.memory_space<hbm>>) target(%dma_start3A_2336 : memref<128xi32, #tpu.memory_space<vmem>>) target_semaphore(%run_scoped3A : memref<!tpu.dma_semaphore, #tpu.memory_space<semaphore_mem>>)
      %dma_wait3A_2338 = arith.constant 128 : i32
      %dma_wait3A_2339 = tpu.memref_slice %arg6[%dma_wait3A_2338] : memref<640xi32, #tpu.memory_space<vmem>> -> memref<128xi32, #tpu.memory_space<vmem>>
      %dma_wait3A_2340 = tpu.memref_slice %arg3[%add3A_6] : memref<20480xi32, #tpu.memory_space<hbm>> -> memref<128xi32, #tpu.memory_space<hbm>>
      %dma_wait3A_2341 = arith.constant 128 : i32
      %dma_wait3A_2342 = tpu.memref_slice %arg6[%dma_wait3A_2341] : memref<640xi32, #tpu.memory_space<vmem>> -> memref<128xi32, #tpu.memory_space<vmem>>
      %dma_wait3A_2343 = tpu.memref_slice %arg3[%add3A_6] : memref<20480xi32, #tpu.memory_space<hbm>> -> memref<128xi32, #tpu.memory_space<hbm>>
      tpu.wait_dma2 semaphore(%run_scoped3A : memref<!tpu.dma_semaphore, #tpu.memory_space<semaphore_mem>>) src(%dma_wait3A_2343 : memref<128xi32, #tpu.memory_space<hbm>>) dst(%dma_wait3A_2342 : memref<128xi32, #tpu.memory_space<vmem>>)
      tpu.yield
    }) : () -> ()
    %add3A_7 = arith.constant 8192 : i32
    %add3A_8 = arith.addi %add3A_7, %mul3A_2 : i32
    "tpu.region"() ({
      %run_scoped3A = tpu.sem_alloc : memref<!tpu.dma_semaphore, #tpu.memory_space<semaphore_mem>>
      %dma_start3A_2332 = arith.constant 256 : i32
      %dma_start3A_2333 = tpu.memref_slice %arg6[%dma_start3A_2332] : memref<640xi32, #tpu.memory_space<vmem>> -> memref<128xi32, #tpu.memory_space<vmem>>
      %dma_start3A_2334 = tpu.memref_slice %arg3[%add3A_8] : memref<20480xi32, #tpu.memory_space<hbm>> -> memref<128xi32, #tpu.memory_space<hbm>>
      %dma_start3A_2335 = arith.constant 256 : i32
      %dma_start3A_2336 = tpu.memref_slice %arg6[%dma_start3A_2335] : memref<640xi32, #tpu.memory_space<vmem>> -> memref<128xi32, #tpu.memory_space<vmem>>
      %dma_start3A_2337 = tpu.memref_slice %arg3[%add3A_8] : memref<20480xi32, #tpu.memory_space<hbm>> -> memref<128xi32, #tpu.memory_space<hbm>>
      tpu.enqueue_dma source(%dma_start3A_2337 : memref<128xi32, #tpu.memory_space<hbm>>) target(%dma_start3A_2336 : memref<128xi32, #tpu.memory_space<vmem>>) target_semaphore(%run_scoped3A : memref<!tpu.dma_semaphore, #tpu.memory_space<semaphore_mem>>)
      %dma_wait3A_2338 = arith.constant 256 : i32
      %dma_wait3A_2339 = tpu.memref_slice %arg6[%dma_wait3A_2338] : memref<640xi32, #tpu.memory_space<vmem>> -> memref<128xi32, #tpu.memory_space<vmem>>
      %dma_wait3A_2340 = tpu.memref_slice %arg3[%add3A_8] : memref<20480xi32, #tpu.memory_space<hbm>> -> memref<128xi32, #tpu.memory_space<hbm>>
      %dma_wait3A_2341 = arith.constant 256 : i32
      %dma_wait3A_2342 = tpu.memref_slice %arg6[%dma_wait3A_2341] : memref<640xi32, #tpu.memory_space<vmem>> -> memref<128xi32, #tpu.memory_space<vmem>>
      %dma_wait3A_2343 = tpu.memref_slice %arg3[%add3A_8] : memref<20480xi32, #tpu.memory_space<hbm>> -> memref<128xi32, #tpu.memory_space<hbm>>
      tpu.wait_dma2 semaphore(%run_scoped3A : memref<!tpu.dma_semaphore, #tpu.memory_space<semaphore_mem>>) src(%dma_wait3A_2343 : memref<128xi32, #tpu.memory_space<hbm>>) dst(%dma_wait3A_2342 : memref<128xi32, #tpu.memory_space<vmem>>)
      tpu.yield
    }) : () -> ()
    %add3A_9 = arith.constant 12288 : i32
    %add3A_10 = arith.addi %add3A_9, %mul3A_2 : i32
    "tpu.region"() ({
      %run_scoped3A = tpu.sem_alloc : memref<!tpu.dma_semaphore, #tpu.memory_space<semaphore_mem>>
      %dma_start3A_2332 = arith.constant 384 : i32
      %dma_start3A_2333 = tpu.memref_slice %arg6[%dma_start3A_2332] : memref<640xi32, #tpu.memory_space<vmem>> -> memref<128xi32, #tpu.memory_space<vmem>>
      %dma_start3A_2334 = tpu.memref_slice %arg3[%add3A_10] : memref<20480xi32, #tpu.memory_space<hbm>> -> memref<128xi32, #tpu.memory_space<hbm>>
      %dma_start3A_2335 = arith.constant 384 : i32
      %dma_start3A_2336 = tpu.memref_slice %arg6[%dma_start3A_2335] : memref<640xi32, #tpu.memory_space<vmem>> -> memref<128xi32, #tpu.memory_space<vmem>>
      %dma_start3A_2337 = tpu.memref_slice %arg3[%add3A_10] : memref<20480xi32, #tpu.memory_space<hbm>> -> memref<128xi32, #tpu.memory_space<hbm>>
      tpu.enqueue_dma source(%dma_start3A_2337 : memref<128xi32, #tpu.memory_space<hbm>>) target(%dma_start3A_2336 : memref<128xi32, #tpu.memory_space<vmem>>) target_semaphore(%run_scoped3A : memref<!tpu.dma_semaphore, #tpu.memory_space<semaphore_mem>>)
      %dma_wait3A_2338 = arith.constant 384 : i32
      %dma_wait3A_2339 = tpu.memref_slice %arg6[%dma_wait3A_2338] : memref<640xi32, #tpu.memory_space<vmem>> -> memref<128xi32, #tpu.memory_space<vmem>>
      %dma_wait3A_2340 = tpu.memref_slice %arg3[%add3A_10] : memref<20480xi32, #tpu.memory_space<hbm>> -> memref<128xi32, #tpu.memory_space<hbm>>
      %dma_wait3A_2341 = arith.constant 384 : i32
      %dma_wait3A_2342 = tpu.memref_slice %arg6[%dma_wait3A_2341] : memref<640xi32, #tpu.memory_space<vmem>> -> memref<128xi32, #tpu.memory_space<vmem>>
      %dma_wait3A_2343 = tpu.memref_slice %arg3[%add3A_10] : memref<20480xi32, #tpu.memory_space<hbm>> -> memref<128xi32, #tpu.memory_space<hbm>>
      tpu.wait_dma2 semaphore(%run_scoped3A : memref<!tpu.dma_semaphore, #tpu.memory_space<semaphore_mem>>) src(%dma_wait3A_2343 : memref<128xi32, #tpu.memory_space<hbm>>) dst(%dma_wait3A_2342 : memref<128xi32, #tpu.memory_space<vmem>>)
      tpu.yield
    }) : () -> ()
    %add3A_11 = arith.constant 16384 : i32
    %add3A_12 = arith.addi %add3A_11, %mul3A_2 : i32
    "tpu.region"() ({
      %run_scoped3A = tpu.sem_alloc : memref<!tpu.dma_semaphore, #tpu.memory_space<semaphore_mem>>
      %dma_start3A_2332 = arith.constant 512 : i32
      %dma_start3A_2333 = tpu.memref_slice %arg6[%dma_start3A_2332] : memref<640xi32, #tpu.memory_space<vmem>> -> memref<128xi32, #tpu.memory_space<vmem>>
      %dma_start3A_2334 = tpu.memref_slice %arg3[%add3A_12] : memref<20480xi32, #tpu.memory_space<hbm>> -> memref<128xi32, #tpu.memory_space<hbm>>
      %dma_start3A_2335 = arith.constant 512 : i32
      %dma_start3A_2336 = tpu.memref_slice %arg6[%dma_start3A_2335] : memref<640xi32, #tpu.memory_space<vmem>> -> memref<128xi32, #tpu.memory_space<vmem>>
      %dma_start3A_2337 = tpu.memref_slice %arg3[%add3A_12] : memref<20480xi32, #tpu.memory_space<hbm>> -> memref<128xi32, #tpu.memory_space<hbm>>
      tpu.enqueue_dma source(%dma_start3A_2337 : memref<128xi32, #tpu.memory_space<hbm>>) target(%dma_start3A_2336 : memref<128xi32, #tpu.memory_space<vmem>>) target_semaphore(%run_scoped3A : memref<!tpu.dma_semaphore, #tpu.memory_space<semaphore_mem>>)
      %dma_wait3A_2338 = arith.constant 512 : i32
      %dma_wait3A_2339 = tpu.memref_slice %arg6[%dma_wait3A_2338] : memref<640xi32, #tpu.memory_space<vmem>> -> memref<128xi32, #tpu.memory_space<vmem>>
      %dma_wait3A_2340 = tpu.memref_slice %arg3[%add3A_12] : memref<20480xi32, #tpu.memory_space<hbm>> -> memref<128xi32, #tpu.memory_space<hbm>>
      %dma_wait3A_2341 = arith.constant 512 : i32
      %dma_wait3A_2342 = tpu.memref_slice %arg6[%dma_wait3A_2341] : memref<640xi32, #tpu.memory_space<vmem>> -> memref<128xi32, #tpu.memory_space<vmem>>
      %dma_wait3A_2343 = tpu.memref_slice %arg3[%add3A_12] : memref<20480xi32, #tpu.memory_space<hbm>> -> memref<128xi32, #tpu.memory_space<hbm>>
      tpu.wait_dma2 semaphore(%run_scoped3A : memref<!tpu.dma_semaphore, #tpu.memory_space<semaphore_mem>>) src(%dma_wait3A_2343 : memref<128xi32, #tpu.memory_space<hbm>>) dst(%dma_wait3A_2342 : memref<128xi32, #tpu.memory_space<vmem>>)
      tpu.yield
    }) : () -> ()
    %iota3A = tpu.iota {dimensions = array<i32: 0>} : vector<16xi32>
    %add3A_13 = arith.constant 0 : i32
    %add3A_14 = vector.broadcast %add3A_13 : i32 to vector<16xi32>
    %add3A_15 = arith.addi %iota3A, %add3A_14 : vector<16xi32>
    %get3A = arith.constant 0 : index
    %get3A_16 = tpu.vector_load %arg6[%get3A] {strides = array<i32>} : memref<640xi32, #tpu.memory_space<vmem>>, vector<16xi32>,
    %get3A_17 = vector.shape_cast %get3A_16 : vector<16xi32> to vector<16xi32>
    %get3A_18 = arith.constant 128 : index
    %get3A_19 = tpu.vector_load %arg6[%get3A_18] {strides = array<i32>} : memref<640xi32, #tpu.memory_space<vmem>>, vector<16xi32>,
    %get3A_20 = vector.shape_cast %get3A_19 : vector<16xi32> to vector<16xi32>
    %get3A_21 = arith.constant 256 : index
    %get3A_22 = tpu.vector_load %arg6[%get3A_21] {strides = array<i32>} : memref<640xi32, #tpu.memory_space<vmem>>, vector<16xi32>,
    %get3A_23 = vector.shape_cast %get3A_22 : vector<16xi32> to vector<16xi32>
    %get3A_24 = arith.constant 384 : index
    %get3A_25 = tpu.vector_load %arg6[%get3A_24] {strides = array<i32>} : memref<640xi32, #tpu.memory_space<vmem>>, vector<16xi32>,
    %get3A_26 = vector.shape_cast %get3A_25 : vector<16xi32> to vector<16xi32>
    %get3A_27 = arith.constant 512 : index
    %get3A_28 = tpu.vector_load %arg6[%get3A_27] {strides = array<i32>} : memref<640xi32, #tpu.memory_space<vmem>>, vector<16xi32>,
    %get3A_29 = vector.shape_cast %get3A_28 : vector<16xi32> to vector<16xi32>
    %ge3A = arith.constant 0 : i32
    %ge3A_30 = vector.broadcast %ge3A : i32 to vector<16xi32>
    %ge3A_31 = arith.cmpi sge, %get3A_17, %ge3A_30 : vector<16xi32>
    %ge3A_32 = arith.constant 0 : i32
    %ge3A_33 = vector.broadcast %ge3A_32 : i32 to vector<16xi32>
    %ge3A_34 = arith.cmpi sge, %get3A_17, %ge3A_33 : vector<16xi32>
    %jit3A = arith.constant 0 : i32
    %broadcast_in_dim3A = vector.broadcast %jit3A : i32 to vector<16xi32>
    %select_n3A = arith.select %ge3A_34, %get3A_17, %broadcast_in_dim3A : vector<16xi1>, vector<16xi32>
    %shift_right_arithmetic3A = arith.constant 3 : i32
    %shift_right_arithmetic3A_35 = vector.broadcast %shift_right_arithmetic3A : i32 to vector<16xi32>
    %shift_right_arithmetic3A_36 = arith.shrsi %select_n3A, %shift_right_arithmetic3A_35 : vector<16xi32>
    %mul3A_37 = arith.constant 32 : i32
    %mul3A_38 = vector.broadcast %mul3A_37 : i32 to vector<16xi32>
    %mul3A_39 = arith.muli %shift_right_arithmetic3A_36, %mul3A_38 : vector<16xi32>
    %add3A_40 = vector.broadcast %add3A : i32 to vector<16xi32>
    %add3A_41 = arith.addi %mul3A_39, %add3A_40 : vector<16xi32>
    %mul3A_42 = arith.constant 1024 : i32
    %mul3A_43 = vector.broadcast %mul3A_42 : i32 to vector<16xi32>
    %mul3A_44 = arith.muli %add3A_41, %mul3A_43 : vector<16xi32>
    %and3A = arith.constant 7 : i32
    %and3A_45 = vector.broadcast %and3A : i32 to vector<16xi32>
    %and3A_46 = arith.andi %select_n3A, %and3A_45 : vector<16xi32>
    %shift_left3A = arith.constant 7 : i32
    %shift_left3A_47 = vector.broadcast %shift_left3A : i32 to vector<16xi32>
    %shift_left3A_48 = arith.shli %and3A_46, %shift_left3A_47 : vector<16xi32>
    %add3A_49 = arith.addi %mul3A_44, %shift_left3A_48 : vector<16xi32>
    %add3A_50 = arith.addi %add3A_49, %add3A_15 : vector<16xi32>
    %swap3A = arith.constant 0 : index
    %swap3A_51 = tpu.vector_load %arg7[%swap3A] {strides = array<i32>} : memref<640xi32, #tpu.memory_space<vmem>>, vector<16xi32>,
    %swap3A_52 = vector.shape_cast %swap3A_51 : vector<16xi32> to vector<16xi32>
    %swap3A_53 = vector.shape_cast %add3A_50 : vector<16xi32> to vector<16xi32>
    tpu.vector_store %arg7[%swap3A], %swap3A_53 {strides = array<i32>} : memref<640xi32, #tpu.memory_space<vmem>>, vector<16xi32>,
    %jit3A_54 = arith.constant 1.000000e+00 : f32
    %jit3A_55 = arith.constant 0.000000e+00 : f32
    %broadcast_in_dim3A_56 = vector.broadcast %jit3A_54 : f32 to vector<16xf32>
    %broadcast_in_dim3A_57 = vector.broadcast %jit3A_55 : f32 to vector<16xf32>
    %select_n3A_58 = arith.select %ge3A_31, %broadcast_in_dim3A_56, %broadcast_in_dim3A_57 : vector<16xi1>, vector<16xf32>
    %swap3A_59 = arith.constant 0 : index
    %swap3A_60 = tpu.vector_load %arg9[%swap3A_59] {strides = array<i32>} : memref<1024xf32, #tpu.memory_space<vmem>>, vector<16xf32>,
    %swap3A_61 = vector.shape_cast %swap3A_60 : vector<16xf32> to vector<16xf32>
    %swap3A_62 = vector.shape_cast %select_n3A_58 : vector<16xf32> to vector<16xf32>
    tpu.vector_store %arg9[%swap3A_59], %swap3A_62 {strides = array<i32>} : memref<1024xf32, #tpu.memory_space<vmem>>, vector<16xf32>,
    %ge3A_63 = arith.constant 0 : i32
    %ge3A_64 = vector.broadcast %ge3A_63 : i32 to vector<16xi32>
    %ge3A_65 = arith.cmpi sge, %get3A_20, %ge3A_64 : vector<16xi32>
    %ne3A = arith.cmpi ne, %get3A_20, %get3A_17 : vector<16xi32>
    %and3A_66 = arith.andi %ge3A_65, %ne3A : vector<16xi1>
    %ge3A_67 = arith.constant 0 : i32
    %ge3A_68 = vector.broadcast %ge3A_67 : i32 to vector<16xi32>
    %ge3A_69 = arith.cmpi sge, %get3A_20, %ge3A_68 : vector<16xi32>
    %jit3A_70 = arith.constant 0 : i32
    %broadcast_in_dim3A_71 = vector.broadcast %jit3A_70 : i32 to vector<16xi32>
    %select_n3A_72 = arith.select %ge3A_69, %get3A_20, %broadcast_in_dim3A_71 : vector<16xi1>, vector<16xi32>
    %shift_right_arithmetic3A_73 = arith.constant 3 : i32
    %shift_right_arithmetic3A_74 = vector.broadcast %shift_right_arithmetic3A_73 : i32 to vector<16xi32>
    %shift_right_arithmetic3A_75 = arith.shrsi %select_n3A_72, %shift_right_arithmetic3A_74 : vector<16xi32>
    %mul3A_76 = arith.constant 32 : i32
    %mul3A_77 = vector.broadcast %mul3A_76 : i32 to vector<16xi32>
    %mul3A_78 = arith.muli %shift_right_arithmetic3A_75, %mul3A_77 : vector<16xi32>
    %add3A_79 = vector.broadcast %add3A : i32 to vector<16xi32>
    %add3A_80 = arith.addi %mul3A_78, %add3A_79 : vector<16xi32>
    %mul3A_81 = arith.constant 1024 : i32
    %mul3A_82 = vector.broadcast %mul3A_81 : i32 to vector<16xi32>
    %mul3A_83 = arith.muli %add3A_80, %mul3A_82 : vector<16xi32>
    %and3A_84 = arith.constant 7 : i32
    %and3A_85 = vector.broadcast %and3A_84 : i32 to vector<16xi32>
    %and3A_86 = arith.andi %select_n3A_72, %and3A_85 : vector<16xi32>
    %shift_left3A_87 = arith.constant 7 : i32
    %shift_left3A_88 = vector.broadcast %shift_left3A_87 : i32 to vector<16xi32>
    %shift_left3A_89 = arith.shli %and3A_86, %shift_left3A_88 : vector<16xi32>
    %add3A_90 = arith.addi %mul3A_83, %shift_left3A_89 : vector<16xi32>
    %add3A_91 = arith.addi %add3A_90, %add3A_15 : vector<16xi32>
    %swap3A_92 = arith.constant 128 : index
    %swap3A_93 = tpu.vector_load %arg7[%swap3A_92] {strides = array<i32>} : memref<640xi32, #tpu.memory_space<vmem>>, vector<16xi32>,
    %swap3A_94 = vector.shape_cast %swap3A_93 : vector<16xi32> to vector<16xi32>
    %swap3A_95 = vector.shape_cast %add3A_91 : vector<16xi32> to vector<16xi32>
    tpu.vector_store %arg7[%swap3A_92], %swap3A_95 {strides = array<i32>} : memref<640xi32, #tpu.memory_space<vmem>>, vector<16xi32>,
    %jit3A_96 = arith.constant 1.000000e+00 : f32
    %jit3A_97 = arith.constant 0.000000e+00 : f32
    %broadcast_in_dim3A_98 = vector.broadcast %jit3A_96 : f32 to vector<16xf32>
    %broadcast_in_dim3A_99 = vector.broadcast %jit3A_97 : f32 to vector<16xf32>
    %select_n3A_100 = arith.select %and3A_66, %broadcast_in_dim3A_98, %broadcast_in_dim3A_99 : vector<16xi1>, vector<16xf32>
    %swap3A_101 = arith.constant 128 : index
    %swap3A_102 = tpu.vector_load %arg9[%swap3A_101] {strides = array<i32>} : memref<1024xf32, #tpu.memory_space<vmem>>, vector<16xf32>,
    %swap3A_103 = vector.shape_cast %swap3A_102 : vector<16xf32> to vector<16xf32>
    %swap3A_104 = vector.shape_cast %select_n3A_100 : vector<16xf32> to vector<16xf32>
    tpu.vector_store %arg9[%swap3A_101], %swap3A_104 {strides = array<i32>} : memref<1024xf32, #tpu.memory_space<vmem>>, vector<16xf32>,
    %ge3A_105 = arith.constant 0 : i32
    %ge3A_106 = vector.broadcast %ge3A_105 : i32 to vector<16xi32>
    %ge3A_107 = arith.cmpi sge, %get3A_23, %ge3A_106 : vector<16xi32>
    %ne3A_108 = arith.cmpi ne, %get3A_23, %get3A_17 : vector<16xi32>
    %and3A_109 = arith.andi %ge3A_107, %ne3A_108 : vector<16xi1>
    %ne3A_110 = arith.cmpi ne, %get3A_23, %get3A_20 : vector<16xi32>
    %and3A_111 = arith.andi %and3A_109, %ne3A_110 : vector<16xi1>
    %ge3A_112 = arith.constant 0 : i32
    %ge3A_113 = vector.broadcast %ge3A_112 : i32 to vector<16xi32>
    %ge3A_114 = arith.cmpi sge, %get3A_23, %ge3A_113 : vector<16xi32>
    %jit3A_115 = arith.constant 0 : i32
    %broadcast_in_dim3A_116 = vector.broadcast %jit3A_115 : i32 to vector<16xi32>
    %select_n3A_117 = arith.select %ge3A_114, %get3A_23, %broadcast_in_dim3A_116 : vector<16xi1>, vector<16xi32>
    %shift_right_arithmetic3A_118 = arith.constant 3 : i32
    %shift_right_arithmetic3A_119 = vector.broadcast %shift_right_arithmetic3A_118 : i32 to vector<16xi32>
    %shift_right_arithmetic3A_120 = arith.shrsi %select_n3A_117, %shift_right_arithmetic3A_119 : vector<16xi32>
    %mul3A_121 = arith.constant 32 : i32
    %mul3A_122 = vector.broadcast %mul3A_121 : i32 to vector<16xi32>
    %mul3A_123 = arith.muli %shift_right_arithmetic3A_120, %mul3A_122 : vector<16xi32>
    %add3A_124 = vector.broadcast %add3A : i32 to vector<16xi32>
    %add3A_125 = arith.addi %mul3A_123, %add3A_124 : vector<16xi32>
    %mul3A_126 = arith.constant 1024 : i32
    %mul3A_127 = vector.broadcast %mul3A_126 : i32 to vector<16xi32>
    %mul3A_128 = arith.muli %add3A_125, %mul3A_127 : vector<16xi32>
    %and3A_129 = arith.constant 7 : i32
    %and3A_130 = vector.broadcast %and3A_129 : i32 to vector<16xi32>
    %and3A_131 = arith.andi %select_n3A_117, %and3A_130 : vector<16xi32>
    %shift_left3A_132 = arith.constant 7 : i32
    %shift_left3A_133 = vector.broadcast %shift_left3A_132 : i32 to vector<16xi32>
    %shift_left3A_134 = arith.shli %and3A_131, %shift_left3A_133 : vector<16xi32>
    %add3A_135 = arith.addi %mul3A_128, %shift_left3A_134 : vector<16xi32>
    %add3A_136 = arith.addi %add3A_135, %add3A_15 : vector<16xi32>
    %swap3A_137 = arith.constant 256 : index
    %swap3A_138 = tpu.vector_load %arg7[%swap3A_137] {strides = array<i32>} : memref<640xi32, #tpu.memory_space<vmem>>, vector<16xi32>,
    %swap3A_139 = vector.shape_cast %swap3A_138 : vector<16xi32> to vector<16xi32>
    %swap3A_140 = vector.shape_cast %add3A_136 : vector<16xi32> to vector<16xi32>
    tpu.vector_store %arg7[%swap3A_137], %swap3A_140 {strides = array<i32>} : memref<640xi32, #tpu.memory_space<vmem>>, vector<16xi32>,
    %jit3A_141 = arith.constant 1.000000e+00 : f32
    %jit3A_142 = arith.constant 0.000000e+00 : f32
    %broadcast_in_dim3A_143 = vector.broadcast %jit3A_141 : f32 to vector<16xf32>
    %broadcast_in_dim3A_144 = vector.broadcast %jit3A_142 : f32 to vector<16xf32>
    %select_n3A_145 = arith.select %and3A_111, %broadcast_in_dim3A_143, %broadcast_in_dim3A_144 : vector<16xi1>, vector<16xf32>
    %swap3A_146 = arith.constant 256 : index
    %swap3A_147 = tpu.vector_load %arg9[%swap3A_146] {strides = array<i32>} : memref<1024xf32, #tpu.memory_space<vmem>>, vector<16xf32>,
    %swap3A_148 = vector.shape_cast %swap3A_147 : vector<16xf32> to vector<16xf32>
    %swap3A_149 = vector.shape_cast %select_n3A_145 : vector<16xf32> to vector<16xf32>
    tpu.vector_store %arg9[%swap3A_146], %swap3A_149 {strides = array<i32>} : memref<1024xf32, #tpu.memory_space<vmem>>, vector<16xf32>,
    %ge3A_150 = arith.constant 0 : i32
    %ge3A_151 = vector.broadcast %ge3A_150 : i32 to vector<16xi32>
    %ge3A_152 = arith.cmpi sge, %get3A_26, %ge3A_151 : vector<16xi32>
    %ne3A_153 = arith.cmpi ne, %get3A_26, %get3A_17 : vector<16xi32>
    %and3A_154 = arith.andi %ge3A_152, %ne3A_153 : vector<16xi1>
    %ne3A_155 = arith.cmpi ne, %get3A_26, %get3A_20 : vector<16xi32>
    %and3A_156 = arith.andi %and3A_154, %ne3A_155 : vector<16xi1>
    %ne3A_157 = arith.cmpi ne, %get3A_26, %get3A_23 : vector<16xi32>
    %and3A_158 = arith.andi %and3A_156, %ne3A_157 : vector<16xi1>
    %ge3A_159 = arith.constant 0 : i32
    %ge3A_160 = vector.broadcast %ge3A_159 : i32 to vector<16xi32>
    %ge3A_161 = arith.cmpi sge, %get3A_26, %ge3A_160 : vector<16xi32>
    %jit3A_162 = arith.constant 0 : i32
    %broadcast_in_dim3A_163 = vector.broadcast %jit3A_162 : i32 to vector<16xi32>
    %select_n3A_164 = arith.select %ge3A_161, %get3A_26, %broadcast_in_dim3A_163 : vector<16xi1>, vector<16xi32>
    %shift_right_arithmetic3A_165 = arith.constant 3 : i32
    %shift_right_arithmetic3A_166 = vector.broadcast %shift_right_arithmetic3A_165 : i32 to vector<16xi32>
    %shift_right_arithmetic3A_167 = arith.shrsi %select_n3A_164, %shift_right_arithmetic3A_166 : vector<16xi32>
    %mul3A_168 = arith.constant 32 : i32
    %mul3A_169 = vector.broadcast %mul3A_168 : i32 to vector<16xi32>
    %mul3A_170 = arith.muli %shift_right_arithmetic3A_167, %mul3A_169 : vector<16xi32>
    %add3A_171 = vector.broadcast %add3A : i32 to vector<16xi32>
    %add3A_172 = arith.addi %mul3A_170, %add3A_171 : vector<16xi32>
    %mul3A_173 = arith.constant 1024 : i32
    %mul3A_174 = vector.broadcast %mul3A_173 : i32 to vector<16xi32>
    %mul3A_175 = arith.muli %add3A_172, %mul3A_174 : vector<16xi32>
    %and3A_176 = arith.constant 7 : i32
    %and3A_177 = vector.broadcast %and3A_176 : i32 to vector<16xi32>
    %and3A_178 = arith.andi %select_n3A_164, %and3A_177 : vector<16xi32>
    %shift_left3A_179 = arith.constant 7 : i32
    %shift_left3A_180 = vector.broadcast %shift_left3A_179 : i32 to vector<16xi32>
    %shift_left3A_181 = arith.shli %and3A_178, %shift_left3A_180 : vector<16xi32>
    %add3A_182 = arith.addi %mul3A_175, %shift_left3A_181 : vector<16xi32>
    %add3A_183 = arith.addi %add3A_182, %add3A_15 : vector<16xi32>
    %swap3A_184 = arith.constant 384 : index
    %swap3A_185 = tpu.vector_load %arg7[%swap3A_184] {strides = array<i32>} : memref<640xi32, #tpu.memory_space<vmem>>, vector<16xi32>,
    %swap3A_186 = vector.shape_cast %swap3A_185 : vector<16xi32> to vector<16xi32>
    %swap3A_187 = vector.shape_cast %add3A_183 : vector<16xi32> to vector<16xi32>
    tpu.vector_store %arg7[%swap3A_184], %swap3A_187 {strides = array<i32>} : memref<640xi32, #tpu.memory_space<vmem>>, vector<16xi32>,
    %jit3A_188 = arith.constant 1.000000e+00 : f32
    %jit3A_189 = arith.constant 0.000000e+00 : f32
    %broadcast_in_dim3A_190 = vector.broadcast %jit3A_188 : f32 to vector<16xf32>
    %broadcast_in_dim3A_191 = vector.broadcast %jit3A_189 : f32 to vector<16xf32>
    %select_n3A_192 = arith.select %and3A_158, %broadcast_in_dim3A_190, %broadcast_in_dim3A_191 : vector<16xi1>, vector<16xf32>
    %swap3A_193 = arith.constant 384 : index
    %swap3A_194 = tpu.vector_load %arg9[%swap3A_193] {strides = array<i32>} : memref<1024xf32, #tpu.memory_space<vmem>>, vector<16xf32>,
    %swap3A_195 = vector.shape_cast %swap3A_194 : vector<16xf32> to vector<16xf32>
    %swap3A_196 = vector.shape_cast %select_n3A_192 : vector<16xf32> to vector<16xf32>
    tpu.vector_store %arg9[%swap3A_193], %swap3A_196 {strides = array<i32>} : memref<1024xf32, #tpu.memory_space<vmem>>, vector<16xf32>,
    %ge3A_197 = arith.constant 0 : i32
    %ge3A_198 = vector.broadcast %ge3A_197 : i32 to vector<16xi32>
    %ge3A_199 = arith.cmpi sge, %get3A_29, %ge3A_198 : vector<16xi32>
    %ne3A_200 = arith.cmpi ne, %get3A_29, %get3A_17 : vector<16xi32>
    %and3A_201 = arith.andi %ge3A_199, %ne3A_200 : vector<16xi1>
    %ne3A_202 = arith.cmpi ne, %get3A_29, %get3A_20 : vector<16xi32>
    %and3A_203 = arith.andi %and3A_201, %ne3A_202 : vector<16xi1>
    %ne3A_204 = arith.cmpi ne, %get3A_29, %get3A_23 : vector<16xi32>
    %and3A_205 = arith.andi %and3A_203, %ne3A_204 : vector<16xi1>
    %ne3A_206 = arith.cmpi ne, %get3A_29, %get3A_26 : vector<16xi32>
    %and3A_207 = arith.andi %and3A_205, %ne3A_206 : vector<16xi1>
    %ge3A_208 = arith.constant 0 : i32
    %ge3A_209 = vector.broadcast %ge3A_208 : i32 to vector<16xi32>
    %ge3A_210 = arith.cmpi sge, %get3A_29, %ge3A_209 : vector<16xi32>
    %jit3A_211 = arith.constant 0 : i32
    %broadcast_in_dim3A_212 = vector.broadcast %jit3A_211 : i32 to vector<16xi32>
    %select_n3A_213 = arith.select %ge3A_210, %get3A_29, %broadcast_in_dim3A_212 : vector<16xi1>, vector<16xi32>
    %shift_right_arithmetic3A_214 = arith.constant 3 : i32
    %shift_right_arithmetic3A_215 = vector.broadcast %shift_right_arithmetic3A_214 : i32 to vector<16xi32>
    %shift_right_arithmetic3A_216 = arith.shrsi %select_n3A_213, %shift_right_arithmetic3A_215 : vector<16xi32>
    %mul3A_217 = arith.constant 32 : i32
    %mul3A_218 = vector.broadcast %mul3A_217 : i32 to vector<16xi32>
    %mul3A_219 = arith.muli %shift_right_arithmetic3A_216, %mul3A_218 : vector<16xi32>
    %add3A_220 = vector.broadcast %add3A : i32 to vector<16xi32>
    %add3A_221 = arith.addi %mul3A_219, %add3A_220 : vector<16xi32>
    %mul3A_222 = arith.constant 1024 : i32
    %mul3A_223 = vector.broadcast %mul3A_222 : i32 to vector<16xi32>
    %mul3A_224 = arith.muli %add3A_221, %mul3A_223 : vector<16xi32>
    %and3A_225 = arith.constant 7 : i32
    %and3A_226 = vector.broadcast %and3A_225 : i32 to vector<16xi32>
    %and3A_227 = arith.andi %select_n3A_213, %and3A_226 : vector<16xi32>
    %shift_left3A_228 = arith.constant 7 : i32
    %shift_left3A_229 = vector.broadcast %shift_left3A_228 : i32 to vector<16xi32>
    %shift_left3A_230 = arith.shli %and3A_227, %shift_left3A_229 : vector<16xi32>
    %add3A_231 = arith.addi %mul3A_224, %shift_left3A_230 : vector<16xi32>
    %add3A_232 = arith.addi %add3A_231, %add3A_15 : vector<16xi32>
    %swap3A_233 = arith.constant 512 : index
    %swap3A_234 = tpu.vector_load %arg7[%swap3A_233] {strides = array<i32>} : memref<640xi32, #tpu.memory_space<vmem>>, vector<16xi32>,
    %swap3A_235 = vector.shape_cast %swap3A_234 : vector<16xi32> to vector<16xi32>
    %swap3A_236 = vector.shape_cast %add3A_232 : vector<16xi32> to vector<16xi32>
    tpu.vector_store %arg7[%swap3A_233], %swap3A_236 {strides = array<i32>} : memref<640xi32, #tpu.memory_space<vmem>>, vector<16xi32>,
    %jit3A_237 = arith.constant 1.000000e+00 : f32
    %jit3A_238 = arith.constant 0.000000e+00 : f32
    %broadcast_in_dim3A_239 = vector.broadcast %jit3A_237 : f32 to vector<16xf32>
    %broadcast_in_dim3A_240 = vector.broadcast %jit3A_238 : f32 to vector<16xf32>
    %select_n3A_241 = arith.select %and3A_207, %broadcast_in_dim3A_239, %broadcast_in_dim3A_240 : vector<16xi1>, vector<16xf32>
    %swap3A_242 = arith.constant 512 : index
    %swap3A_243 = tpu.vector_load %arg9[%swap3A_242] {strides = array<i32>} : memref<1024xf32, #tpu.memory_space<vmem>>, vector<16xf32>,
    %swap3A_244 = vector.shape_cast %swap3A_243 : vector<16xf32> to vector<16xf32>
    %swap3A_245 = vector.shape_cast %select_n3A_241 : vector<16xf32> to vector<16xf32>
    tpu.vector_store %arg9[%swap3A_242], %swap3A_245 {strides = array<i32>} : memref<1024xf32, #tpu.memory_space<vmem>>, vector<16xf32>,
    %broadcast_in_dim3A_246 = arith.constant 0.000000e+00 : f32
    %broadcast_in_dim3A_247 = vector.broadcast %broadcast_in_dim3A_246 : f32 to vector<16xf32>
    %swap3A_248 = arith.constant 640 : index
    %swap3A_249 = tpu.vector_load %arg9[%swap3A_248] {strides = array<i32>} : memref<1024xf32, #tpu.memory_space<vmem>>, vector<16xf32>,
    %swap3A_250 = vector.shape_cast %swap3A_249 : vector<16xf32> to vector<16xf32>
    %swap3A_251 = vector.shape_cast %broadcast_in_dim3A_247 : vector<16xf32> to vector<16xf32>
    tpu.vector_store %arg9[%swap3A_248], %swap3A_251 {strides = array<i32>} : memref<1024xf32, #tpu.memory_space<vmem>>, vector<16xf32>,
    %broadcast_in_dim3A_252 = arith.constant 0.000000e+00 : f32
    %broadcast_in_dim3A_253 = vector.broadcast %broadcast_in_dim3A_252 : f32 to vector<16xf32>
    %swap3A_254 = arith.constant 640 : index
    %swap3A_255 = tpu.vector_load %arg8[%swap3A_254] {strides = array<i32>} : memref<1024xf32, #tpu.memory_space<vmem>>, vector<16xf32>,
    %swap3A_256 = vector.shape_cast %swap3A_255 : vector<16xf32> to vector<16xf32>
    %swap3A_257 = vector.shape_cast %broadcast_in_dim3A_253 : vector<16xf32> to vector<16xf32>
    tpu.vector_store %arg8[%swap3A_254], %swap3A_257 {strides = array<i32>} : memref<1024xf32, #tpu.memory_space<vmem>>, vector<16xf32>,
    %broadcast_in_dim3A_258 = arith.constant 0.000000e+00 : f32
    %broadcast_in_dim3A_259 = vector.broadcast %broadcast_in_dim3A_258 : f32 to vector<16xf32>
    %swap3A_260 = arith.constant 768 : index
    %swap3A_261 = tpu.vector_load %arg9[%swap3A_260] {strides = array<i32>} : memref<1024xf32, #tpu.memory_space<vmem>>, vector<16xf32>,
    %swap3A_262 = vector.shape_cast %swap3A_261 : vector<16xf32> to vector<16xf32>
    %swap3A_263 = vector.shape_cast %broadcast_in_dim3A_259 : vector<16xf32> to vector<16xf32>
    tpu.vector_store %arg9[%swap3A_260], %swap3A_263 {strides = array<i32>} : memref<1024xf32, #tpu.memory_space<vmem>>, vector<16xf32>,
    %broadcast_in_dim3A_264 = arith.constant 0.000000e+00 : f32
    %broadcast_in_dim3A_265 = vector.broadcast %broadcast_in_dim3A_264 : f32 to vector<16xf32>
    %swap3A_266 = arith.constant 768 : index
    %swap3A_267 = tpu.vector_load %arg8[%swap3A_266] {strides = array<i32>} : memref<1024xf32, #tpu.memory_space<vmem>>, vector<16xf32>,
    %swap3A_268 = vector.shape_cast %swap3A_267 : vector<16xf32> to vector<16xf32>
    %swap3A_269 = vector.shape_cast %broadcast_in_dim3A_265 : vector<16xf32> to vector<16xf32>
    tpu.vector_store %arg8[%swap3A_266], %swap3A_269 {strides = array<i32>} : memref<1024xf32, #tpu.memory_space<vmem>>, vector<16xf32>,
    %broadcast_in_dim3A_270 = arith.constant 0.000000e+00 : f32
    %broadcast_in_dim3A_271 = vector.broadcast %broadcast_in_dim3A_270 : f32 to vector<16xf32>
    %swap3A_272 = arith.constant 896 : index
    %swap3A_273 = tpu.vector_load %arg9[%swap3A_272] {strides = array<i32>} : memref<1024xf32, #tpu.memory_space<vmem>>, vector<16xf32>,
    %swap3A_274 = vector.shape_cast %swap3A_273 : vector<16xf32> to vector<16xf32>
    %swap3A_275 = vector.shape_cast %broadcast_in_dim3A_271 : vector<16xf32> to vector<16xf32>
    tpu.vector_store %arg9[%swap3A_272], %swap3A_275 {strides = array<i32>} : memref<1024xf32, #tpu.memory_space<vmem>>, vector<16xf32>,
    %broadcast_in_dim3A_276 = arith.constant 0.000000e+00 : f32
    %broadcast_in_dim3A_277 = vector.broadcast %broadcast_in_dim3A_276 : f32 to vector<16xf32>
    %swap3A_278 = arith.constant 896 : index
    %swap3A_279 = tpu.vector_load %arg8[%swap3A_278] {strides = array<i32>} : memref<1024xf32, #tpu.memory_space<vmem>>, vector<16xf32>,
    %swap3A_280 = vector.shape_cast %swap3A_279 : vector<16xf32> to vector<16xf32>
    %swap3A_281 = vector.shape_cast %broadcast_in_dim3A_277 : vector<16xf32> to vector<16xf32>
    tpu.vector_store %arg8[%swap3A_278], %swap3A_281 {strides = array<i32>} : memref<1024xf32, #tpu.memory_space<vmem>>, vector<16xf32>,
    %iota3A_282 = tpu.iota {dimensions = array<i32: 0>} : vector<16xi32>
    %add3A_283 = arith.constant 16 : i32
    %add3A_284 = vector.broadcast %add3A_283 : i32 to vector<16xi32>
    %add3A_285 = arith.addi %iota3A_282, %add3A_284 : vector<16xi32>
    %get3A_286 = arith.constant 16 : index
    %get3A_287 = tpu.vector_load %arg6[%get3A_286] {strides = array<i32>} : memref<640xi32, #tpu.memory_space<vmem>>, vector<16xi32>,
    %get3A_288 = vector.shape_cast %get3A_287 : vector<16xi32> to vector<16xi32>
    %get3A_289 = arith.constant 144 : index
    %get3A_290 = tpu.vector_load %arg6[%get3A_289] {strides = array<i32>} : memref<640xi32, #tpu.memory_space<vmem>>, vector<16xi32>,
    %get3A_291 = vector.shape_cast %get3A_290 : vector<16xi32> to vector<16xi32>
    %get3A_292 = arith.constant 272 : index
    %get3A_293 = tpu.vector_load %arg6[%get3A_292] {strides = array<i32>} : memref<640xi32, #tpu.memory_space<vmem>>, vector<16xi32>,
    %get3A_294 = vector.shape_cast %get3A_293 : vector<16xi32> to vector<16xi32>
    %get3A_295 = arith.constant 400 : index
    %get3A_296 = tpu.vector_load %arg6[%get3A_295] {strides = array<i32>} : memref<640xi32, #tpu.memory_space<vmem>>, vector<16xi32>,
    %get3A_297 = vector.shape_cast %get3A_296 : vector<16xi32> to vector<16xi32>
    %get3A_298 = arith.constant 528 : index
    %get3A_299 = tpu.vector_load %arg6[%get3A_298] {strides = array<i32>} : memref<640xi32, #tpu.memory_space<vmem>>, vector<16xi32>,
    %get3A_300 = vector.shape_cast %get3A_299 : vector<16xi32> to vector<16xi32>
    %ge3A_301 = arith.constant 0 : i32
    %ge3A_302 = vector.broadcast %ge3A_301 : i32 to vector<16xi32>
    %ge3A_303 = arith.cmpi sge, %get3A_288, %ge3A_302 : vector<16xi32>
    %ge3A_304 = arith.constant 0 : i32
    %ge3A_305 = vector.broadcast %ge3A_304 : i32 to vector<16xi32>
    %ge3A_306 = arith.cmpi sge, %get3A_288, %ge3A_305 : vector<16xi32>
    %jit3A_307 = arith.constant 0 : i32
    %broadcast_in_dim3A_308 = vector.broadcast %jit3A_307 : i32 to vector<16xi32>
    %select_n3A_309 = arith.select %ge3A_306, %get3A_288, %broadcast_in_dim3A_308 : vector<16xi1>, vector<16xi32>
    %shift_right_arithmetic3A_310 = arith.constant 3 : i32
    %shift_right_arithmetic3A_311 = vector.broadcast %shift_right_arithmetic3A_310 : i32 to vector<16xi32>
    %shift_right_arithmetic3A_312 = arith.shrsi %select_n3A_309, %shift_right_arithmetic3A_311 : vector<16xi32>
    %mul3A_313 = arith.constant 32 : i32
    %mul3A_314 = vector.broadcast %mul3A_313 : i32 to vector<16xi32>
    %mul3A_315 = arith.muli %shift_right_arithmetic3A_312, %mul3A_314 : vector<16xi32>
    %add3A_316 = vector.broadcast %add3A : i32 to vector<16xi32>
    %add3A_317 = arith.addi %mul3A_315, %add3A_316 : vector<16xi32>
    %mul3A_318 = arith.constant 1024 : i32
    %mul3A_319 = vector.broadcast %mul3A_318 : i32 to vector<16xi32>
    %mul3A_320 = arith.muli %add3A_317, %mul3A_319 : vector<16xi32>
    %and3A_321 = arith.constant 7 : i32
    %and3A_322 = vector.broadcast %and3A_321 : i32 to vector<16xi32>
    %and3A_323 = arith.andi %select_n3A_309, %and3A_322 : vector<16xi32>
    %shift_left3A_324 = arith.constant 7 : i32
    %shift_left3A_325 = vector.broadcast %shift_left3A_324 : i32 to vector<16xi32>
    %shift_left3A_326 = arith.shli %and3A_323, %shift_left3A_325 : vector<16xi32>
    %add3A_327 = arith.addi %mul3A_320, %shift_left3A_326 : vector<16xi32>
    %add3A_328 = arith.addi %add3A_327, %add3A_285 : vector<16xi32>
    %swap3A_329 = arith.constant 16 : index
    %swap3A_330 = tpu.vector_load %arg7[%swap3A_329] {strides = array<i32>} : memref<640xi32, #tpu.memory_space<vmem>>, vector<16xi32>,
    %swap3A_331 = vector.shape_cast %swap3A_330 : vector<16xi32> to vector<16xi32>
    %swap3A_332 = vector.shape_cast %add3A_328 : vector<16xi32> to vector<16xi32>
    tpu.vector_store %arg7[%swap3A_329], %swap3A_332 {strides = array<i32>} : memref<640xi32, #tpu.memory_space<vmem>>, vector<16xi32>,
    %jit3A_333 = arith.constant 1.000000e+00 : f32
    %jit3A_334 = arith.constant 0.000000e+00 : f32
    %broadcast_in_dim3A_335 = vector.broadcast %jit3A_333 : f32 to vector<16xf32>
    %broadcast_in_dim3A_336 = vector.broadcast %jit3A_334 : f32 to vector<16xf32>
    %select_n3A_337 = arith.select %ge3A_303, %broadcast_in_dim3A_335, %broadcast_in_dim3A_336 : vector<16xi1>, vector<16xf32>
    %swap3A_338 = arith.constant 16 : index
    %swap3A_339 = tpu.vector_load %arg9[%swap3A_338] {strides = array<i32>} : memref<1024xf32, #tpu.memory_space<vmem>>, vector<16xf32>,
    %swap3A_340 = vector.shape_cast %swap3A_339 : vector<16xf32> to vector<16xf32>
    %swap3A_341 = vector.shape_cast %select_n3A_337 : vector<16xf32> to vector<16xf32>
    tpu.vector_store %arg9[%swap3A_338], %swap3A_341 {strides = array<i32>} : memref<1024xf32, #tpu.memory_space<vmem>>, vector<16xf32>,
    %ge3A_342 = arith.constant 0 : i32
    %ge3A_343 = vector.broadcast %ge3A_342 : i32 to vector<16xi32>
    %ge3A_344 = arith.cmpi sge, %get3A_291, %ge3A_343 : vector<16xi32>
    %ne3A_345 = arith.cmpi ne, %get3A_291, %get3A_288 : vector<16xi32>
    %and3A_346 = arith.andi %ge3A_344, %ne3A_345 : vector<16xi1>
    %ge3A_347 = arith.constant 0 : i32
    %ge3A_348 = vector.broadcast %ge3A_347 : i32 to vector<16xi32>
    %ge3A_349 = arith.cmpi sge, %get3A_291, %ge3A_348 : vector<16xi32>
    %jit3A_350 = arith.constant 0 : i32
    %broadcast_in_dim3A_351 = vector.broadcast %jit3A_350 : i32 to vector<16xi32>
    %select_n3A_352 = arith.select %ge3A_349, %get3A_291, %broadcast_in_dim3A_351 : vector<16xi1>, vector<16xi32>
    %shift_right_arithmetic3A_353 = arith.constant 3 : i32
    %shift_right_arithmetic3A_354 = vector.broadcast %shift_right_arithmetic3A_353 : i32 to vector<16xi32>
    %shift_right_arithmetic3A_355 = arith.shrsi %select_n3A_352, %shift_right_arithmetic3A_354 : vector<16xi32>
    %mul3A_356 = arith.constant 32 : i32
    %mul3A_357 = vector.broadcast %mul3A_356 : i32 to vector<16xi32>
    %mul3A_358 = arith.muli %shift_right_arithmetic3A_355, %mul3A_357 : vector<16xi32>
    %add3A_359 = vector.broadcast %add3A : i32 to vector<16xi32>
    %add3A_360 = arith.addi %mul3A_358, %add3A_359 : vector<16xi32>
    %mul3A_361 = arith.constant 1024 : i32
    %mul3A_362 = vector.broadcast %mul3A_361 : i32 to vector<16xi32>
    %mul3A_363 = arith.muli %add3A_360, %mul3A_362 : vector<16xi32>
    %and3A_364 = arith.constant 7 : i32
    %and3A_365 = vector.broadcast %and3A_364 : i32 to vector<16xi32>
    %and3A_366 = arith.andi %select_n3A_352, %and3A_365 : vector<16xi32>
    %shift_left3A_367 = arith.constant 7 : i32
    %shift_left3A_368 = vector.broadcast %shift_left3A_367 : i32 to vector<16xi32>
    %shift_left3A_369 = arith.shli %and3A_366, %shift_left3A_368 : vector<16xi32>
    %add3A_370 = arith.addi %mul3A_363, %shift_left3A_369 : vector<16xi32>
    %add3A_371 = arith.addi %add3A_370, %add3A_285 : vector<16xi32>
    %swap3A_372 = arith.constant 144 : index
    %swap3A_373 = tpu.vector_load %arg7[%swap3A_372] {strides = array<i32>} : memref<640xi32, #tpu.memory_space<vmem>>, vector<16xi32>,
    %swap3A_374 = vector.shape_cast %swap3A_373 : vector<16xi32> to vector<16xi32>
    %swap3A_375 = vector.shape_cast %add3A_371 : vector<16xi32> to vector<16xi32>
    tpu.vector_store %arg7[%swap3A_372], %swap3A_375 {strides = array<i32>} : memref<640xi32, #tpu.memory_space<vmem>>, vector<16xi32>,
    %jit3A_376 = arith.constant 1.000000e+00 : f32
    %jit3A_377 = arith.constant 0.000000e+00 : f32
    %broadcast_in_dim3A_378 = vector.broadcast %jit3A_376 : f32 to vector<16xf32>
    %broadcast_in_dim3A_379 = vector.broadcast %jit3A_377 : f32 to vector<16xf32>
    %select_n3A_380 = arith.select %and3A_346, %broadcast_in_dim3A_378, %broadcast_in_dim3A_379 : vector<16xi1>, vector<16xf32>
    %swap3A_381 = arith.constant 144 : index
    %swap3A_382 = tpu.vector_load %arg9[%swap3A_381] {strides = array<i32>} : memref<1024xf32, #tpu.memory_space<vmem>>, vector<16xf32>,
    %swap3A_383 = vector.shape_cast %swap3A_382 : vector<16xf32> to vector<16xf32>
    %swap3A_384 = vector.shape_cast %select_n3A_380 : vector<16xf32> to vector<16xf32>
    tpu.vector_store %arg9[%swap3A_381], %swap3A_384 {strides = array<i32>} : memref<1024xf32, #tpu.memory_space<vmem>>, vector<16xf32>,
    %ge3A_385 = arith.constant 0 : i32
    %ge3A_386 = vector.broadcast %ge3A_385 : i32 to vector<16xi32>
    %ge3A_387 = arith.cmpi sge, %get3A_294, %ge3A_386 : vector<16xi32>
    %ne3A_388 = arith.cmpi ne, %get3A_294, %get3A_288 : vector<16xi32>
    %and3A_389 = arith.andi %ge3A_387, %ne3A_388 : vector<16xi1>
    %ne3A_390 = arith.cmpi ne, %get3A_294, %get3A_291 : vector<16xi32>
    %and3A_391 = arith.andi %and3A_389, %ne3A_390 : vector<16xi1>
    %ge3A_392 = arith.constant 0 : i32
    %ge3A_393 = vector.broadcast %ge3A_392 : i32 to vector<16xi32>
    %ge3A_394 = arith.cmpi sge, %get3A_294, %ge3A_393 : vector<16xi32>
    %jit3A_395 = arith.constant 0 : i32
    %broadcast_in_dim3A_396 = vector.broadcast %jit3A_395 : i32 to vector<16xi32>
    %select_n3A_397 = arith.select %ge3A_394, %get3A_294, %broadcast_in_dim3A_396 : vector<16xi1>, vector<16xi32>
    %shift_right_arithmetic3A_398 = arith.constant 3 : i32
    %shift_right_arithmetic3A_399 = vector.broadcast %shift_right_arithmetic3A_398 : i32 to vector<16xi32>
    %shift_right_arithmetic3A_400 = arith.shrsi %select_n3A_397, %shift_right_arithmetic3A_399 : vector<16xi32>
    %mul3A_401 = arith.constant 32 : i32
    %mul3A_402 = vector.broadcast %mul3A_401 : i32 to vector<16xi32>
    %mul3A_403 = arith.muli %shift_right_arithmetic3A_400, %mul3A_402 : vector<16xi32>
    %add3A_404 = vector.broadcast %add3A : i32 to vector<16xi32>
    %add3A_405 = arith.addi %mul3A_403, %add3A_404 : vector<16xi32>
    %mul3A_406 = arith.constant 1024 : i32
    %mul3A_407 = vector.broadcast %mul3A_406 : i32 to vector<16xi32>
    %mul3A_408 = arith.muli %add3A_405, %mul3A_407 : vector<16xi32>
    %and3A_409 = arith.constant 7 : i32
    %and3A_410 = vector.broadcast %and3A_409 : i32 to vector<16xi32>
    %and3A_411 = arith.andi %select_n3A_397, %and3A_410 : vector<16xi32>
    %shift_left3A_412 = arith.constant 7 : i32
    %shift_left3A_413 = vector.broadcast %shift_left3A_412 : i32 to vector<16xi32>
    %shift_left3A_414 = arith.shli %and3A_411, %shift_left3A_413 : vector<16xi32>
    %add3A_415 = arith.addi %mul3A_408, %shift_left3A_414 : vector<16xi32>
    %add3A_416 = arith.addi %add3A_415, %add3A_285 : vector<16xi32>
    %swap3A_417 = arith.constant 272 : index
    %swap3A_418 = tpu.vector_load %arg7[%swap3A_417] {strides = array<i32>} : memref<640xi32, #tpu.memory_space<vmem>>, vector<16xi32>,
    %swap3A_419 = vector.shape_cast %swap3A_418 : vector<16xi32> to vector<16xi32>
    %swap3A_420 = vector.shape_cast %add3A_416 : vector<16xi32> to vector<16xi32>
    tpu.vector_store %arg7[%swap3A_417], %swap3A_420 {strides = array<i32>} : memref<640xi32, #tpu.memory_space<vmem>>, vector<16xi32>,
    %jit3A_421 = arith.constant 1.000000e+00 : f32
    %jit3A_422 = arith.constant 0.000000e+00 : f32
    %broadcast_in_dim3A_423 = vector.broadcast %jit3A_421 : f32 to vector<16xf32>
    %broadcast_in_dim3A_424 = vector.broadcast %jit3A_422 : f32 to vector<16xf32>
    %select_n3A_425 = arith.select %and3A_391, %broadcast_in_dim3A_423, %broadcast_in_dim3A_424 : vector<16xi1>, vector<16xf32>
    %swap3A_426 = arith.constant 272 : index
    %swap3A_427 = tpu.vector_load %arg9[%swap3A_426] {strides = array<i32>} : memref<1024xf32, #tpu.memory_space<vmem>>, vector<16xf32>,
    %swap3A_428 = vector.shape_cast %swap3A_427 : vector<16xf32> to vector<16xf32>
    %swap3A_429 = vector.shape_cast %select_n3A_425 : vector<16xf32> to vector<16xf32>
    tpu.vector_store %arg9[%swap3A_426], %swap3A_429 {strides = array<i32>} : memref<1024xf32, #tpu.memory_space<vmem>>, vector<16xf32>,
    %ge3A_430 = arith.constant 0 : i32
    %ge3A_431 = vector.broadcast %ge3A_430 : i32 to vector<16xi32>
    %ge3A_432 = arith.cmpi sge, %get3A_297, %ge3A_431 : vector<16xi32>
    %ne3A_433 = arith.cmpi ne, %get3A_297, %get3A_288 : vector<16xi32>
    %and3A_434 = arith.andi %ge3A_432, %ne3A_433 : vector<16xi1>
    %ne3A_435 = arith.cmpi ne, %get3A_297, %get3A_291 : vector<16xi32>
    %and3A_436 = arith.andi %and3A_434, %ne3A_435 : vector<16xi1>
    %ne3A_437 = arith.cmpi ne, %get3A_297, %get3A_294 : vector<16xi32>
    %and3A_438 = arith.andi %and3A_436, %ne3A_437 : vector<16xi1>
    %ge3A_439 = arith.constant 0 : i32
    %ge3A_440 = vector.broadcast %ge3A_439 : i32 to vector<16xi32>
    %ge3A_441 = arith.cmpi sge, %get3A_297, %ge3A_440 : vector<16xi32>
    %jit3A_442 = arith.constant 0 : i32
    %broadcast_in_dim3A_443 = vector.broadcast %jit3A_442 : i32 to vector<16xi32>
    %select_n3A_444 = arith.select %ge3A_441, %get3A_297, %broadcast_in_dim3A_443 : vector<16xi1>, vector<16xi32>
    %shift_right_arithmetic3A_445 = arith.constant 3 : i32
    %shift_right_arithmetic3A_446 = vector.broadcast %shift_right_arithmetic3A_445 : i32 to vector<16xi32>
    %shift_right_arithmetic3A_447 = arith.shrsi %select_n3A_444, %shift_right_arithmetic3A_446 : vector<16xi32>
    %mul3A_448 = arith.constant 32 : i32
    %mul3A_449 = vector.broadcast %mul3A_448 : i32 to vector<16xi32>
    %mul3A_450 = arith.muli %shift_right_arithmetic3A_447, %mul3A_449 : vector<16xi32>
    %add3A_451 = vector.broadcast %add3A : i32 to vector<16xi32>
    %add3A_452 = arith.addi %mul3A_450, %add3A_451 : vector<16xi32>
    %mul3A_453 = arith.constant 1024 : i32
    %mul3A_454 = vector.broadcast %mul3A_453 : i32 to vector<16xi32>
    %mul3A_455 = arith.muli %add3A_452, %mul3A_454 : vector<16xi32>
    %and3A_456 = arith.constant 7 : i32
    %and3A_457 = vector.broadcast %and3A_456 : i32 to vector<16xi32>
    %and3A_458 = arith.andi %select_n3A_444, %and3A_457 : vector<16xi32>
    %shift_left3A_459 = arith.constant 7 : i32
    %shift_left3A_460 = vector.broadcast %shift_left3A_459 : i32 to vector<16xi32>
    %shift_left3A_461 = arith.shli %and3A_458, %shift_left3A_460 : vector<16xi32>
    %add3A_462 = arith.addi %mul3A_455, %shift_left3A_461 : vector<16xi32>
    %add3A_463 = arith.addi %add3A_462, %add3A_285 : vector<16xi32>
    %swap3A_464 = arith.constant 400 : index
    %swap3A_465 = tpu.vector_load %arg7[%swap3A_464] {strides = array<i32>} : memref<640xi32, #tpu.memory_space<vmem>>, vector<16xi32>,
    %swap3A_466 = vector.shape_cast %swap3A_465 : vector<16xi32> to vector<16xi32>
    %swap3A_467 = vector.shape_cast %add3A_463 : vector<16xi32> to vector<16xi32>
    tpu.vector_store %arg7[%swap3A_464], %swap3A_467 {strides = array<i32>} : memref<640xi32, #tpu.memory_space<vmem>>, vector<16xi32>,
    %jit3A_468 = arith.constant 1.000000e+00 : f32
    %jit3A_469 = arith.constant 0.000000e+00 : f32
    %broadcast_in_dim3A_470 = vector.broadcast %jit3A_468 : f32 to vector<16xf32>
    %broadcast_in_dim3A_471 = vector.broadcast %jit3A_469 : f32 to vector<16xf32>
    %select_n3A_472 = arith.select %and3A_438, %broadcast_in_dim3A_470, %broadcast_in_dim3A_471 : vector<16xi1>, vector<16xf32>
    %swap3A_473 = arith.constant 400 : index
    %swap3A_474 = tpu.vector_load %arg9[%swap3A_473] {strides = array<i32>} : memref<1024xf32, #tpu.memory_space<vmem>>, vector<16xf32>,
    %swap3A_475 = vector.shape_cast %swap3A_474 : vector<16xf32> to vector<16xf32>
    %swap3A_476 = vector.shape_cast %select_n3A_472 : vector<16xf32> to vector<16xf32>
    tpu.vector_store %arg9[%swap3A_473], %swap3A_476 {strides = array<i32>} : memref<1024xf32, #tpu.memory_space<vmem>>, vector<16xf32>,
    %ge3A_477 = arith.constant 0 : i32
    %ge3A_478 = vector.broadcast %ge3A_477 : i32 to vector<16xi32>
    %ge3A_479 = arith.cmpi sge, %get3A_300, %ge3A_478 : vector<16xi32>
    %ne3A_480 = arith.cmpi ne, %get3A_300, %get3A_288 : vector<16xi32>
    %and3A_481 = arith.andi %ge3A_479, %ne3A_480 : vector<16xi1>
    %ne3A_482 = arith.cmpi ne, %get3A_300, %get3A_291 : vector<16xi32>
    %and3A_483 = arith.andi %and3A_481, %ne3A_482 : vector<16xi1>
    %ne3A_484 = arith.cmpi ne, %get3A_300, %get3A_294 : vector<16xi32>
    %and3A_485 = arith.andi %and3A_483, %ne3A_484 : vector<16xi1>
    %ne3A_486 = arith.cmpi ne, %get3A_300, %get3A_297 : vector<16xi32>
    %and3A_487 = arith.andi %and3A_485, %ne3A_486 : vector<16xi1>
    %ge3A_488 = arith.constant 0 : i32
    %ge3A_489 = vector.broadcast %ge3A_488 : i32 to vector<16xi32>
    %ge3A_490 = arith.cmpi sge, %get3A_300, %ge3A_489 : vector<16xi32>
    %jit3A_491 = arith.constant 0 : i32
    %broadcast_in_dim3A_492 = vector.broadcast %jit3A_491 : i32 to vector<16xi32>
    %select_n3A_493 = arith.select %ge3A_490, %get3A_300, %broadcast_in_dim3A_492 : vector<16xi1>, vector<16xi32>
    %shift_right_arithmetic3A_494 = arith.constant 3 : i32
    %shift_right_arithmetic3A_495 = vector.broadcast %shift_right_arithmetic3A_494 : i32 to vector<16xi32>
    %shift_right_arithmetic3A_496 = arith.shrsi %select_n3A_493, %shift_right_arithmetic3A_495 : vector<16xi32>
    %mul3A_497 = arith.constant 32 : i32
    %mul3A_498 = vector.broadcast %mul3A_497 : i32 to vector<16xi32>
    %mul3A_499 = arith.muli %shift_right_arithmetic3A_496, %mul3A_498 : vector<16xi32>
    %add3A_500 = vector.broadcast %add3A : i32 to vector<16xi32>
    %add3A_501 = arith.addi %mul3A_499, %add3A_500 : vector<16xi32>
    %mul3A_502 = arith.constant 1024 : i32
    %mul3A_503 = vector.broadcast %mul3A_502 : i32 to vector<16xi32>
    %mul3A_504 = arith.muli %add3A_501, %mul3A_503 : vector<16xi32>
    %and3A_505 = arith.constant 7 : i32
    %and3A_506 = vector.broadcast %and3A_505 : i32 to vector<16xi32>
    %and3A_507 = arith.andi %select_n3A_493, %and3A_506 : vector<16xi32>
    %shift_left3A_508 = arith.constant 7 : i32
    %shift_left3A_509 = vector.broadcast %shift_left3A_508 : i32 to vector<16xi32>
    %shift_left3A_510 = arith.shli %and3A_507, %shift_left3A_509 : vector<16xi32>
    %add3A_511 = arith.addi %mul3A_504, %shift_left3A_510 : vector<16xi32>
    %add3A_512 = arith.addi %add3A_511, %add3A_285 : vector<16xi32>
    %swap3A_513 = arith.constant 528 : index
    %swap3A_514 = tpu.vector_load %arg7[%swap3A_513] {strides = array<i32>} : memref<640xi32, #tpu.memory_space<vmem>>, vector<16xi32>,
    %swap3A_515 = vector.shape_cast %swap3A_514 : vector<16xi32> to vector<16xi32>
    %swap3A_516 = vector.shape_cast %add3A_512 : vector<16xi32> to vector<16xi32>
    tpu.vector_store %arg7[%swap3A_513], %swap3A_516 {strides = array<i32>} : memref<640xi32, #tpu.memory_space<vmem>>, vector<16xi32>,
    %jit3A_517 = arith.constant 1.000000e+00 : f32
    %jit3A_518 = arith.constant 0.000000e+00 : f32
    %broadcast_in_dim3A_519 = vector.broadcast %jit3A_517 : f32 to vector<16xf32>
    %broadcast_in_dim3A_520 = vector.broadcast %jit3A_518 : f32 to vector<16xf32>
    %select_n3A_521 = arith.select %and3A_487, %broadcast_in_dim3A_519, %broadcast_in_dim3A_520 : vector<16xi1>, vector<16xf32>
    %swap3A_522 = arith.constant 528 : index
    %swap3A_523 = tpu.vector_load %arg9[%swap3A_522] {strides = array<i32>} : memref<1024xf32, #tpu.memory_space<vmem>>, vector<16xf32>,
    %swap3A_524 = vector.shape_cast %swap3A_523 : vector<16xf32> to vector<16xf32>
    %swap3A_525 = vector.shape_cast %select_n3A_521 : vector<16xf32> to vector<16xf32>
    tpu.vector_store %arg9[%swap3A_522], %swap3A_525 {strides = array<i32>} : memref<1024xf32, #tpu.memory_space<vmem>>, vector<16xf32>,
    %broadcast_in_dim3A_526 = arith.constant 0.000000e+00 : f32
    %broadcast_in_dim3A_527 = vector.broadcast %broadcast_in_dim3A_526 : f32 to vector<16xf32>
    %swap3A_528 = arith.constant 656 : index
    %swap3A_529 = tpu.vector_load %arg9[%swap3A_528] {strides = array<i32>} : memref<1024xf32, #tpu.memory_space<vmem>>, vector<16xf32>,
    %swap3A_530 = vector.shape_cast %swap3A_529 : vector<16xf32> to vector<16xf32>
    %swap3A_531 = vector.shape_cast %broadcast_in_dim3A_527 : vector<16xf32> to vector<16xf32>
    tpu.vector_store %arg9[%swap3A_528], %swap3A_531 {strides = array<i32>} : memref<1024xf32, #tpu.memory_space<vmem>>, vector<16xf32>,
    %broadcast_in_dim3A_532 = arith.constant 0.000000e+00 : f32
    %broadcast_in_dim3A_533 = vector.broadcast %broadcast_in_dim3A_532 : f32 to vector<16xf32>
    %swap3A_534 = arith.constant 656 : index
    %swap3A_535 = tpu.vector_load %arg8[%swap3A_534] {strides = array<i32>} : memref<1024xf32, #tpu.memory_space<vmem>>, vector<16xf32>,
    %swap3A_536 = vector.shape_cast %swap3A_535 : vector<16xf32> to vector<16xf32>
    %swap3A_537 = vector.shape_cast %broadcast_in_dim3A_533 : vector<16xf32> to vector<16xf32>
    tpu.vector_store %arg8[%swap3A_534], %swap3A_537 {strides = array<i32>} : memref<1024xf32, #tpu.memory_space<vmem>>, vector<16xf32>,
    %broadcast_in_dim3A_538 = arith.constant 0.000000e+00 : f32
    %broadcast_in_dim3A_539 = vector.broadcast %broadcast_in_dim3A_538 : f32 to vector<16xf32>
    %swap3A_540 = arith.constant 784 : index
    %swap3A_541 = tpu.vector_load %arg9[%swap3A_540] {strides = array<i32>} : memref<1024xf32, #tpu.memory_space<vmem>>, vector<16xf32>,
    %swap3A_542 = vector.shape_cast %swap3A_541 : vector<16xf32> to vector<16xf32>
    %swap3A_543 = vector.shape_cast %broadcast_in_dim3A_539 : vector<16xf32> to vector<16xf32>
    tpu.vector_store %arg9[%swap3A_540], %swap3A_543 {strides = array<i32>} : memref<1024xf32, #tpu.memory_space<vmem>>, vector<16xf32>,
    %broadcast_in_dim3A_544 = arith.constant 0.000000e+00 : f32
    %broadcast_in_dim3A_545 = vector.broadcast %broadcast_in_dim3A_544 : f32 to vector<16xf32>
    %swap3A_546 = arith.constant 784 : index
    %swap3A_547 = tpu.vector_load %arg8[%swap3A_546] {strides = array<i32>} : memref<1024xf32, #tpu.memory_space<vmem>>, vector<16xf32>,
    %swap3A_548 = vector.shape_cast %swap3A_547 : vector<16xf32> to vector<16xf32>
    %swap3A_549 = vector.shape_cast %broadcast_in_dim3A_545 : vector<16xf32> to vector<16xf32>
    tpu.vector_store %arg8[%swap3A_546], %swap3A_549 {strides = array<i32>} : memref<1024xf32, #tpu.memory_space<vmem>>, vector<16xf32>,
    %broadcast_in_dim3A_550 = arith.constant 0.000000e+00 : f32
    %broadcast_in_dim3A_551 = vector.broadcast %broadcast_in_dim3A_550 : f32 to vector<16xf32>
    %swap3A_552 = arith.constant 912 : index
    %swap3A_553 = tpu.vector_load %arg9[%swap3A_552] {strides = array<i32>} : memref<1024xf32, #tpu.memory_space<vmem>>, vector<16xf32>,
    %swap3A_554 = vector.shape_cast %swap3A_553 : vector<16xf32> to vector<16xf32>
    %swap3A_555 = vector.shape_cast %broadcast_in_dim3A_551 : vector<16xf32> to vector<16xf32>
    tpu.vector_store %arg9[%swap3A_552], %swap3A_555 {strides = array<i32>} : memref<1024xf32, #tpu.memory_space<vmem>>, vector<16xf32>,
    %broadcast_in_dim3A_556 = arith.constant 0.000000e+00 : f32
    %broadcast_in_dim3A_557 = vector.broadcast %broadcast_in_dim3A_556 : f32 to vector<16xf32>
    %swap3A_558 = arith.constant 912 : index
    %swap3A_559 = tpu.vector_load %arg8[%swap3A_558] {strides = array<i32>} : memref<1024xf32, #tpu.memory_space<vmem>>, vector<16xf32>,
    %swap3A_560 = vector.shape_cast %swap3A_559 : vector<16xf32> to vector<16xf32>
    %swap3A_561 = vector.shape_cast %broadcast_in_dim3A_557 : vector<16xf32> to vector<16xf32>
    tpu.vector_store %arg8[%swap3A_558], %swap3A_561 {strides = array<i32>} : memref<1024xf32, #tpu.memory_space<vmem>>, vector<16xf32>,
    %iota3A_562 = tpu.iota {dimensions = array<i32: 0>} : vector<16xi32>
    %add3A_563 = arith.constant 32 : i32
    %add3A_564 = vector.broadcast %add3A_563 : i32 to vector<16xi32>
    %add3A_565 = arith.addi %iota3A_562, %add3A_564 : vector<16xi32>
    %get3A_566 = arith.constant 32 : index
    %get3A_567 = tpu.vector_load %arg6[%get3A_566] {strides = array<i32>} : memref<640xi32, #tpu.memory_space<vmem>>, vector<16xi32>,
    %get3A_568 = vector.shape_cast %get3A_567 : vector<16xi32> to vector<16xi32>
    %get3A_569 = arith.constant 160 : index
    %get3A_570 = tpu.vector_load %arg6[%get3A_569] {strides = array<i32>} : memref<640xi32, #tpu.memory_space<vmem>>, vector<16xi32>,
    %get3A_571 = vector.shape_cast %get3A_570 : vector<16xi32> to vector<16xi32>
    %get3A_572 = arith.constant 288 : index
    %get3A_573 = tpu.vector_load %arg6[%get3A_572] {strides = array<i32>} : memref<640xi32, #tpu.memory_space<vmem>>, vector<16xi32>,
    %get3A_574 = vector.shape_cast %get3A_573 : vector<16xi32> to vector<16xi32>
    %get3A_575 = arith.constant 416 : index
    %get3A_576 = tpu.vector_load %arg6[%get3A_575] {strides = array<i32>} : memref<640xi32, #tpu.memory_space<vmem>>, vector<16xi32>,
    %get3A_577 = vector.shape_cast %get3A_576 : vector<16xi32> to vector<16xi32>
    %get3A_578 = arith.constant 544 : index
    %get3A_579 = tpu.vector_load %arg6[%get3A_578] {strides = array<i32>} : memref<640xi32, #tpu.memory_space<vmem>>, vector<16xi32>,
    %get3A_580 = vector.shape_cast %get3A_579 : vector<16xi32> to vector<16xi32>
    %ge3A_581 = arith.constant 0 : i32
    %ge3A_582 = vector.broadcast %ge3A_581 : i32 to vector<16xi32>
    %ge3A_583 = arith.cmpi sge, %get3A_568, %ge3A_582 : vector<16xi32>
    %ge3A_584 = arith.constant 0 : i32
    %ge3A_585 = vector.broadcast %ge3A_584 : i32 to vector<16xi32>
    %ge3A_586 = arith.cmpi sge, %get3A_568, %ge3A_585 : vector<16xi32>
    %jit3A_587 = arith.constant 0 : i32
    %broadcast_in_dim3A_588 = vector.broadcast %jit3A_587 : i32 to vector<16xi32>
    %select_n3A_589 = arith.select %ge3A_586, %get3A_568, %broadcast_in_dim3A_588 : vector<16xi1>, vector<16xi32>
    %shift_right_arithmetic3A_590 = arith.constant 3 : i32
    %shift_right_arithmetic3A_591 = vector.broadcast %shift_right_arithmetic3A_590 : i32 to vector<16xi32>
    %shift_right_arithmetic3A_592 = arith.shrsi %select_n3A_589, %shift_right_arithmetic3A_591 : vector<16xi32>
    %mul3A_593 = arith.constant 32 : i32
    %mul3A_594 = vector.broadcast %mul3A_593 : i32 to vector<16xi32>
    %mul3A_595 = arith.muli %shift_right_arithmetic3A_592, %mul3A_594 : vector<16xi32>
    %add3A_596 = vector.broadcast %add3A : i32 to vector<16xi32>
    %add3A_597 = arith.addi %mul3A_595, %add3A_596 : vector<16xi32>
    %mul3A_598 = arith.constant 1024 : i32
    %mul3A_599 = vector.broadcast %mul3A_598 : i32 to vector<16xi32>
    %mul3A_600 = arith.muli %add3A_597, %mul3A_599 : vector<16xi32>
    %and3A_601 = arith.constant 7 : i32
    %and3A_602 = vector.broadcast %and3A_601 : i32 to vector<16xi32>
    %and3A_603 = arith.andi %select_n3A_589, %and3A_602 : vector<16xi32>
    %shift_left3A_604 = arith.constant 7 : i32
    %shift_left3A_605 = vector.broadcast %shift_left3A_604 : i32 to vector<16xi32>
    %shift_left3A_606 = arith.shli %and3A_603, %shift_left3A_605 : vector<16xi32>
    %add3A_607 = arith.addi %mul3A_600, %shift_left3A_606 : vector<16xi32>
    %add3A_608 = arith.addi %add3A_607, %add3A_565 : vector<16xi32>
    %swap3A_609 = arith.constant 32 : index
    %swap3A_610 = tpu.vector_load %arg7[%swap3A_609] {strides = array<i32>} : memref<640xi32, #tpu.memory_space<vmem>>, vector<16xi32>,
    %swap3A_611 = vector.shape_cast %swap3A_610 : vector<16xi32> to vector<16xi32>
    %swap3A_612 = vector.shape_cast %add3A_608 : vector<16xi32> to vector<16xi32>
    tpu.vector_store %arg7[%swap3A_609], %swap3A_612 {strides = array<i32>} : memref<640xi32, #tpu.memory_space<vmem>>, vector<16xi32>,
    %jit3A_613 = arith.constant 1.000000e+00 : f32
    %jit3A_614 = arith.constant 0.000000e+00 : f32
    %broadcast_in_dim3A_615 = vector.broadcast %jit3A_613 : f32 to vector<16xf32>
    %broadcast_in_dim3A_616 = vector.broadcast %jit3A_614 : f32 to vector<16xf32>
    %select_n3A_617 = arith.select %ge3A_583, %broadcast_in_dim3A_615, %broadcast_in_dim3A_616 : vector<16xi1>, vector<16xf32>
    %swap3A_618 = arith.constant 32 : index
    %swap3A_619 = tpu.vector_load %arg9[%swap3A_618] {strides = array<i32>} : memref<1024xf32, #tpu.memory_space<vmem>>, vector<16xf32>,
    %swap3A_620 = vector.shape_cast %swap3A_619 : vector<16xf32> to vector<16xf32>
    %swap3A_621 = vector.shape_cast %select_n3A_617 : vector<16xf32> to vector<16xf32>
    tpu.vector_store %arg9[%swap3A_618], %swap3A_621 {strides = array<i32>} : memref<1024xf32, #tpu.memory_space<vmem>>, vector<16xf32>,
    %ge3A_622 = arith.constant 0 : i32
    %ge3A_623 = vector.broadcast %ge3A_622 : i32 to vector<16xi32>
    %ge3A_624 = arith.cmpi sge, %get3A_571, %ge3A_623 : vector<16xi32>
    %ne3A_625 = arith.cmpi ne, %get3A_571, %get3A_568 : vector<16xi32>
    %and3A_626 = arith.andi %ge3A_624, %ne3A_625 : vector<16xi1>
    %ge3A_627 = arith.constant 0 : i32
    %ge3A_628 = vector.broadcast %ge3A_627 : i32 to vector<16xi32>
    %ge3A_629 = arith.cmpi sge, %get3A_571, %ge3A_628 : vector<16xi32>
    %jit3A_630 = arith.constant 0 : i32
    %broadcast_in_dim3A_631 = vector.broadcast %jit3A_630 : i32 to vector<16xi32>
    %select_n3A_632 = arith.select %ge3A_629, %get3A_571, %broadcast_in_dim3A_631 : vector<16xi1>, vector<16xi32>
    %shift_right_arithmetic3A_633 = arith.constant 3 : i32
    %shift_right_arithmetic3A_634 = vector.broadcast %shift_right_arithmetic3A_633 : i32 to vector<16xi32>
    %shift_right_arithmetic3A_635 = arith.shrsi %select_n3A_632, %shift_right_arithmetic3A_634 : vector<16xi32>
    %mul3A_636 = arith.constant 32 : i32
    %mul3A_637 = vector.broadcast %mul3A_636 : i32 to vector<16xi32>
    %mul3A_638 = arith.muli %shift_right_arithmetic3A_635, %mul3A_637 : vector<16xi32>
    %add3A_639 = vector.broadcast %add3A : i32 to vector<16xi32>
    %add3A_640 = arith.addi %mul3A_638, %add3A_639 : vector<16xi32>
    %mul3A_641 = arith.constant 1024 : i32
    %mul3A_642 = vector.broadcast %mul3A_641 : i32 to vector<16xi32>
    %mul3A_643 = arith.muli %add3A_640, %mul3A_642 : vector<16xi32>
    %and3A_644 = arith.constant 7 : i32
    %and3A_645 = vector.broadcast %and3A_644 : i32 to vector<16xi32>
    %and3A_646 = arith.andi %select_n3A_632, %and3A_645 : vector<16xi32>
    %shift_left3A_647 = arith.constant 7 : i32
    %shift_left3A_648 = vector.broadcast %shift_left3A_647 : i32 to vector<16xi32>
    %shift_left3A_649 = arith.shli %and3A_646, %shift_left3A_648 : vector<16xi32>
    %add3A_650 = arith.addi %mul3A_643, %shift_left3A_649 : vector<16xi32>
    %add3A_651 = arith.addi %add3A_650, %add3A_565 : vector<16xi32>
    %swap3A_652 = arith.constant 160 : index
    %swap3A_653 = tpu.vector_load %arg7[%swap3A_652] {strides = array<i32>} : memref<640xi32, #tpu.memory_space<vmem>>, vector<16xi32>,
    %swap3A_654 = vector.shape_cast %swap3A_653 : vector<16xi32> to vector<16xi32>
    %swap3A_655 = vector.shape_cast %add3A_651 : vector<16xi32> to vector<16xi32>
    tpu.vector_store %arg7[%swap3A_652], %swap3A_655 {strides = array<i32>} : memref<640xi32, #tpu.memory_space<vmem>>, vector<16xi32>,
    %jit3A_656 = arith.constant 1.000000e+00 : f32
    %jit3A_657 = arith.constant 0.000000e+00 : f32
    %broadcast_in_dim3A_658 = vector.broadcast %jit3A_656 : f32 to vector<16xf32>
    %broadcast_in_dim3A_659 = vector.broadcast %jit3A_657 : f32 to vector<16xf32>
    %select_n3A_660 = arith.select %and3A_626, %broadcast_in_dim3A_658, %broadcast_in_dim3A_659 : vector<16xi1>, vector<16xf32>
    %swap3A_661 = arith.constant 160 : index
    %swap3A_662 = tpu.vector_load %arg9[%swap3A_661] {strides = array<i32>} : memref<1024xf32, #tpu.memory_space<vmem>>, vector<16xf32>,
    %swap3A_663 = vector.shape_cast %swap3A_662 : vector<16xf32> to vector<16xf32>
    %swap3A_664 = vector.shape_cast %select_n3A_660 : vector<16xf32> to vector<16xf32>
    tpu.vector_store %arg9[%swap3A_661], %swap3A_664 {strides = array<i32>} : memref<1024xf32, #tpu.memory_space<vmem>>, vector<16xf32>,
    %ge3A_665 = arith.constant 0 : i32
    %ge3A_666 = vector.broadcast %ge3A_665 : i32 to vector<16xi32>
    %ge3A_667 = arith.cmpi sge, %get3A_574, %ge3A_666 : vector<16xi32>
    %ne3A_668 = arith.cmpi ne, %get3A_574, %get3A_568 : vector<16xi32>
    %and3A_669 = arith.andi %ge3A_667, %ne3A_668 : vector<16xi1>
    %ne3A_670 = arith.cmpi ne, %get3A_574, %get3A_571 : vector<16xi32>
    %and3A_671 = arith.andi %and3A_669, %ne3A_670 : vector<16xi1>
    %ge3A_672 = arith.constant 0 : i32
    %ge3A_673 = vector.broadcast %ge3A_672 : i32 to vector<16xi32>
    %ge3A_674 = arith.cmpi sge, %get3A_574, %ge3A_673 : vector<16xi32>
    %jit3A_675 = arith.constant 0 : i32
    %broadcast_in_dim3A_676 = vector.broadcast %jit3A_675 : i32 to vector<16xi32>
    %select_n3A_677 = arith.select %ge3A_674, %get3A_574, %broadcast_in_dim3A_676 : vector<16xi1>, vector<16xi32>
    %shift_right_arithmetic3A_678 = arith.constant 3 : i32
    %shift_right_arithmetic3A_679 = vector.broadcast %shift_right_arithmetic3A_678 : i32 to vector<16xi32>
    %shift_right_arithmetic3A_680 = arith.shrsi %select_n3A_677, %shift_right_arithmetic3A_679 : vector<16xi32>
    %mul3A_681 = arith.constant 32 : i32
    %mul3A_682 = vector.broadcast %mul3A_681 : i32 to vector<16xi32>
    %mul3A_683 = arith.muli %shift_right_arithmetic3A_680, %mul3A_682 : vector<16xi32>
    %add3A_684 = vector.broadcast %add3A : i32 to vector<16xi32>
    %add3A_685 = arith.addi %mul3A_683, %add3A_684 : vector<16xi32>
    %mul3A_686 = arith.constant 1024 : i32
    %mul3A_687 = vector.broadcast %mul3A_686 : i32 to vector<16xi32>
    %mul3A_688 = arith.muli %add3A_685, %mul3A_687 : vector<16xi32>
    %and3A_689 = arith.constant 7 : i32
    %and3A_690 = vector.broadcast %and3A_689 : i32 to vector<16xi32>
    %and3A_691 = arith.andi %select_n3A_677, %and3A_690 : vector<16xi32>
    %shift_left3A_692 = arith.constant 7 : i32
    %shift_left3A_693 = vector.broadcast %shift_left3A_692 : i32 to vector<16xi32>
    %shift_left3A_694 = arith.shli %and3A_691, %shift_left3A_693 : vector<16xi32>
    %add3A_695 = arith.addi %mul3A_688, %shift_left3A_694 : vector<16xi32>
    %add3A_696 = arith.addi %add3A_695, %add3A_565 : vector<16xi32>
    %swap3A_697 = arith.constant 288 : index
    %swap3A_698 = tpu.vector_load %arg7[%swap3A_697] {strides = array<i32>} : memref<640xi32, #tpu.memory_space<vmem>>, vector<16xi32>,
    %swap3A_699 = vector.shape_cast %swap3A_698 : vector<16xi32> to vector<16xi32>
    %swap3A_700 = vector.shape_cast %add3A_696 : vector<16xi32> to vector<16xi32>
    tpu.vector_store %arg7[%swap3A_697], %swap3A_700 {strides = array<i32>} : memref<640xi32, #tpu.memory_space<vmem>>, vector<16xi32>,
    %jit3A_701 = arith.constant 1.000000e+00 : f32
    %jit3A_702 = arith.constant 0.000000e+00 : f32
    %broadcast_in_dim3A_703 = vector.broadcast %jit3A_701 : f32 to vector<16xf32>
    %broadcast_in_dim3A_704 = vector.broadcast %jit3A_702 : f32 to vector<16xf32>
    %select_n3A_705 = arith.select %and3A_671, %broadcast_in_dim3A_703, %broadcast_in_dim3A_704 : vector<16xi1>, vector<16xf32>
    %swap3A_706 = arith.constant 288 : index
    %swap3A_707 = tpu.vector_load %arg9[%swap3A_706] {strides = array<i32>} : memref<1024xf32, #tpu.memory_space<vmem>>, vector<16xf32>,
    %swap3A_708 = vector.shape_cast %swap3A_707 : vector<16xf32> to vector<16xf32>
    %swap3A_709 = vector.shape_cast %select_n3A_705 : vector<16xf32> to vector<16xf32>
    tpu.vector_store %arg9[%swap3A_706], %swap3A_709 {strides = array<i32>} : memref<1024xf32, #tpu.memory_space<vmem>>, vector<16xf32>,
    %ge3A_710 = arith.constant 0 : i32
    %ge3A_711 = vector.broadcast %ge3A_710 : i32 to vector<16xi32>
    %ge3A_712 = arith.cmpi sge, %get3A_577, %ge3A_711 : vector<16xi32>
    %ne3A_713 = arith.cmpi ne, %get3A_577, %get3A_568 : vector<16xi32>
    %and3A_714 = arith.andi %ge3A_712, %ne3A_713 : vector<16xi1>
    %ne3A_715 = arith.cmpi ne, %get3A_577, %get3A_571 : vector<16xi32>
    %and3A_716 = arith.andi %and3A_714, %ne3A_715 : vector<16xi1>
    %ne3A_717 = arith.cmpi ne, %get3A_577, %get3A_574 : vector<16xi32>
    %and3A_718 = arith.andi %and3A_716, %ne3A_717 : vector<16xi1>
    %ge3A_719 = arith.constant 0 : i32
    %ge3A_720 = vector.broadcast %ge3A_719 : i32 to vector<16xi32>
    %ge3A_721 = arith.cmpi sge, %get3A_577, %ge3A_720 : vector<16xi32>
    %jit3A_722 = arith.constant 0 : i32
    %broadcast_in_dim3A_723 = vector.broadcast %jit3A_722 : i32 to vector<16xi32>
    %select_n3A_724 = arith.select %ge3A_721, %get3A_577, %broadcast_in_dim3A_723 : vector<16xi1>, vector<16xi32>
    %shift_right_arithmetic3A_725 = arith.constant 3 : i32
    %shift_right_arithmetic3A_726 = vector.broadcast %shift_right_arithmetic3A_725 : i32 to vector<16xi32>
    %shift_right_arithmetic3A_727 = arith.shrsi %select_n3A_724, %shift_right_arithmetic3A_726 : vector<16xi32>
    %mul3A_728 = arith.constant 32 : i32
    %mul3A_729 = vector.broadcast %mul3A_728 : i32 to vector<16xi32>
    %mul3A_730 = arith.muli %shift_right_arithmetic3A_727, %mul3A_729 : vector<16xi32>
    %add3A_731 = vector.broadcast %add3A : i32 to vector<16xi32>
    %add3A_732 = arith.addi %mul3A_730, %add3A_731 : vector<16xi32>
    %mul3A_733 = arith.constant 1024 : i32
    %mul3A_734 = vector.broadcast %mul3A_733 : i32 to vector<16xi32>
    %mul3A_735 = arith.muli %add3A_732, %mul3A_734 : vector<16xi32>
    %and3A_736 = arith.constant 7 : i32
    %and3A_737 = vector.broadcast %and3A_736 : i32 to vector<16xi32>
    %and3A_738 = arith.andi %select_n3A_724, %and3A_737 : vector<16xi32>
    %shift_left3A_739 = arith.constant 7 : i32
    %shift_left3A_740 = vector.broadcast %shift_left3A_739 : i32 to vector<16xi32>
    %shift_left3A_741 = arith.shli %and3A_738, %shift_left3A_740 : vector<16xi32>
    %add3A_742 = arith.addi %mul3A_735, %shift_left3A_741 : vector<16xi32>
    %add3A_743 = arith.addi %add3A_742, %add3A_565 : vector<16xi32>
    %swap3A_744 = arith.constant 416 : index
    %swap3A_745 = tpu.vector_load %arg7[%swap3A_744] {strides = array<i32>} : memref<640xi32, #tpu.memory_space<vmem>>, vector<16xi32>,
    %swap3A_746 = vector.shape_cast %swap3A_745 : vector<16xi32> to vector<16xi32>
    %swap3A_747 = vector.shape_cast %add3A_743 : vector<16xi32> to vector<16xi32>
    tpu.vector_store %arg7[%swap3A_744], %swap3A_747 {strides = array<i32>} : memref<640xi32, #tpu.memory_space<vmem>>, vector<16xi32>,
    %jit3A_748 = arith.constant 1.000000e+00 : f32
    %jit3A_749 = arith.constant 0.000000e+00 : f32
    %broadcast_in_dim3A_750 = vector.broadcast %jit3A_748 : f32 to vector<16xf32>
    %broadcast_in_dim3A_751 = vector.broadcast %jit3A_749 : f32 to vector<16xf32>
    %select_n3A_752 = arith.select %and3A_718, %broadcast_in_dim3A_750, %broadcast_in_dim3A_751 : vector<16xi1>, vector<16xf32>
    %swap3A_753 = arith.constant 416 : index
    %swap3A_754 = tpu.vector_load %arg9[%swap3A_753] {strides = array<i32>} : memref<1024xf32, #tpu.memory_space<vmem>>, vector<16xf32>,
    %swap3A_755 = vector.shape_cast %swap3A_754 : vector<16xf32> to vector<16xf32>
    %swap3A_756 = vector.shape_cast %select_n3A_752 : vector<16xf32> to vector<16xf32>
    tpu.vector_store %arg9[%swap3A_753], %swap3A_756 {strides = array<i32>} : memref<1024xf32, #tpu.memory_space<vmem>>, vector<16xf32>,
    %ge3A_757 = arith.constant 0 : i32
    %ge3A_758 = vector.broadcast %ge3A_757 : i32 to vector<16xi32>
    %ge3A_759 = arith.cmpi sge, %get3A_580, %ge3A_758 : vector<16xi32>
    %ne3A_760 = arith.cmpi ne, %get3A_580, %get3A_568 : vector<16xi32>
    %and3A_761 = arith.andi %ge3A_759, %ne3A_760 : vector<16xi1>
    %ne3A_762 = arith.cmpi ne, %get3A_580, %get3A_571 : vector<16xi32>
    %and3A_763 = arith.andi %and3A_761, %ne3A_762 : vector<16xi1>
    %ne3A_764 = arith.cmpi ne, %get3A_580, %get3A_574 : vector<16xi32>
    %and3A_765 = arith.andi %and3A_763, %ne3A_764 : vector<16xi1>
    %ne3A_766 = arith.cmpi ne, %get3A_580, %get3A_577 : vector<16xi32>
    %and3A_767 = arith.andi %and3A_765, %ne3A_766 : vector<16xi1>
    %ge3A_768 = arith.constant 0 : i32
    %ge3A_769 = vector.broadcast %ge3A_768 : i32 to vector<16xi32>
    %ge3A_770 = arith.cmpi sge, %get3A_580, %ge3A_769 : vector<16xi32>
    %jit3A_771 = arith.constant 0 : i32
    %broadcast_in_dim3A_772 = vector.broadcast %jit3A_771 : i32 to vector<16xi32>
    %select_n3A_773 = arith.select %ge3A_770, %get3A_580, %broadcast_in_dim3A_772 : vector<16xi1>, vector<16xi32>
    %shift_right_arithmetic3A_774 = arith.constant 3 : i32
    %shift_right_arithmetic3A_775 = vector.broadcast %shift_right_arithmetic3A_774 : i32 to vector<16xi32>
    %shift_right_arithmetic3A_776 = arith.shrsi %select_n3A_773, %shift_right_arithmetic3A_775 : vector<16xi32>
    %mul3A_777 = arith.constant 32 : i32
    %mul3A_778 = vector.broadcast %mul3A_777 : i32 to vector<16xi32>
    %mul3A_779 = arith.muli %shift_right_arithmetic3A_776, %mul3A_778 : vector<16xi32>
    %add3A_780 = vector.broadcast %add3A : i32 to vector<16xi32>
    %add3A_781 = arith.addi %mul3A_779, %add3A_780 : vector<16xi32>
    %mul3A_782 = arith.constant 1024 : i32
    %mul3A_783 = vector.broadcast %mul3A_782 : i32 to vector<16xi32>
    %mul3A_784 = arith.muli %add3A_781, %mul3A_783 : vector<16xi32>
    %and3A_785 = arith.constant 7 : i32
    %and3A_786 = vector.broadcast %and3A_785 : i32 to vector<16xi32>
    %and3A_787 = arith.andi %select_n3A_773, %and3A_786 : vector<16xi32>
    %shift_left3A_788 = arith.constant 7 : i32
    %shift_left3A_789 = vector.broadcast %shift_left3A_788 : i32 to vector<16xi32>
    %shift_left3A_790 = arith.shli %and3A_787, %shift_left3A_789 : vector<16xi32>
    %add3A_791 = arith.addi %mul3A_784, %shift_left3A_790 : vector<16xi32>
    %add3A_792 = arith.addi %add3A_791, %add3A_565 : vector<16xi32>
    %swap3A_793 = arith.constant 544 : index
    %swap3A_794 = tpu.vector_load %arg7[%swap3A_793] {strides = array<i32>} : memref<640xi32, #tpu.memory_space<vmem>>, vector<16xi32>,
    %swap3A_795 = vector.shape_cast %swap3A_794 : vector<16xi32> to vector<16xi32>
    %swap3A_796 = vector.shape_cast %add3A_792 : vector<16xi32> to vector<16xi32>
    tpu.vector_store %arg7[%swap3A_793], %swap3A_796 {strides = array<i32>} : memref<640xi32, #tpu.memory_space<vmem>>, vector<16xi32>,
    %jit3A_797 = arith.constant 1.000000e+00 : f32
    %jit3A_798 = arith.constant 0.000000e+00 : f32
    %broadcast_in_dim3A_799 = vector.broadcast %jit3A_797 : f32 to vector<16xf32>
    %broadcast_in_dim3A_800 = vector.broadcast %jit3A_798 : f32 to vector<16xf32>
    %select_n3A_801 = arith.select %and3A_767, %broadcast_in_dim3A_799, %broadcast_in_dim3A_800 : vector<16xi1>, vector<16xf32>
    %swap3A_802 = arith.constant 544 : index
    %swap3A_803 = tpu.vector_load %arg9[%swap3A_802] {strides = array<i32>} : memref<1024xf32, #tpu.memory_space<vmem>>, vector<16xf32>,
    %swap3A_804 = vector.shape_cast %swap3A_803 : vector<16xf32> to vector<16xf32>
    %swap3A_805 = vector.shape_cast %select_n3A_801 : vector<16xf32> to vector<16xf32>
    tpu.vector_store %arg9[%swap3A_802], %swap3A_805 {strides = array<i32>} : memref<1024xf32, #tpu.memory_space<vmem>>, vector<16xf32>,
    %broadcast_in_dim3A_806 = arith.constant 0.000000e+00 : f32
    %broadcast_in_dim3A_807 = vector.broadcast %broadcast_in_dim3A_806 : f32 to vector<16xf32>
    %swap3A_808 = arith.constant 672 : index
    %swap3A_809 = tpu.vector_load %arg9[%swap3A_808] {strides = array<i32>} : memref<1024xf32, #tpu.memory_space<vmem>>, vector<16xf32>,
    %swap3A_810 = vector.shape_cast %swap3A_809 : vector<16xf32> to vector<16xf32>
    %swap3A_811 = vector.shape_cast %broadcast_in_dim3A_807 : vector<16xf32> to vector<16xf32>
    tpu.vector_store %arg9[%swap3A_808], %swap3A_811 {strides = array<i32>} : memref<1024xf32, #tpu.memory_space<vmem>>, vector<16xf32>,
    %broadcast_in_dim3A_812 = arith.constant 0.000000e+00 : f32
    %broadcast_in_dim3A_813 = vector.broadcast %broadcast_in_dim3A_812 : f32 to vector<16xf32>
    %swap3A_814 = arith.constant 672 : index
    %swap3A_815 = tpu.vector_load %arg8[%swap3A_814] {strides = array<i32>} : memref<1024xf32, #tpu.memory_space<vmem>>, vector<16xf32>,
    %swap3A_816 = vector.shape_cast %swap3A_815 : vector<16xf32> to vector<16xf32>
    %swap3A_817 = vector.shape_cast %broadcast_in_dim3A_813 : vector<16xf32> to vector<16xf32>
    tpu.vector_store %arg8[%swap3A_814], %swap3A_817 {strides = array<i32>} : memref<1024xf32, #tpu.memory_space<vmem>>, vector<16xf32>,
    %broadcast_in_dim3A_818 = arith.constant 0.000000e+00 : f32
    %broadcast_in_dim3A_819 = vector.broadcast %broadcast_in_dim3A_818 : f32 to vector<16xf32>
    %swap3A_820 = arith.constant 800 : index
    %swap3A_821 = tpu.vector_load %arg9[%swap3A_820] {strides = array<i32>} : memref<1024xf32, #tpu.memory_space<vmem>>, vector<16xf32>,
    %swap3A_822 = vector.shape_cast %swap3A_821 : vector<16xf32> to vector<16xf32>
    %swap3A_823 = vector.shape_cast %broadcast_in_dim3A_819 : vector<16xf32> to vector<16xf32>
    tpu.vector_store %arg9[%swap3A_820], %swap3A_823 {strides = array<i32>} : memref<1024xf32, #tpu.memory_space<vmem>>, vector<16xf32>,
    %broadcast_in_dim3A_824 = arith.constant 0.000000e+00 : f32
    %broadcast_in_dim3A_825 = vector.broadcast %broadcast_in_dim3A_824 : f32 to vector<16xf32>
    %swap3A_826 = arith.constant 800 : index
    %swap3A_827 = tpu.vector_load %arg8[%swap3A_826] {strides = array<i32>} : memref<1024xf32, #tpu.memory_space<vmem>>, vector<16xf32>,
    %swap3A_828 = vector.shape_cast %swap3A_827 : vector<16xf32> to vector<16xf32>
    %swap3A_829 = vector.shape_cast %broadcast_in_dim3A_825 : vector<16xf32> to vector<16xf32>
    tpu.vector_store %arg8[%swap3A_826], %swap3A_829 {strides = array<i32>} : memref<1024xf32, #tpu.memory_space<vmem>>, vector<16xf32>,
    %broadcast_in_dim3A_830 = arith.constant 0.000000e+00 : f32
    %broadcast_in_dim3A_831 = vector.broadcast %broadcast_in_dim3A_830 : f32 to vector<16xf32>
    %swap3A_832 = arith.constant 928 : index
    %swap3A_833 = tpu.vector_load %arg9[%swap3A_832] {strides = array<i32>} : memref<1024xf32, #tpu.memory_space<vmem>>, vector<16xf32>,
    %swap3A_834 = vector.shape_cast %swap3A_833 : vector<16xf32> to vector<16xf32>
    %swap3A_835 = vector.shape_cast %broadcast_in_dim3A_831 : vector<16xf32> to vector<16xf32>
    tpu.vector_store %arg9[%swap3A_832], %swap3A_835 {strides = array<i32>} : memref<1024xf32, #tpu.memory_space<vmem>>, vector<16xf32>,
    %broadcast_in_dim3A_836 = arith.constant 0.000000e+00 : f32
    %broadcast_in_dim3A_837 = vector.broadcast %broadcast_in_dim3A_836 : f32 to vector<16xf32>
    %swap3A_838 = arith.constant 928 : index
    %swap3A_839 = tpu.vector_load %arg8[%swap3A_838] {strides = array<i32>} : memref<1024xf32, #tpu.memory_space<vmem>>, vector<16xf32>,
    %swap3A_840 = vector.shape_cast %swap3A_839 : vector<16xf32> to vector<16xf32>
    %swap3A_841 = vector.shape_cast %broadcast_in_dim3A_837 : vector<16xf32> to vector<16xf32>
    tpu.vector_store %arg8[%swap3A_838], %swap3A_841 {strides = array<i32>} : memref<1024xf32, #tpu.memory_space<vmem>>, vector<16xf32>,
    %iota3A_842 = tpu.iota {dimensions = array<i32: 0>} : vector<16xi32>
    %add3A_843 = arith.constant 48 : i32
    %add3A_844 = vector.broadcast %add3A_843 : i32 to vector<16xi32>
    %add3A_845 = arith.addi %iota3A_842, %add3A_844 : vector<16xi32>
    %get3A_846 = arith.constant 48 : index
    %get3A_847 = tpu.vector_load %arg6[%get3A_846] {strides = array<i32>} : memref<640xi32, #tpu.memory_space<vmem>>, vector<16xi32>,
    %get3A_848 = vector.shape_cast %get3A_847 : vector<16xi32> to vector<16xi32>
    %get3A_849 = arith.constant 176 : index
    %get3A_850 = tpu.vector_load %arg6[%get3A_849] {strides = array<i32>} : memref<640xi32, #tpu.memory_space<vmem>>, vector<16xi32>,
    %get3A_851 = vector.shape_cast %get3A_850 : vector<16xi32> to vector<16xi32>
    %get3A_852 = arith.constant 304 : index
    %get3A_853 = tpu.vector_load %arg6[%get3A_852] {strides = array<i32>} : memref<640xi32, #tpu.memory_space<vmem>>, vector<16xi32>,
    %get3A_854 = vector.shape_cast %get3A_853 : vector<16xi32> to vector<16xi32>
    %get3A_855 = arith.constant 432 : index
    %get3A_856 = tpu.vector_load %arg6[%get3A_855] {strides = array<i32>} : memref<640xi32, #tpu.memory_space<vmem>>, vector<16xi32>,
    %get3A_857 = vector.shape_cast %get3A_856 : vector<16xi32> to vector<16xi32>
    %get3A_858 = arith.constant 560 : index
    %get3A_859 = tpu.vector_load %arg6[%get3A_858] {strides = array<i32>} : memref<640xi32, #tpu.memory_space<vmem>>, vector<16xi32>,
    %get3A_860 = vector.shape_cast %get3A_859 : vector<16xi32> to vector<16xi32>
    %ge3A_861 = arith.constant 0 : i32
    %ge3A_862 = vector.broadcast %ge3A_861 : i32 to vector<16xi32>
    %ge3A_863 = arith.cmpi sge, %get3A_848, %ge3A_862 : vector<16xi32>
    %ge3A_864 = arith.constant 0 : i32
    %ge3A_865 = vector.broadcast %ge3A_864 : i32 to vector<16xi32>
    %ge3A_866 = arith.cmpi sge, %get3A_848, %ge3A_865 : vector<16xi32>
    %jit3A_867 = arith.constant 0 : i32
    %broadcast_in_dim3A_868 = vector.broadcast %jit3A_867 : i32 to vector<16xi32>
    %select_n3A_869 = arith.select %ge3A_866, %get3A_848, %broadcast_in_dim3A_868 : vector<16xi1>, vector<16xi32>
    %shift_right_arithmetic3A_870 = arith.constant 3 : i32
    %shift_right_arithmetic3A_871 = vector.broadcast %shift_right_arithmetic3A_870 : i32 to vector<16xi32>
    %shift_right_arithmetic3A_872 = arith.shrsi %select_n3A_869, %shift_right_arithmetic3A_871 : vector<16xi32>
    %mul3A_873 = arith.constant 32 : i32
    %mul3A_874 = vector.broadcast %mul3A_873 : i32 to vector<16xi32>
    %mul3A_875 = arith.muli %shift_right_arithmetic3A_872, %mul3A_874 : vector<16xi32>
    %add3A_876 = vector.broadcast %add3A : i32 to vector<16xi32>
    %add3A_877 = arith.addi %mul3A_875, %add3A_876 : vector<16xi32>
    %mul3A_878 = arith.constant 1024 : i32
    %mul3A_879 = vector.broadcast %mul3A_878 : i32 to vector<16xi32>
    %mul3A_880 = arith.muli %add3A_877, %mul3A_879 : vector<16xi32>
    %and3A_881 = arith.constant 7 : i32
    %and3A_882 = vector.broadcast %and3A_881 : i32 to vector<16xi32>
    %and3A_883 = arith.andi %select_n3A_869, %and3A_882 : vector<16xi32>
    %shift_left3A_884 = arith.constant 7 : i32
    %shift_left3A_885 = vector.broadcast %shift_left3A_884 : i32 to vector<16xi32>
    %shift_left3A_886 = arith.shli %and3A_883, %shift_left3A_885 : vector<16xi32>
    %add3A_887 = arith.addi %mul3A_880, %shift_left3A_886 : vector<16xi32>
    %add3A_888 = arith.addi %add3A_887, %add3A_845 : vector<16xi32>
    %swap3A_889 = arith.constant 48 : index
    %swap3A_890 = tpu.vector_load %arg7[%swap3A_889] {strides = array<i32>} : memref<640xi32, #tpu.memory_space<vmem>>, vector<16xi32>,
    %swap3A_891 = vector.shape_cast %swap3A_890 : vector<16xi32> to vector<16xi32>
    %swap3A_892 = vector.shape_cast %add3A_888 : vector<16xi32> to vector<16xi32>
    tpu.vector_store %arg7[%swap3A_889], %swap3A_892 {strides = array<i32>} : memref<640xi32, #tpu.memory_space<vmem>>, vector<16xi32>,
    %jit3A_893 = arith.constant 1.000000e+00 : f32
    %jit3A_894 = arith.constant 0.000000e+00 : f32
    %broadcast_in_dim3A_895 = vector.broadcast %jit3A_893 : f32 to vector<16xf32>
    %broadcast_in_dim3A_896 = vector.broadcast %jit3A_894 : f32 to vector<16xf32>
    %select_n3A_897 = arith.select %ge3A_863, %broadcast_in_dim3A_895, %broadcast_in_dim3A_896 : vector<16xi1>, vector<16xf32>
    %swap3A_898 = arith.constant 48 : index
    %swap3A_899 = tpu.vector_load %arg9[%swap3A_898] {strides = array<i32>} : memref<1024xf32, #tpu.memory_space<vmem>>, vector<16xf32>,
    %swap3A_900 = vector.shape_cast %swap3A_899 : vector<16xf32> to vector<16xf32>
    %swap3A_901 = vector.shape_cast %select_n3A_897 : vector<16xf32> to vector<16xf32>
    tpu.vector_store %arg9[%swap3A_898], %swap3A_901 {strides = array<i32>} : memref<1024xf32, #tpu.memory_space<vmem>>, vector<16xf32>,
    %ge3A_902 = arith.constant 0 : i32
    %ge3A_903 = vector.broadcast %ge3A_902 : i32 to vector<16xi32>
    %ge3A_904 = arith.cmpi sge, %get3A_851, %ge3A_903 : vector<16xi32>
    %ne3A_905 = arith.cmpi ne, %get3A_851, %get3A_848 : vector<16xi32>
    %and3A_906 = arith.andi %ge3A_904, %ne3A_905 : vector<16xi1>
    %ge3A_907 = arith.constant 0 : i32
    %ge3A_908 = vector.broadcast %ge3A_907 : i32 to vector<16xi32>
    %ge3A_909 = arith.cmpi sge, %get3A_851, %ge3A_908 : vector<16xi32>
    %jit3A_910 = arith.constant 0 : i32
    %broadcast_in_dim3A_911 = vector.broadcast %jit3A_910 : i32 to vector<16xi32>
    %select_n3A_912 = arith.select %ge3A_909, %get3A_851, %broadcast_in_dim3A_911 : vector<16xi1>, vector<16xi32>
    %shift_right_arithmetic3A_913 = arith.constant 3 : i32
    %shift_right_arithmetic3A_914 = vector.broadcast %shift_right_arithmetic3A_913 : i32 to vector<16xi32>
    %shift_right_arithmetic3A_915 = arith.shrsi %select_n3A_912, %shift_right_arithmetic3A_914 : vector<16xi32>
    %mul3A_916 = arith.constant 32 : i32
    %mul3A_917 = vector.broadcast %mul3A_916 : i32 to vector<16xi32>
    %mul3A_918 = arith.muli %shift_right_arithmetic3A_915, %mul3A_917 : vector<16xi32>
    %add3A_919 = vector.broadcast %add3A : i32 to vector<16xi32>
    %add3A_920 = arith.addi %mul3A_918, %add3A_919 : vector<16xi32>
    %mul3A_921 = arith.constant 1024 : i32
    %mul3A_922 = vector.broadcast %mul3A_921 : i32 to vector<16xi32>
    %mul3A_923 = arith.muli %add3A_920, %mul3A_922 : vector<16xi32>
    %and3A_924 = arith.constant 7 : i32
    %and3A_925 = vector.broadcast %and3A_924 : i32 to vector<16xi32>
    %and3A_926 = arith.andi %select_n3A_912, %and3A_925 : vector<16xi32>
    %shift_left3A_927 = arith.constant 7 : i32
    %shift_left3A_928 = vector.broadcast %shift_left3A_927 : i32 to vector<16xi32>
    %shift_left3A_929 = arith.shli %and3A_926, %shift_left3A_928 : vector<16xi32>
    %add3A_930 = arith.addi %mul3A_923, %shift_left3A_929 : vector<16xi32>
    %add3A_931 = arith.addi %add3A_930, %add3A_845 : vector<16xi32>
    %swap3A_932 = arith.constant 176 : index
    %swap3A_933 = tpu.vector_load %arg7[%swap3A_932] {strides = array<i32>} : memref<640xi32, #tpu.memory_space<vmem>>, vector<16xi32>,
    %swap3A_934 = vector.shape_cast %swap3A_933 : vector<16xi32> to vector<16xi32>
    %swap3A_935 = vector.shape_cast %add3A_931 : vector<16xi32> to vector<16xi32>
    tpu.vector_store %arg7[%swap3A_932], %swap3A_935 {strides = array<i32>} : memref<640xi32, #tpu.memory_space<vmem>>, vector<16xi32>,
    %jit3A_936 = arith.constant 1.000000e+00 : f32
    %jit3A_937 = arith.constant 0.000000e+00 : f32
    %broadcast_in_dim3A_938 = vector.broadcast %jit3A_936 : f32 to vector<16xf32>
    %broadcast_in_dim3A_939 = vector.broadcast %jit3A_937 : f32 to vector<16xf32>
    %select_n3A_940 = arith.select %and3A_906, %broadcast_in_dim3A_938, %broadcast_in_dim3A_939 : vector<16xi1>, vector<16xf32>
    %swap3A_941 = arith.constant 176 : index
    %swap3A_942 = tpu.vector_load %arg9[%swap3A_941] {strides = array<i32>} : memref<1024xf32, #tpu.memory_space<vmem>>, vector<16xf32>,
    %swap3A_943 = vector.shape_cast %swap3A_942 : vector<16xf32> to vector<16xf32>
    %swap3A_944 = vector.shape_cast %select_n3A_940 : vector<16xf32> to vector<16xf32>
    tpu.vector_store %arg9[%swap3A_941], %swap3A_944 {strides = array<i32>} : memref<1024xf32, #tpu.memory_space<vmem>>, vector<16xf32>,
    %ge3A_945 = arith.constant 0 : i32
    %ge3A_946 = vector.broadcast %ge3A_945 : i32 to vector<16xi32>
    %ge3A_947 = arith.cmpi sge, %get3A_854, %ge3A_946 : vector<16xi32>
    %ne3A_948 = arith.cmpi ne, %get3A_854, %get3A_848 : vector<16xi32>
    %and3A_949 = arith.andi %ge3A_947, %ne3A_948 : vector<16xi1>
    %ne3A_950 = arith.cmpi ne, %get3A_854, %get3A_851 : vector<16xi32>
    %and3A_951 = arith.andi %and3A_949, %ne3A_950 : vector<16xi1>
    %ge3A_952 = arith.constant 0 : i32
    %ge3A_953 = vector.broadcast %ge3A_952 : i32 to vector<16xi32>
    %ge3A_954 = arith.cmpi sge, %get3A_854, %ge3A_953 : vector<16xi32>
    %jit3A_955 = arith.constant 0 : i32
    %broadcast_in_dim3A_956 = vector.broadcast %jit3A_955 : i32 to vector<16xi32>
    %select_n3A_957 = arith.select %ge3A_954, %get3A_854, %broadcast_in_dim3A_956 : vector<16xi1>, vector<16xi32>
    %shift_right_arithmetic3A_958 = arith.constant 3 : i32
    %shift_right_arithmetic3A_959 = vector.broadcast %shift_right_arithmetic3A_958 : i32 to vector<16xi32>
    %shift_right_arithmetic3A_960 = arith.shrsi %select_n3A_957, %shift_right_arithmetic3A_959 : vector<16xi32>
    %mul3A_961 = arith.constant 32 : i32
    %mul3A_962 = vector.broadcast %mul3A_961 : i32 to vector<16xi32>
    %mul3A_963 = arith.muli %shift_right_arithmetic3A_960, %mul3A_962 : vector<16xi32>
    %add3A_964 = vector.broadcast %add3A : i32 to vector<16xi32>
    %add3A_965 = arith.addi %mul3A_963, %add3A_964 : vector<16xi32>
    %mul3A_966 = arith.constant 1024 : i32
    %mul3A_967 = vector.broadcast %mul3A_966 : i32 to vector<16xi32>
    %mul3A_968 = arith.muli %add3A_965, %mul3A_967 : vector<16xi32>
    %and3A_969 = arith.constant 7 : i32
    %and3A_970 = vector.broadcast %and3A_969 : i32 to vector<16xi32>
    %and3A_971 = arith.andi %select_n3A_957, %and3A_970 : vector<16xi32>
    %shift_left3A_972 = arith.constant 7 : i32
    %shift_left3A_973 = vector.broadcast %shift_left3A_972 : i32 to vector<16xi32>
    %shift_left3A_974 = arith.shli %and3A_971, %shift_left3A_973 : vector<16xi32>
    %add3A_975 = arith.addi %mul3A_968, %shift_left3A_974 : vector<16xi32>
    %add3A_976 = arith.addi %add3A_975, %add3A_845 : vector<16xi32>
    %swap3A_977 = arith.constant 304 : index
    %swap3A_978 = tpu.vector_load %arg7[%swap3A_977] {strides = array<i32>} : memref<640xi32, #tpu.memory_space<vmem>>, vector<16xi32>,
    %swap3A_979 = vector.shape_cast %swap3A_978 : vector<16xi32> to vector<16xi32>
    %swap3A_980 = vector.shape_cast %add3A_976 : vector<16xi32> to vector<16xi32>
    tpu.vector_store %arg7[%swap3A_977], %swap3A_980 {strides = array<i32>} : memref<640xi32, #tpu.memory_space<vmem>>, vector<16xi32>,
    %jit3A_981 = arith.constant 1.000000e+00 : f32
    %jit3A_982 = arith.constant 0.000000e+00 : f32
    %broadcast_in_dim3A_983 = vector.broadcast %jit3A_981 : f32 to vector<16xf32>
    %broadcast_in_dim3A_984 = vector.broadcast %jit3A_982 : f32 to vector<16xf32>
    %select_n3A_985 = arith.select %and3A_951, %broadcast_in_dim3A_983, %broadcast_in_dim3A_984 : vector<16xi1>, vector<16xf32>
    %swap3A_986 = arith.constant 304 : index
    %swap3A_987 = tpu.vector_load %arg9[%swap3A_986] {strides = array<i32>} : memref<1024xf32, #tpu.memory_space<vmem>>, vector<16xf32>,
    %swap3A_988 = vector.shape_cast %swap3A_987 : vector<16xf32> to vector<16xf32>
    %swap3A_989 = vector.shape_cast %select_n3A_985 : vector<16xf32> to vector<16xf32>
    tpu.vector_store %arg9[%swap3A_986], %swap3A_989 {strides = array<i32>} : memref<1024xf32, #tpu.memory_space<vmem>>, vector<16xf32>,
    %ge3A_990 = arith.constant 0 : i32
    %ge3A_991 = vector.broadcast %ge3A_990 : i32 to vector<16xi32>
    %ge3A_992 = arith.cmpi sge, %get3A_857, %ge3A_991 : vector<16xi32>
    %ne3A_993 = arith.cmpi ne, %get3A_857, %get3A_848 : vector<16xi32>
    %and3A_994 = arith.andi %ge3A_992, %ne3A_993 : vector<16xi1>
    %ne3A_995 = arith.cmpi ne, %get3A_857, %get3A_851 : vector<16xi32>
    %and3A_996 = arith.andi %and3A_994, %ne3A_995 : vector<16xi1>
    %ne3A_997 = arith.cmpi ne, %get3A_857, %get3A_854 : vector<16xi32>
    %and3A_998 = arith.andi %and3A_996, %ne3A_997 : vector<16xi1>
    %ge3A_999 = arith.constant 0 : i32
    %ge3A_1000 = vector.broadcast %ge3A_999 : i32 to vector<16xi32>
    %ge3A_1001 = arith.cmpi sge, %get3A_857, %ge3A_1000 : vector<16xi32>
    %jit3A_1002 = arith.constant 0 : i32
    %broadcast_in_dim3A_1003 = vector.broadcast %jit3A_1002 : i32 to vector<16xi32>
    %select_n3A_1004 = arith.select %ge3A_1001, %get3A_857, %broadcast_in_dim3A_1003 : vector<16xi1>, vector<16xi32>
    %shift_right_arithmetic3A_1005 = arith.constant 3 : i32
    %shift_right_arithmetic3A_1006 = vector.broadcast %shift_right_arithmetic3A_1005 : i32 to vector<16xi32>
    %shift_right_arithmetic3A_1007 = arith.shrsi %select_n3A_1004, %shift_right_arithmetic3A_1006 : vector<16xi32>
    %mul3A_1008 = arith.constant 32 : i32
    %mul3A_1009 = vector.broadcast %mul3A_1008 : i32 to vector<16xi32>
    %mul3A_1010 = arith.muli %shift_right_arithmetic3A_1007, %mul3A_1009 : vector<16xi32>
    %add3A_1011 = vector.broadcast %add3A : i32 to vector<16xi32>
    %add3A_1012 = arith.addi %mul3A_1010, %add3A_1011 : vector<16xi32>
    %mul3A_1013 = arith.constant 1024 : i32
    %mul3A_1014 = vector.broadcast %mul3A_1013 : i32 to vector<16xi32>
    %mul3A_1015 = arith.muli %add3A_1012, %mul3A_1014 : vector<16xi32>
    %and3A_1016 = arith.constant 7 : i32
    %and3A_1017 = vector.broadcast %and3A_1016 : i32 to vector<16xi32>
    %and3A_1018 = arith.andi %select_n3A_1004, %and3A_1017 : vector<16xi32>
    %shift_left3A_1019 = arith.constant 7 : i32
    %shift_left3A_1020 = vector.broadcast %shift_left3A_1019 : i32 to vector<16xi32>
    %shift_left3A_1021 = arith.shli %and3A_1018, %shift_left3A_1020 : vector<16xi32>
    %add3A_1022 = arith.addi %mul3A_1015, %shift_left3A_1021 : vector<16xi32>
    %add3A_1023 = arith.addi %add3A_1022, %add3A_845 : vector<16xi32>
    %swap3A_1024 = arith.constant 432 : index
    %swap3A_1025 = tpu.vector_load %arg7[%swap3A_1024] {strides = array<i32>} : memref<640xi32, #tpu.memory_space<vmem>>, vector<16xi32>,
    %swap3A_1026 = vector.shape_cast %swap3A_1025 : vector<16xi32> to vector<16xi32>
    %swap3A_1027 = vector.shape_cast %add3A_1023 : vector<16xi32> to vector<16xi32>
    tpu.vector_store %arg7[%swap3A_1024], %swap3A_1027 {strides = array<i32>} : memref<640xi32, #tpu.memory_space<vmem>>, vector<16xi32>,
    %jit3A_1028 = arith.constant 1.000000e+00 : f32
    %jit3A_1029 = arith.constant 0.000000e+00 : f32
    %broadcast_in_dim3A_1030 = vector.broadcast %jit3A_1028 : f32 to vector<16xf32>
    %broadcast_in_dim3A_1031 = vector.broadcast %jit3A_1029 : f32 to vector<16xf32>
    %select_n3A_1032 = arith.select %and3A_998, %broadcast_in_dim3A_1030, %broadcast_in_dim3A_1031 : vector<16xi1>, vector<16xf32>
    %swap3A_1033 = arith.constant 432 : index
    %swap3A_1034 = tpu.vector_load %arg9[%swap3A_1033] {strides = array<i32>} : memref<1024xf32, #tpu.memory_space<vmem>>, vector<16xf32>,
    %swap3A_1035 = vector.shape_cast %swap3A_1034 : vector<16xf32> to vector<16xf32>
    %swap3A_1036 = vector.shape_cast %select_n3A_1032 : vector<16xf32> to vector<16xf32>
    tpu.vector_store %arg9[%swap3A_1033], %swap3A_1036 {strides = array<i32>} : memref<1024xf32, #tpu.memory_space<vmem>>, vector<16xf32>,
    %ge3A_1037 = arith.constant 0 : i32
    %ge3A_1038 = vector.broadcast %ge3A_1037 : i32 to vector<16xi32>
    %ge3A_1039 = arith.cmpi sge, %get3A_860, %ge3A_1038 : vector<16xi32>
    %ne3A_1040 = arith.cmpi ne, %get3A_860, %get3A_848 : vector<16xi32>
    %and3A_1041 = arith.andi %ge3A_1039, %ne3A_1040 : vector<16xi1>
    %ne3A_1042 = arith.cmpi ne, %get3A_860, %get3A_851 : vector<16xi32>
    %and3A_1043 = arith.andi %and3A_1041, %ne3A_1042 : vector<16xi1>
    %ne3A_1044 = arith.cmpi ne, %get3A_860, %get3A_854 : vector<16xi32>
    %and3A_1045 = arith.andi %and3A_1043, %ne3A_1044 : vector<16xi1>
    %ne3A_1046 = arith.cmpi ne, %get3A_860, %get3A_857 : vector<16xi32>
    %and3A_1047 = arith.andi %and3A_1045, %ne3A_1046 : vector<16xi1>
    %ge3A_1048 = arith.constant 0 : i32
    %ge3A_1049 = vector.broadcast %ge3A_1048 : i32 to vector<16xi32>
    %ge3A_1050 = arith.cmpi sge, %get3A_860, %ge3A_1049 : vector<16xi32>
    %jit3A_1051 = arith.constant 0 : i32
    %broadcast_in_dim3A_1052 = vector.broadcast %jit3A_1051 : i32 to vector<16xi32>
    %select_n3A_1053 = arith.select %ge3A_1050, %get3A_860, %broadcast_in_dim3A_1052 : vector<16xi1>, vector<16xi32>
    %shift_right_arithmetic3A_1054 = arith.constant 3 : i32
    %shift_right_arithmetic3A_1055 = vector.broadcast %shift_right_arithmetic3A_1054 : i32 to vector<16xi32>
    %shift_right_arithmetic3A_1056 = arith.shrsi %select_n3A_1053, %shift_right_arithmetic3A_1055 : vector<16xi32>
    %mul3A_1057 = arith.constant 32 : i32
    %mul3A_1058 = vector.broadcast %mul3A_1057 : i32 to vector<16xi32>
    %mul3A_1059 = arith.muli %shift_right_arithmetic3A_1056, %mul3A_1058 : vector<16xi32>
    %add3A_1060 = vector.broadcast %add3A : i32 to vector<16xi32>
    %add3A_1061 = arith.addi %mul3A_1059, %add3A_1060 : vector<16xi32>
    %mul3A_1062 = arith.constant 1024 : i32
    %mul3A_1063 = vector.broadcast %mul3A_1062 : i32 to vector<16xi32>
    %mul3A_1064 = arith.muli %add3A_1061, %mul3A_1063 : vector<16xi32>
    %and3A_1065 = arith.constant 7 : i32
    %and3A_1066 = vector.broadcast %and3A_1065 : i32 to vector<16xi32>
    %and3A_1067 = arith.andi %select_n3A_1053, %and3A_1066 : vector<16xi32>
    %shift_left3A_1068 = arith.constant 7 : i32
    %shift_left3A_1069 = vector.broadcast %shift_left3A_1068 : i32 to vector<16xi32>
    %shift_left3A_1070 = arith.shli %and3A_1067, %shift_left3A_1069 : vector<16xi32>
    %add3A_1071 = arith.addi %mul3A_1064, %shift_left3A_1070 : vector<16xi32>
    %add3A_1072 = arith.addi %add3A_1071, %add3A_845 : vector<16xi32>
    %swap3A_1073 = arith.constant 560 : index
    %swap3A_1074 = tpu.vector_load %arg7[%swap3A_1073] {strides = array<i32>} : memref<640xi32, #tpu.memory_space<vmem>>, vector<16xi32>,
    %swap3A_1075 = vector.shape_cast %swap3A_1074 : vector<16xi32> to vector<16xi32>
    %swap3A_1076 = vector.shape_cast %add3A_1072 : vector<16xi32> to vector<16xi32>
    tpu.vector_store %arg7[%swap3A_1073], %swap3A_1076 {strides = array<i32>} : memref<640xi32, #tpu.memory_space<vmem>>, vector<16xi32>,
    %jit3A_1077 = arith.constant 1.000000e+00 : f32
    %jit3A_1078 = arith.constant 0.000000e+00 : f32
    %broadcast_in_dim3A_1079 = vector.broadcast %jit3A_1077 : f32 to vector<16xf32>
    %broadcast_in_dim3A_1080 = vector.broadcast %jit3A_1078 : f32 to vector<16xf32>
    %select_n3A_1081 = arith.select %and3A_1047, %broadcast_in_dim3A_1079, %broadcast_in_dim3A_1080 : vector<16xi1>, vector<16xf32>
    %swap3A_1082 = arith.constant 560 : index
    %swap3A_1083 = tpu.vector_load %arg9[%swap3A_1082] {strides = array<i32>} : memref<1024xf32, #tpu.memory_space<vmem>>, vector<16xf32>,
    %swap3A_1084 = vector.shape_cast %swap3A_1083 : vector<16xf32> to vector<16xf32>
    %swap3A_1085 = vector.shape_cast %select_n3A_1081 : vector<16xf32> to vector<16xf32>
    tpu.vector_store %arg9[%swap3A_1082], %swap3A_1085 {strides = array<i32>} : memref<1024xf32, #tpu.memory_space<vmem>>, vector<16xf32>,
    %broadcast_in_dim3A_1086 = arith.constant 0.000000e+00 : f32
    %broadcast_in_dim3A_1087 = vector.broadcast %broadcast_in_dim3A_1086 : f32 to vector<16xf32>
    %swap3A_1088 = arith.constant 688 : index
    %swap3A_1089 = tpu.vector_load %arg9[%swap3A_1088] {strides = array<i32>} : memref<1024xf32, #tpu.memory_space<vmem>>, vector<16xf32>,
    %swap3A_1090 = vector.shape_cast %swap3A_1089 : vector<16xf32> to vector<16xf32>
    %swap3A_1091 = vector.shape_cast %broadcast_in_dim3A_1087 : vector<16xf32> to vector<16xf32>
    tpu.vector_store %arg9[%swap3A_1088], %swap3A_1091 {strides = array<i32>} : memref<1024xf32, #tpu.memory_space<vmem>>, vector<16xf32>,
    %broadcast_in_dim3A_1092 = arith.constant 0.000000e+00 : f32
    %broadcast_in_dim3A_1093 = vector.broadcast %broadcast_in_dim3A_1092 : f32 to vector<16xf32>
    %swap3A_1094 = arith.constant 688 : index
    %swap3A_1095 = tpu.vector_load %arg8[%swap3A_1094] {strides = array<i32>} : memref<1024xf32, #tpu.memory_space<vmem>>, vector<16xf32>,
    %swap3A_1096 = vector.shape_cast %swap3A_1095 : vector<16xf32> to vector<16xf32>
    %swap3A_1097 = vector.shape_cast %broadcast_in_dim3A_1093 : vector<16xf32> to vector<16xf32>
    tpu.vector_store %arg8[%swap3A_1094], %swap3A_1097 {strides = array<i32>} : memref<1024xf32, #tpu.memory_space<vmem>>, vector<16xf32>,
    %broadcast_in_dim3A_1098 = arith.constant 0.000000e+00 : f32
    %broadcast_in_dim3A_1099 = vector.broadcast %broadcast_in_dim3A_1098 : f32 to vector<16xf32>
    %swap3A_1100 = arith.constant 816 : index
    %swap3A_1101 = tpu.vector_load %arg9[%swap3A_1100] {strides = array<i32>} : memref<1024xf32, #tpu.memory_space<vmem>>, vector<16xf32>,
    %swap3A_1102 = vector.shape_cast %swap3A_1101 : vector<16xf32> to vector<16xf32>
    %swap3A_1103 = vector.shape_cast %broadcast_in_dim3A_1099 : vector<16xf32> to vector<16xf32>
    tpu.vector_store %arg9[%swap3A_1100], %swap3A_1103 {strides = array<i32>} : memref<1024xf32, #tpu.memory_space<vmem>>, vector<16xf32>,
    %broadcast_in_dim3A_1104 = arith.constant 0.000000e+00 : f32
    %broadcast_in_dim3A_1105 = vector.broadcast %broadcast_in_dim3A_1104 : f32 to vector<16xf32>
    %swap3A_1106 = arith.constant 816 : index
    %swap3A_1107 = tpu.vector_load %arg8[%swap3A_1106] {strides = array<i32>} : memref<1024xf32, #tpu.memory_space<vmem>>, vector<16xf32>,
    %swap3A_1108 = vector.shape_cast %swap3A_1107 : vector<16xf32> to vector<16xf32>
    %swap3A_1109 = vector.shape_cast %broadcast_in_dim3A_1105 : vector<16xf32> to vector<16xf32>
    tpu.vector_store %arg8[%swap3A_1106], %swap3A_1109 {strides = array<i32>} : memref<1024xf32, #tpu.memory_space<vmem>>, vector<16xf32>,
    %broadcast_in_dim3A_1110 = arith.constant 0.000000e+00 : f32
    %broadcast_in_dim3A_1111 = vector.broadcast %broadcast_in_dim3A_1110 : f32 to vector<16xf32>
    %swap3A_1112 = arith.constant 944 : index
    %swap3A_1113 = tpu.vector_load %arg9[%swap3A_1112] {strides = array<i32>} : memref<1024xf32, #tpu.memory_space<vmem>>, vector<16xf32>,
    %swap3A_1114 = vector.shape_cast %swap3A_1113 : vector<16xf32> to vector<16xf32>
    %swap3A_1115 = vector.shape_cast %broadcast_in_dim3A_1111 : vector<16xf32> to vector<16xf32>
    tpu.vector_store %arg9[%swap3A_1112], %swap3A_1115 {strides = array<i32>} : memref<1024xf32, #tpu.memory_space<vmem>>, vector<16xf32>,
    %broadcast_in_dim3A_1116 = arith.constant 0.000000e+00 : f32
    %broadcast_in_dim3A_1117 = vector.broadcast %broadcast_in_dim3A_1116 : f32 to vector<16xf32>
    %swap3A_1118 = arith.constant 944 : index
    %swap3A_1119 = tpu.vector_load %arg8[%swap3A_1118] {strides = array<i32>} : memref<1024xf32, #tpu.memory_space<vmem>>, vector<16xf32>,
    %swap3A_1120 = vector.shape_cast %swap3A_1119 : vector<16xf32> to vector<16xf32>
    %swap3A_1121 = vector.shape_cast %broadcast_in_dim3A_1117 : vector<16xf32> to vector<16xf32>
    tpu.vector_store %arg8[%swap3A_1118], %swap3A_1121 {strides = array<i32>} : memref<1024xf32, #tpu.memory_space<vmem>>, vector<16xf32>,
    %iota3A_1122 = tpu.iota {dimensions = array<i32: 0>} : vector<16xi32>
    %add3A_1123 = arith.constant 64 : i32
    %add3A_1124 = vector.broadcast %add3A_1123 : i32 to vector<16xi32>
    %add3A_1125 = arith.addi %iota3A_1122, %add3A_1124 : vector<16xi32>
    %get3A_1126 = arith.constant 64 : index
    %get3A_1127 = tpu.vector_load %arg6[%get3A_1126] {strides = array<i32>} : memref<640xi32, #tpu.memory_space<vmem>>, vector<16xi32>,
    %get3A_1128 = vector.shape_cast %get3A_1127 : vector<16xi32> to vector<16xi32>
    %get3A_1129 = arith.constant 192 : index
    %get3A_1130 = tpu.vector_load %arg6[%get3A_1129] {strides = array<i32>} : memref<640xi32, #tpu.memory_space<vmem>>, vector<16xi32>,
    %get3A_1131 = vector.shape_cast %get3A_1130 : vector<16xi32> to vector<16xi32>
    %get3A_1132 = arith.constant 320 : index
    %get3A_1133 = tpu.vector_load %arg6[%get3A_1132] {strides = array<i32>} : memref<640xi32, #tpu.memory_space<vmem>>, vector<16xi32>,
    %get3A_1134 = vector.shape_cast %get3A_1133 : vector<16xi32> to vector<16xi32>
    %get3A_1135 = arith.constant 448 : index
    %get3A_1136 = tpu.vector_load %arg6[%get3A_1135] {strides = array<i32>} : memref<640xi32, #tpu.memory_space<vmem>>, vector<16xi32>,
    %get3A_1137 = vector.shape_cast %get3A_1136 : vector<16xi32> to vector<16xi32>
    %get3A_1138 = arith.constant 576 : index
    %get3A_1139 = tpu.vector_load %arg6[%get3A_1138] {strides = array<i32>} : memref<640xi32, #tpu.memory_space<vmem>>, vector<16xi32>,
    %get3A_1140 = vector.shape_cast %get3A_1139 : vector<16xi32> to vector<16xi32>
    %ge3A_1141 = arith.constant 0 : i32
    %ge3A_1142 = vector.broadcast %ge3A_1141 : i32 to vector<16xi32>
    %ge3A_1143 = arith.cmpi sge, %get3A_1128, %ge3A_1142 : vector<16xi32>
    %ge3A_1144 = arith.constant 0 : i32
    %ge3A_1145 = vector.broadcast %ge3A_1144 : i32 to vector<16xi32>
    %ge3A_1146 = arith.cmpi sge, %get3A_1128, %ge3A_1145 : vector<16xi32>
    %jit3A_1147 = arith.constant 0 : i32
    %broadcast_in_dim3A_1148 = vector.broadcast %jit3A_1147 : i32 to vector<16xi32>
    %select_n3A_1149 = arith.select %ge3A_1146, %get3A_1128, %broadcast_in_dim3A_1148 : vector<16xi1>, vector<16xi32>
    %shift_right_arithmetic3A_1150 = arith.constant 3 : i32
    %shift_right_arithmetic3A_1151 = vector.broadcast %shift_right_arithmetic3A_1150 : i32 to vector<16xi32>
    %shift_right_arithmetic3A_1152 = arith.shrsi %select_n3A_1149, %shift_right_arithmetic3A_1151 : vector<16xi32>
    %mul3A_1153 = arith.constant 32 : i32
    %mul3A_1154 = vector.broadcast %mul3A_1153 : i32 to vector<16xi32>
    %mul3A_1155 = arith.muli %shift_right_arithmetic3A_1152, %mul3A_1154 : vector<16xi32>
    %add3A_1156 = vector.broadcast %add3A : i32 to vector<16xi32>
    %add3A_1157 = arith.addi %mul3A_1155, %add3A_1156 : vector<16xi32>
    %mul3A_1158 = arith.constant 1024 : i32
    %mul3A_1159 = vector.broadcast %mul3A_1158 : i32 to vector<16xi32>
    %mul3A_1160 = arith.muli %add3A_1157, %mul3A_1159 : vector<16xi32>
    %and3A_1161 = arith.constant 7 : i32
    %and3A_1162 = vector.broadcast %and3A_1161 : i32 to vector<16xi32>
    %and3A_1163 = arith.andi %select_n3A_1149, %and3A_1162 : vector<16xi32>
    %shift_left3A_1164 = arith.constant 7 : i32
    %shift_left3A_1165 = vector.broadcast %shift_left3A_1164 : i32 to vector<16xi32>
    %shift_left3A_1166 = arith.shli %and3A_1163, %shift_left3A_1165 : vector<16xi32>
    %add3A_1167 = arith.addi %mul3A_1160, %shift_left3A_1166 : vector<16xi32>
    %add3A_1168 = arith.addi %add3A_1167, %add3A_1125 : vector<16xi32>
    %swap3A_1169 = arith.constant 64 : index
    %swap3A_1170 = tpu.vector_load %arg7[%swap3A_1169] {strides = array<i32>} : memref<640xi32, #tpu.memory_space<vmem>>, vector<16xi32>,
    %swap3A_1171 = vector.shape_cast %swap3A_1170 : vector<16xi32> to vector<16xi32>
    %swap3A_1172 = vector.shape_cast %add3A_1168 : vector<16xi32> to vector<16xi32>
    tpu.vector_store %arg7[%swap3A_1169], %swap3A_1172 {strides = array<i32>} : memref<640xi32, #tpu.memory_space<vmem>>, vector<16xi32>,
    %jit3A_1173 = arith.constant 1.000000e+00 : f32
    %jit3A_1174 = arith.constant 0.000000e+00 : f32
    %broadcast_in_dim3A_1175 = vector.broadcast %jit3A_1173 : f32 to vector<16xf32>
    %broadcast_in_dim3A_1176 = vector.broadcast %jit3A_1174 : f32 to vector<16xf32>
    %select_n3A_1177 = arith.select %ge3A_1143, %broadcast_in_dim3A_1175, %broadcast_in_dim3A_1176 : vector<16xi1>, vector<16xf32>
    %swap3A_1178 = arith.constant 64 : index
    %swap3A_1179 = tpu.vector_load %arg9[%swap3A_1178] {strides = array<i32>} : memref<1024xf32, #tpu.memory_space<vmem>>, vector<16xf32>,
    %swap3A_1180 = vector.shape_cast %swap3A_1179 : vector<16xf32> to vector<16xf32>
    %swap3A_1181 = vector.shape_cast %select_n3A_1177 : vector<16xf32> to vector<16xf32>
    tpu.vector_store %arg9[%swap3A_1178], %swap3A_1181 {strides = array<i32>} : memref<1024xf32, #tpu.memory_space<vmem>>, vector<16xf32>,
    %ge3A_1182 = arith.constant 0 : i32
    %ge3A_1183 = vector.broadcast %ge3A_1182 : i32 to vector<16xi32>
    %ge3A_1184 = arith.cmpi sge, %get3A_1131, %ge3A_1183 : vector<16xi32>
    %ne3A_1185 = arith.cmpi ne, %get3A_1131, %get3A_1128 : vector<16xi32>
    %and3A_1186 = arith.andi %ge3A_1184, %ne3A_1185 : vector<16xi1>
    %ge3A_1187 = arith.constant 0 : i32
    %ge3A_1188 = vector.broadcast %ge3A_1187 : i32 to vector<16xi32>
    %ge3A_1189 = arith.cmpi sge, %get3A_1131, %ge3A_1188 : vector<16xi32>
    %jit3A_1190 = arith.constant 0 : i32
    %broadcast_in_dim3A_1191 = vector.broadcast %jit3A_1190 : i32 to vector<16xi32>
    %select_n3A_1192 = arith.select %ge3A_1189, %get3A_1131, %broadcast_in_dim3A_1191 : vector<16xi1>, vector<16xi32>
    %shift_right_arithmetic3A_1193 = arith.constant 3 : i32
    %shift_right_arithmetic3A_1194 = vector.broadcast %shift_right_arithmetic3A_1193 : i32 to vector<16xi32>
    %shift_right_arithmetic3A_1195 = arith.shrsi %select_n3A_1192, %shift_right_arithmetic3A_1194 : vector<16xi32>
    %mul3A_1196 = arith.constant 32 : i32
    %mul3A_1197 = vector.broadcast %mul3A_1196 : i32 to vector<16xi32>
    %mul3A_1198 = arith.muli %shift_right_arithmetic3A_1195, %mul3A_1197 : vector<16xi32>
    %add3A_1199 = vector.broadcast %add3A : i32 to vector<16xi32>
    %add3A_1200 = arith.addi %mul3A_1198, %add3A_1199 : vector<16xi32>
    %mul3A_1201 = arith.constant 1024 : i32
    %mul3A_1202 = vector.broadcast %mul3A_1201 : i32 to vector<16xi32>
    %mul3A_1203 = arith.muli %add3A_1200, %mul3A_1202 : vector<16xi32>
    %and3A_1204 = arith.constant 7 : i32
    %and3A_1205 = vector.broadcast %and3A_1204 : i32 to vector<16xi32>
    %and3A_1206 = arith.andi %select_n3A_1192, %and3A_1205 : vector<16xi32>
    %shift_left3A_1207 = arith.constant 7 : i32
    %shift_left3A_1208 = vector.broadcast %shift_left3A_1207 : i32 to vector<16xi32>
    %shift_left3A_1209 = arith.shli %and3A_1206, %shift_left3A_1208 : vector<16xi32>
    %add3A_1210 = arith.addi %mul3A_1203, %shift_left3A_1209 : vector<16xi32>
    %add3A_1211 = arith.addi %add3A_1210, %add3A_1125 : vector<16xi32>
    %swap3A_1212 = arith.constant 192 : index
    %swap3A_1213 = tpu.vector_load %arg7[%swap3A_1212] {strides = array<i32>} : memref<640xi32, #tpu.memory_space<vmem>>, vector<16xi32>,
    %swap3A_1214 = vector.shape_cast %swap3A_1213 : vector<16xi32> to vector<16xi32>
    %swap3A_1215 = vector.shape_cast %add3A_1211 : vector<16xi32> to vector<16xi32>
    tpu.vector_store %arg7[%swap3A_1212], %swap3A_1215 {strides = array<i32>} : memref<640xi32, #tpu.memory_space<vmem>>, vector<16xi32>,
    %jit3A_1216 = arith.constant 1.000000e+00 : f32
    %jit3A_1217 = arith.constant 0.000000e+00 : f32
    %broadcast_in_dim3A_1218 = vector.broadcast %jit3A_1216 : f32 to vector<16xf32>
    %broadcast_in_dim3A_1219 = vector.broadcast %jit3A_1217 : f32 to vector<16xf32>
    %select_n3A_1220 = arith.select %and3A_1186, %broadcast_in_dim3A_1218, %broadcast_in_dim3A_1219 : vector<16xi1>, vector<16xf32>
    %swap3A_1221 = arith.constant 192 : index
    %swap3A_1222 = tpu.vector_load %arg9[%swap3A_1221] {strides = array<i32>} : memref<1024xf32, #tpu.memory_space<vmem>>, vector<16xf32>,
    %swap3A_1223 = vector.shape_cast %swap3A_1222 : vector<16xf32> to vector<16xf32>
    %swap3A_1224 = vector.shape_cast %select_n3A_1220 : vector<16xf32> to vector<16xf32>
    tpu.vector_store %arg9[%swap3A_1221], %swap3A_1224 {strides = array<i32>} : memref<1024xf32, #tpu.memory_space<vmem>>, vector<16xf32>,
    %ge3A_1225 = arith.constant 0 : i32
    %ge3A_1226 = vector.broadcast %ge3A_1225 : i32 to vector<16xi32>
    %ge3A_1227 = arith.cmpi sge, %get3A_1134, %ge3A_1226 : vector<16xi32>
    %ne3A_1228 = arith.cmpi ne, %get3A_1134, %get3A_1128 : vector<16xi32>
    %and3A_1229 = arith.andi %ge3A_1227, %ne3A_1228 : vector<16xi1>
    %ne3A_1230 = arith.cmpi ne, %get3A_1134, %get3A_1131 : vector<16xi32>
    %and3A_1231 = arith.andi %and3A_1229, %ne3A_1230 : vector<16xi1>
    %ge3A_1232 = arith.constant 0 : i32
    %ge3A_1233 = vector.broadcast %ge3A_1232 : i32 to vector<16xi32>
    %ge3A_1234 = arith.cmpi sge, %get3A_1134, %ge3A_1233 : vector<16xi32>
    %jit3A_1235 = arith.constant 0 : i32
    %broadcast_in_dim3A_1236 = vector.broadcast %jit3A_1235 : i32 to vector<16xi32>
    %select_n3A_1237 = arith.select %ge3A_1234, %get3A_1134, %broadcast_in_dim3A_1236 : vector<16xi1>, vector<16xi32>
    %shift_right_arithmetic3A_1238 = arith.constant 3 : i32
    %shift_right_arithmetic3A_1239 = vector.broadcast %shift_right_arithmetic3A_1238 : i32 to vector<16xi32>
    %shift_right_arithmetic3A_1240 = arith.shrsi %select_n3A_1237, %shift_right_arithmetic3A_1239 : vector<16xi32>
    %mul3A_1241 = arith.constant 32 : i32
    %mul3A_1242 = vector.broadcast %mul3A_1241 : i32 to vector<16xi32>
    %mul3A_1243 = arith.muli %shift_right_arithmetic3A_1240, %mul3A_1242 : vector<16xi32>
    %add3A_1244 = vector.broadcast %add3A : i32 to vector<16xi32>
    %add3A_1245 = arith.addi %mul3A_1243, %add3A_1244 : vector<16xi32>
    %mul3A_1246 = arith.constant 1024 : i32
    %mul3A_1247 = vector.broadcast %mul3A_1246 : i32 to vector<16xi32>
    %mul3A_1248 = arith.muli %add3A_1245, %mul3A_1247 : vector<16xi32>
    %and3A_1249 = arith.constant 7 : i32
    %and3A_1250 = vector.broadcast %and3A_1249 : i32 to vector<16xi32>
    %and3A_1251 = arith.andi %select_n3A_1237, %and3A_1250 : vector<16xi32>
    %shift_left3A_1252 = arith.constant 7 : i32
    %shift_left3A_1253 = vector.broadcast %shift_left3A_1252 : i32 to vector<16xi32>
    %shift_left3A_1254 = arith.shli %and3A_1251, %shift_left3A_1253 : vector<16xi32>
    %add3A_1255 = arith.addi %mul3A_1248, %shift_left3A_1254 : vector<16xi32>
    %add3A_1256 = arith.addi %add3A_1255, %add3A_1125 : vector<16xi32>
    %swap3A_1257 = arith.constant 320 : index
    %swap3A_1258 = tpu.vector_load %arg7[%swap3A_1257] {strides = array<i32>} : memref<640xi32, #tpu.memory_space<vmem>>, vector<16xi32>,
    %swap3A_1259 = vector.shape_cast %swap3A_1258 : vector<16xi32> to vector<16xi32>
    %swap3A_1260 = vector.shape_cast %add3A_1256 : vector<16xi32> to vector<16xi32>
    tpu.vector_store %arg7[%swap3A_1257], %swap3A_1260 {strides = array<i32>} : memref<640xi32, #tpu.memory_space<vmem>>, vector<16xi32>,
    %jit3A_1261 = arith.constant 1.000000e+00 : f32
    %jit3A_1262 = arith.constant 0.000000e+00 : f32
    %broadcast_in_dim3A_1263 = vector.broadcast %jit3A_1261 : f32 to vector<16xf32>
    %broadcast_in_dim3A_1264 = vector.broadcast %jit3A_1262 : f32 to vector<16xf32>
    %select_n3A_1265 = arith.select %and3A_1231, %broadcast_in_dim3A_1263, %broadcast_in_dim3A_1264 : vector<16xi1>, vector<16xf32>
    %swap3A_1266 = arith.constant 320 : index
    %swap3A_1267 = tpu.vector_load %arg9[%swap3A_1266] {strides = array<i32>} : memref<1024xf32, #tpu.memory_space<vmem>>, vector<16xf32>,
    %swap3A_1268 = vector.shape_cast %swap3A_1267 : vector<16xf32> to vector<16xf32>
    %swap3A_1269 = vector.shape_cast %select_n3A_1265 : vector<16xf32> to vector<16xf32>
    tpu.vector_store %arg9[%swap3A_1266], %swap3A_1269 {strides = array<i32>} : memref<1024xf32, #tpu.memory_space<vmem>>, vector<16xf32>,
    %ge3A_1270 = arith.constant 0 : i32
    %ge3A_1271 = vector.broadcast %ge3A_1270 : i32 to vector<16xi32>
    %ge3A_1272 = arith.cmpi sge, %get3A_1137, %ge3A_1271 : vector<16xi32>
    %ne3A_1273 = arith.cmpi ne, %get3A_1137, %get3A_1128 : vector<16xi32>
    %and3A_1274 = arith.andi %ge3A_1272, %ne3A_1273 : vector<16xi1>
    %ne3A_1275 = arith.cmpi ne, %get3A_1137, %get3A_1131 : vector<16xi32>
    %and3A_1276 = arith.andi %and3A_1274, %ne3A_1275 : vector<16xi1>
    %ne3A_1277 = arith.cmpi ne, %get3A_1137, %get3A_1134 : vector<16xi32>
    %and3A_1278 = arith.andi %and3A_1276, %ne3A_1277 : vector<16xi1>
    %ge3A_1279 = arith.constant 0 : i32
    %ge3A_1280 = vector.broadcast %ge3A_1279 : i32 to vector<16xi32>
    %ge3A_1281 = arith.cmpi sge, %get3A_1137, %ge3A_1280 : vector<16xi32>
    %jit3A_1282 = arith.constant 0 : i32
    %broadcast_in_dim3A_1283 = vector.broadcast %jit3A_1282 : i32 to vector<16xi32>
    %select_n3A_1284 = arith.select %ge3A_1281, %get3A_1137, %broadcast_in_dim3A_1283 : vector<16xi1>, vector<16xi32>
    %shift_right_arithmetic3A_1285 = arith.constant 3 : i32
    %shift_right_arithmetic3A_1286 = vector.broadcast %shift_right_arithmetic3A_1285 : i32 to vector<16xi32>
    %shift_right_arithmetic3A_1287 = arith.shrsi %select_n3A_1284, %shift_right_arithmetic3A_1286 : vector<16xi32>
    %mul3A_1288 = arith.constant 32 : i32
    %mul3A_1289 = vector.broadcast %mul3A_1288 : i32 to vector<16xi32>
    %mul3A_1290 = arith.muli %shift_right_arithmetic3A_1287, %mul3A_1289 : vector<16xi32>
    %add3A_1291 = vector.broadcast %add3A : i32 to vector<16xi32>
    %add3A_1292 = arith.addi %mul3A_1290, %add3A_1291 : vector<16xi32>
    %mul3A_1293 = arith.constant 1024 : i32
    %mul3A_1294 = vector.broadcast %mul3A_1293 : i32 to vector<16xi32>
    %mul3A_1295 = arith.muli %add3A_1292, %mul3A_1294 : vector<16xi32>
    %and3A_1296 = arith.constant 7 : i32
    %and3A_1297 = vector.broadcast %and3A_1296 : i32 to vector<16xi32>
    %and3A_1298 = arith.andi %select_n3A_1284, %and3A_1297 : vector<16xi32>
    %shift_left3A_1299 = arith.constant 7 : i32
    %shift_left3A_1300 = vector.broadcast %shift_left3A_1299 : i32 to vector<16xi32>
    %shift_left3A_1301 = arith.shli %and3A_1298, %shift_left3A_1300 : vector<16xi32>
    %add3A_1302 = arith.addi %mul3A_1295, %shift_left3A_1301 : vector<16xi32>
    %add3A_1303 = arith.addi %add3A_1302, %add3A_1125 : vector<16xi32>
    %swap3A_1304 = arith.constant 448 : index
    %swap3A_1305 = tpu.vector_load %arg7[%swap3A_1304] {strides = array<i32>} : memref<640xi32, #tpu.memory_space<vmem>>, vector<16xi32>,
    %swap3A_1306 = vector.shape_cast %swap3A_1305 : vector<16xi32> to vector<16xi32>
    %swap3A_1307 = vector.shape_cast %add3A_1303 : vector<16xi32> to vector<16xi32>
    tpu.vector_store %arg7[%swap3A_1304], %swap3A_1307 {strides = array<i32>} : memref<640xi32, #tpu.memory_space<vmem>>, vector<16xi32>,
    %jit3A_1308 = arith.constant 1.000000e+00 : f32
    %jit3A_1309 = arith.constant 0.000000e+00 : f32
    %broadcast_in_dim3A_1310 = vector.broadcast %jit3A_1308 : f32 to vector<16xf32>
    %broadcast_in_dim3A_1311 = vector.broadcast %jit3A_1309 : f32 to vector<16xf32>
    %select_n3A_1312 = arith.select %and3A_1278, %broadcast_in_dim3A_1310, %broadcast_in_dim3A_1311 : vector<16xi1>, vector<16xf32>
    %swap3A_1313 = arith.constant 448 : index
    %swap3A_1314 = tpu.vector_load %arg9[%swap3A_1313] {strides = array<i32>} : memref<1024xf32, #tpu.memory_space<vmem>>, vector<16xf32>,
    %swap3A_1315 = vector.shape_cast %swap3A_1314 : vector<16xf32> to vector<16xf32>
    %swap3A_1316 = vector.shape_cast %select_n3A_1312 : vector<16xf32> to vector<16xf32>
    tpu.vector_store %arg9[%swap3A_1313], %swap3A_1316 {strides = array<i32>} : memref<1024xf32, #tpu.memory_space<vmem>>, vector<16xf32>,
    %ge3A_1317 = arith.constant 0 : i32
    %ge3A_1318 = vector.broadcast %ge3A_1317 : i32 to vector<16xi32>
    %ge3A_1319 = arith.cmpi sge, %get3A_1140, %ge3A_1318 : vector<16xi32>
    %ne3A_1320 = arith.cmpi ne, %get3A_1140, %get3A_1128 : vector<16xi32>
    %and3A_1321 = arith.andi %ge3A_1319, %ne3A_1320 : vector<16xi1>
    %ne3A_1322 = arith.cmpi ne, %get3A_1140, %get3A_1131 : vector<16xi32>
    %and3A_1323 = arith.andi %and3A_1321, %ne3A_1322 : vector<16xi1>
    %ne3A_1324 = arith.cmpi ne, %get3A_1140, %get3A_1134 : vector<16xi32>
    %and3A_1325 = arith.andi %and3A_1323, %ne3A_1324 : vector<16xi1>
    %ne3A_1326 = arith.cmpi ne, %get3A_1140, %get3A_1137 : vector<16xi32>
    %and3A_1327 = arith.andi %and3A_1325, %ne3A_1326 : vector<16xi1>
    %ge3A_1328 = arith.constant 0 : i32
    %ge3A_1329 = vector.broadcast %ge3A_1328 : i32 to vector<16xi32>
    %ge3A_1330 = arith.cmpi sge, %get3A_1140, %ge3A_1329 : vector<16xi32>
    %jit3A_1331 = arith.constant 0 : i32
    %broadcast_in_dim3A_1332 = vector.broadcast %jit3A_1331 : i32 to vector<16xi32>
    %select_n3A_1333 = arith.select %ge3A_1330, %get3A_1140, %broadcast_in_dim3A_1332 : vector<16xi1>, vector<16xi32>
    %shift_right_arithmetic3A_1334 = arith.constant 3 : i32
    %shift_right_arithmetic3A_1335 = vector.broadcast %shift_right_arithmetic3A_1334 : i32 to vector<16xi32>
    %shift_right_arithmetic3A_1336 = arith.shrsi %select_n3A_1333, %shift_right_arithmetic3A_1335 : vector<16xi32>
    %mul3A_1337 = arith.constant 32 : i32
    %mul3A_1338 = vector.broadcast %mul3A_1337 : i32 to vector<16xi32>
    %mul3A_1339 = arith.muli %shift_right_arithmetic3A_1336, %mul3A_1338 : vector<16xi32>
    %add3A_1340 = vector.broadcast %add3A : i32 to vector<16xi32>
    %add3A_1341 = arith.addi %mul3A_1339, %add3A_1340 : vector<16xi32>
    %mul3A_1342 = arith.constant 1024 : i32
    %mul3A_1343 = vector.broadcast %mul3A_1342 : i32 to vector<16xi32>
    %mul3A_1344 = arith.muli %add3A_1341, %mul3A_1343 : vector<16xi32>
    %and3A_1345 = arith.constant 7 : i32
    %and3A_1346 = vector.broadcast %and3A_1345 : i32 to vector<16xi32>
    %and3A_1347 = arith.andi %select_n3A_1333, %and3A_1346 : vector<16xi32>
    %shift_left3A_1348 = arith.constant 7 : i32
    %shift_left3A_1349 = vector.broadcast %shift_left3A_1348 : i32 to vector<16xi32>
    %shift_left3A_1350 = arith.shli %and3A_1347, %shift_left3A_1349 : vector<16xi32>
    %add3A_1351 = arith.addi %mul3A_1344, %shift_left3A_1350 : vector<16xi32>
    %add3A_1352 = arith.addi %add3A_1351, %add3A_1125 : vector<16xi32>
    %swap3A_1353 = arith.constant 576 : index
    %swap3A_1354 = tpu.vector_load %arg7[%swap3A_1353] {strides = array<i32>} : memref<640xi32, #tpu.memory_space<vmem>>, vector<16xi32>,
    %swap3A_1355 = vector.shape_cast %swap3A_1354 : vector<16xi32> to vector<16xi32>
    %swap3A_1356 = vector.shape_cast %add3A_1352 : vector<16xi32> to vector<16xi32>
    tpu.vector_store %arg7[%swap3A_1353], %swap3A_1356 {strides = array<i32>} : memref<640xi32, #tpu.memory_space<vmem>>, vector<16xi32>,
    %jit3A_1357 = arith.constant 1.000000e+00 : f32
    %jit3A_1358 = arith.constant 0.000000e+00 : f32
    %broadcast_in_dim3A_1359 = vector.broadcast %jit3A_1357 : f32 to vector<16xf32>
    %broadcast_in_dim3A_1360 = vector.broadcast %jit3A_1358 : f32 to vector<16xf32>
    %select_n3A_1361 = arith.select %and3A_1327, %broadcast_in_dim3A_1359, %broadcast_in_dim3A_1360 : vector<16xi1>, vector<16xf32>
    %swap3A_1362 = arith.constant 576 : index
    %swap3A_1363 = tpu.vector_load %arg9[%swap3A_1362] {strides = array<i32>} : memref<1024xf32, #tpu.memory_space<vmem>>, vector<16xf32>,
    %swap3A_1364 = vector.shape_cast %swap3A_1363 : vector<16xf32> to vector<16xf32>
    %swap3A_1365 = vector.shape_cast %select_n3A_1361 : vector<16xf32> to vector<16xf32>
    tpu.vector_store %arg9[%swap3A_1362], %swap3A_1365 {strides = array<i32>} : memref<1024xf32, #tpu.memory_space<vmem>>, vector<16xf32>,
    %broadcast_in_dim3A_1366 = arith.constant 0.000000e+00 : f32
    %broadcast_in_dim3A_1367 = vector.broadcast %broadcast_in_dim3A_1366 : f32 to vector<16xf32>
    %swap3A_1368 = arith.constant 704 : index
    %swap3A_1369 = tpu.vector_load %arg9[%swap3A_1368] {strides = array<i32>} : memref<1024xf32, #tpu.memory_space<vmem>>, vector<16xf32>,
    %swap3A_1370 = vector.shape_cast %swap3A_1369 : vector<16xf32> to vector<16xf32>
    %swap3A_1371 = vector.shape_cast %broadcast_in_dim3A_1367 : vector<16xf32> to vector<16xf32>
    tpu.vector_store %arg9[%swap3A_1368], %swap3A_1371 {strides = array<i32>} : memref<1024xf32, #tpu.memory_space<vmem>>, vector<16xf32>,
    %broadcast_in_dim3A_1372 = arith.constant 0.000000e+00 : f32
    %broadcast_in_dim3A_1373 = vector.broadcast %broadcast_in_dim3A_1372 : f32 to vector<16xf32>
    %swap3A_1374 = arith.constant 704 : index
    %swap3A_1375 = tpu.vector_load %arg8[%swap3A_1374] {strides = array<i32>} : memref<1024xf32, #tpu.memory_space<vmem>>, vector<16xf32>,
    %swap3A_1376 = vector.shape_cast %swap3A_1375 : vector<16xf32> to vector<16xf32>
    %swap3A_1377 = vector.shape_cast %broadcast_in_dim3A_1373 : vector<16xf32> to vector<16xf32>
    tpu.vector_store %arg8[%swap3A_1374], %swap3A_1377 {strides = array<i32>} : memref<1024xf32, #tpu.memory_space<vmem>>, vector<16xf32>,
    %broadcast_in_dim3A_1378 = arith.constant 0.000000e+00 : f32
    %broadcast_in_dim3A_1379 = vector.broadcast %broadcast_in_dim3A_1378 : f32 to vector<16xf32>
    %swap3A_1380 = arith.constant 832 : index
    %swap3A_1381 = tpu.vector_load %arg9[%swap3A_1380] {strides = array<i32>} : memref<1024xf32, #tpu.memory_space<vmem>>, vector<16xf32>,
    %swap3A_1382 = vector.shape_cast %swap3A_1381 : vector<16xf32> to vector<16xf32>
    %swap3A_1383 = vector.shape_cast %broadcast_in_dim3A_1379 : vector<16xf32> to vector<16xf32>
    tpu.vector_store %arg9[%swap3A_1380], %swap3A_1383 {strides = array<i32>} : memref<1024xf32, #tpu.memory_space<vmem>>, vector<16xf32>,
    %broadcast_in_dim3A_1384 = arith.constant 0.000000e+00 : f32
    %broadcast_in_dim3A_1385 = vector.broadcast %broadcast_in_dim3A_1384 : f32 to vector<16xf32>
    %swap3A_1386 = arith.constant 832 : index
    %swap3A_1387 = tpu.vector_load %arg8[%swap3A_1386] {strides = array<i32>} : memref<1024xf32, #tpu.memory_space<vmem>>, vector<16xf32>,
    %swap3A_1388 = vector.shape_cast %swap3A_1387 : vector<16xf32> to vector<16xf32>
    %swap3A_1389 = vector.shape_cast %broadcast_in_dim3A_1385 : vector<16xf32> to vector<16xf32>
    tpu.vector_store %arg8[%swap3A_1386], %swap3A_1389 {strides = array<i32>} : memref<1024xf32, #tpu.memory_space<vmem>>, vector<16xf32>,
    %broadcast_in_dim3A_1390 = arith.constant 0.000000e+00 : f32
    %broadcast_in_dim3A_1391 = vector.broadcast %broadcast_in_dim3A_1390 : f32 to vector<16xf32>
    %swap3A_1392 = arith.constant 960 : index
    %swap3A_1393 = tpu.vector_load %arg9[%swap3A_1392] {strides = array<i32>} : memref<1024xf32, #tpu.memory_space<vmem>>, vector<16xf32>,
    %swap3A_1394 = vector.shape_cast %swap3A_1393 : vector<16xf32> to vector<16xf32>
    %swap3A_1395 = vector.shape_cast %broadcast_in_dim3A_1391 : vector<16xf32> to vector<16xf32>
    tpu.vector_store %arg9[%swap3A_1392], %swap3A_1395 {strides = array<i32>} : memref<1024xf32, #tpu.memory_space<vmem>>, vector<16xf32>,
    %broadcast_in_dim3A_1396 = arith.constant 0.000000e+00 : f32
    %broadcast_in_dim3A_1397 = vector.broadcast %broadcast_in_dim3A_1396 : f32 to vector<16xf32>
    %swap3A_1398 = arith.constant 960 : index
    %swap3A_1399 = tpu.vector_load %arg8[%swap3A_1398] {strides = array<i32>} : memref<1024xf32, #tpu.memory_space<vmem>>, vector<16xf32>,
    %swap3A_1400 = vector.shape_cast %swap3A_1399 : vector<16xf32> to vector<16xf32>
    %swap3A_1401 = vector.shape_cast %broadcast_in_dim3A_1397 : vector<16xf32> to vector<16xf32>
    tpu.vector_store %arg8[%swap3A_1398], %swap3A_1401 {strides = array<i32>} : memref<1024xf32, #tpu.memory_space<vmem>>, vector<16xf32>,
    %iota3A_1402 = tpu.iota {dimensions = array<i32: 0>} : vector<16xi32>
    %add3A_1403 = arith.constant 80 : i32
    %add3A_1404 = vector.broadcast %add3A_1403 : i32 to vector<16xi32>
    %add3A_1405 = arith.addi %iota3A_1402, %add3A_1404 : vector<16xi32>
    %get3A_1406 = arith.constant 80 : index
    %get3A_1407 = tpu.vector_load %arg6[%get3A_1406] {strides = array<i32>} : memref<640xi32, #tpu.memory_space<vmem>>, vector<16xi32>,
    %get3A_1408 = vector.shape_cast %get3A_1407 : vector<16xi32> to vector<16xi32>
    %get3A_1409 = arith.constant 208 : index
    %get3A_1410 = tpu.vector_load %arg6[%get3A_1409] {strides = array<i32>} : memref<640xi32, #tpu.memory_space<vmem>>, vector<16xi32>,
    %get3A_1411 = vector.shape_cast %get3A_1410 : vector<16xi32> to vector<16xi32>
    %get3A_1412 = arith.constant 336 : index
    %get3A_1413 = tpu.vector_load %arg6[%get3A_1412] {strides = array<i32>} : memref<640xi32, #tpu.memory_space<vmem>>, vector<16xi32>,
    %get3A_1414 = vector.shape_cast %get3A_1413 : vector<16xi32> to vector<16xi32>
    %get3A_1415 = arith.constant 464 : index
    %get3A_1416 = tpu.vector_load %arg6[%get3A_1415] {strides = array<i32>} : memref<640xi32, #tpu.memory_space<vmem>>, vector<16xi32>,
    %get3A_1417 = vector.shape_cast %get3A_1416 : vector<16xi32> to vector<16xi32>
    %get3A_1418 = arith.constant 592 : index
    %get3A_1419 = tpu.vector_load %arg6[%get3A_1418] {strides = array<i32>} : memref<640xi32, #tpu.memory_space<vmem>>, vector<16xi32>,
    %get3A_1420 = vector.shape_cast %get3A_1419 : vector<16xi32> to vector<16xi32>
    %ge3A_1421 = arith.constant 0 : i32
    %ge3A_1422 = vector.broadcast %ge3A_1421 : i32 to vector<16xi32>
    %ge3A_1423 = arith.cmpi sge, %get3A_1408, %ge3A_1422 : vector<16xi32>
    %ge3A_1424 = arith.constant 0 : i32
    %ge3A_1425 = vector.broadcast %ge3A_1424 : i32 to vector<16xi32>
    %ge3A_1426 = arith.cmpi sge, %get3A_1408, %ge3A_1425 : vector<16xi32>
    %jit3A_1427 = arith.constant 0 : i32
    %broadcast_in_dim3A_1428 = vector.broadcast %jit3A_1427 : i32 to vector<16xi32>
    %select_n3A_1429 = arith.select %ge3A_1426, %get3A_1408, %broadcast_in_dim3A_1428 : vector<16xi1>, vector<16xi32>
    %shift_right_arithmetic3A_1430 = arith.constant 3 : i32
    %shift_right_arithmetic3A_1431 = vector.broadcast %shift_right_arithmetic3A_1430 : i32 to vector<16xi32>
    %shift_right_arithmetic3A_1432 = arith.shrsi %select_n3A_1429, %shift_right_arithmetic3A_1431 : vector<16xi32>
    %mul3A_1433 = arith.constant 32 : i32
    %mul3A_1434 = vector.broadcast %mul3A_1433 : i32 to vector<16xi32>
    %mul3A_1435 = arith.muli %shift_right_arithmetic3A_1432, %mul3A_1434 : vector<16xi32>
    %add3A_1436 = vector.broadcast %add3A : i32 to vector<16xi32>
    %add3A_1437 = arith.addi %mul3A_1435, %add3A_1436 : vector<16xi32>
    %mul3A_1438 = arith.constant 1024 : i32
    %mul3A_1439 = vector.broadcast %mul3A_1438 : i32 to vector<16xi32>
    %mul3A_1440 = arith.muli %add3A_1437, %mul3A_1439 : vector<16xi32>
    %and3A_1441 = arith.constant 7 : i32
    %and3A_1442 = vector.broadcast %and3A_1441 : i32 to vector<16xi32>
    %and3A_1443 = arith.andi %select_n3A_1429, %and3A_1442 : vector<16xi32>
    %shift_left3A_1444 = arith.constant 7 : i32
    %shift_left3A_1445 = vector.broadcast %shift_left3A_1444 : i32 to vector<16xi32>
    %shift_left3A_1446 = arith.shli %and3A_1443, %shift_left3A_1445 : vector<16xi32>
    %add3A_1447 = arith.addi %mul3A_1440, %shift_left3A_1446 : vector<16xi32>
    %add3A_1448 = arith.addi %add3A_1447, %add3A_1405 : vector<16xi32>
    %swap3A_1449 = arith.constant 80 : index
    %swap3A_1450 = tpu.vector_load %arg7[%swap3A_1449] {strides = array<i32>} : memref<640xi32, #tpu.memory_space<vmem>>, vector<16xi32>,
    %swap3A_1451 = vector.shape_cast %swap3A_1450 : vector<16xi32> to vector<16xi32>
    %swap3A_1452 = vector.shape_cast %add3A_1448 : vector<16xi32> to vector<16xi32>
    tpu.vector_store %arg7[%swap3A_1449], %swap3A_1452 {strides = array<i32>} : memref<640xi32, #tpu.memory_space<vmem>>, vector<16xi32>,
    %jit3A_1453 = arith.constant 1.000000e+00 : f32
    %jit3A_1454 = arith.constant 0.000000e+00 : f32
    %broadcast_in_dim3A_1455 = vector.broadcast %jit3A_1453 : f32 to vector<16xf32>
    %broadcast_in_dim3A_1456 = vector.broadcast %jit3A_1454 : f32 to vector<16xf32>
    %select_n3A_1457 = arith.select %ge3A_1423, %broadcast_in_dim3A_1455, %broadcast_in_dim3A_1456 : vector<16xi1>, vector<16xf32>
    %swap3A_1458 = arith.constant 80 : index
    %swap3A_1459 = tpu.vector_load %arg9[%swap3A_1458] {strides = array<i32>} : memref<1024xf32, #tpu.memory_space<vmem>>, vector<16xf32>,
    %swap3A_1460 = vector.shape_cast %swap3A_1459 : vector<16xf32> to vector<16xf32>
    %swap3A_1461 = vector.shape_cast %select_n3A_1457 : vector<16xf32> to vector<16xf32>
    tpu.vector_store %arg9[%swap3A_1458], %swap3A_1461 {strides = array<i32>} : memref<1024xf32, #tpu.memory_space<vmem>>, vector<16xf32>,
    %ge3A_1462 = arith.constant 0 : i32
    %ge3A_1463 = vector.broadcast %ge3A_1462 : i32 to vector<16xi32>
    %ge3A_1464 = arith.cmpi sge, %get3A_1411, %ge3A_1463 : vector<16xi32>
    %ne3A_1465 = arith.cmpi ne, %get3A_1411, %get3A_1408 : vector<16xi32>
    %and3A_1466 = arith.andi %ge3A_1464, %ne3A_1465 : vector<16xi1>
    %ge3A_1467 = arith.constant 0 : i32
    %ge3A_1468 = vector.broadcast %ge3A_1467 : i32 to vector<16xi32>
    %ge3A_1469 = arith.cmpi sge, %get3A_1411, %ge3A_1468 : vector<16xi32>
    %jit3A_1470 = arith.constant 0 : i32
    %broadcast_in_dim3A_1471 = vector.broadcast %jit3A_1470 : i32 to vector<16xi32>
    %select_n3A_1472 = arith.select %ge3A_1469, %get3A_1411, %broadcast_in_dim3A_1471 : vector<16xi1>, vector<16xi32>
    %shift_right_arithmetic3A_1473 = arith.constant 3 : i32
    %shift_right_arithmetic3A_1474 = vector.broadcast %shift_right_arithmetic3A_1473 : i32 to vector<16xi32>
    %shift_right_arithmetic3A_1475 = arith.shrsi %select_n3A_1472, %shift_right_arithmetic3A_1474 : vector<16xi32>
    %mul3A_1476 = arith.constant 32 : i32
    %mul3A_1477 = vector.broadcast %mul3A_1476 : i32 to vector<16xi32>
    %mul3A_1478 = arith.muli %shift_right_arithmetic3A_1475, %mul3A_1477 : vector<16xi32>
    %add3A_1479 = vector.broadcast %add3A : i32 to vector<16xi32>
    %add3A_1480 = arith.addi %mul3A_1478, %add3A_1479 : vector<16xi32>
    %mul3A_1481 = arith.constant 1024 : i32
    %mul3A_1482 = vector.broadcast %mul3A_1481 : i32 to vector<16xi32>
    %mul3A_1483 = arith.muli %add3A_1480, %mul3A_1482 : vector<16xi32>
    %and3A_1484 = arith.constant 7 : i32
    %and3A_1485 = vector.broadcast %and3A_1484 : i32 to vector<16xi32>
    %and3A_1486 = arith.andi %select_n3A_1472, %and3A_1485 : vector<16xi32>
    %shift_left3A_1487 = arith.constant 7 : i32
    %shift_left3A_1488 = vector.broadcast %shift_left3A_1487 : i32 to vector<16xi32>
    %shift_left3A_1489 = arith.shli %and3A_1486, %shift_left3A_1488 : vector<16xi32>
    %add3A_1490 = arith.addi %mul3A_1483, %shift_left3A_1489 : vector<16xi32>
    %add3A_1491 = arith.addi %add3A_1490, %add3A_1405 : vector<16xi32>
    %swap3A_1492 = arith.constant 208 : index
    %swap3A_1493 = tpu.vector_load %arg7[%swap3A_1492] {strides = array<i32>} : memref<640xi32, #tpu.memory_space<vmem>>, vector<16xi32>,
    %swap3A_1494 = vector.shape_cast %swap3A_1493 : vector<16xi32> to vector<16xi32>
    %swap3A_1495 = vector.shape_cast %add3A_1491 : vector<16xi32> to vector<16xi32>
    tpu.vector_store %arg7[%swap3A_1492], %swap3A_1495 {strides = array<i32>} : memref<640xi32, #tpu.memory_space<vmem>>, vector<16xi32>,
    %jit3A_1496 = arith.constant 1.000000e+00 : f32
    %jit3A_1497 = arith.constant 0.000000e+00 : f32
    %broadcast_in_dim3A_1498 = vector.broadcast %jit3A_1496 : f32 to vector<16xf32>
    %broadcast_in_dim3A_1499 = vector.broadcast %jit3A_1497 : f32 to vector<16xf32>
    %select_n3A_1500 = arith.select %and3A_1466, %broadcast_in_dim3A_1498, %broadcast_in_dim3A_1499 : vector<16xi1>, vector<16xf32>
    %swap3A_1501 = arith.constant 208 : index
    %swap3A_1502 = tpu.vector_load %arg9[%swap3A_1501] {strides = array<i32>} : memref<1024xf32, #tpu.memory_space<vmem>>, vector<16xf32>,
    %swap3A_1503 = vector.shape_cast %swap3A_1502 : vector<16xf32> to vector<16xf32>
    %swap3A_1504 = vector.shape_cast %select_n3A_1500 : vector<16xf32> to vector<16xf32>
    tpu.vector_store %arg9[%swap3A_1501], %swap3A_1504 {strides = array<i32>} : memref<1024xf32, #tpu.memory_space<vmem>>, vector<16xf32>,
    %ge3A_1505 = arith.constant 0 : i32
    %ge3A_1506 = vector.broadcast %ge3A_1505 : i32 to vector<16xi32>
    %ge3A_1507 = arith.cmpi sge, %get3A_1414, %ge3A_1506 : vector<16xi32>
    %ne3A_1508 = arith.cmpi ne, %get3A_1414, %get3A_1408 : vector<16xi32>
    %and3A_1509 = arith.andi %ge3A_1507, %ne3A_1508 : vector<16xi1>
    %ne3A_1510 = arith.cmpi ne, %get3A_1414, %get3A_1411 : vector<16xi32>
    %and3A_1511 = arith.andi %and3A_1509, %ne3A_1510 : vector<16xi1>
    %ge3A_1512 = arith.constant 0 : i32
    %ge3A_1513 = vector.broadcast %ge3A_1512 : i32 to vector<16xi32>
    %ge3A_1514 = arith.cmpi sge, %get3A_1414, %ge3A_1513 : vector<16xi32>
    %jit3A_1515 = arith.constant 0 : i32
    %broadcast_in_dim3A_1516 = vector.broadcast %jit3A_1515 : i32 to vector<16xi32>
    %select_n3A_1517 = arith.select %ge3A_1514, %get3A_1414, %broadcast_in_dim3A_1516 : vector<16xi1>, vector<16xi32>
    %shift_right_arithmetic3A_1518 = arith.constant 3 : i32
    %shift_right_arithmetic3A_1519 = vector.broadcast %shift_right_arithmetic3A_1518 : i32 to vector<16xi32>
    %shift_right_arithmetic3A_1520 = arith.shrsi %select_n3A_1517, %shift_right_arithmetic3A_1519 : vector<16xi32>
    %mul3A_1521 = arith.constant 32 : i32
    %mul3A_1522 = vector.broadcast %mul3A_1521 : i32 to vector<16xi32>
    %mul3A_1523 = arith.muli %shift_right_arithmetic3A_1520, %mul3A_1522 : vector<16xi32>
    %add3A_1524 = vector.broadcast %add3A : i32 to vector<16xi32>
    %add3A_1525 = arith.addi %mul3A_1523, %add3A_1524 : vector<16xi32>
    %mul3A_1526 = arith.constant 1024 : i32
    %mul3A_1527 = vector.broadcast %mul3A_1526 : i32 to vector<16xi32>
    %mul3A_1528 = arith.muli %add3A_1525, %mul3A_1527 : vector<16xi32>
    %and3A_1529 = arith.constant 7 : i32
    %and3A_1530 = vector.broadcast %and3A_1529 : i32 to vector<16xi32>
    %and3A_1531 = arith.andi %select_n3A_1517, %and3A_1530 : vector<16xi32>
    %shift_left3A_1532 = arith.constant 7 : i32
    %shift_left3A_1533 = vector.broadcast %shift_left3A_1532 : i32 to vector<16xi32>
    %shift_left3A_1534 = arith.shli %and3A_1531, %shift_left3A_1533 : vector<16xi32>
    %add3A_1535 = arith.addi %mul3A_1528, %shift_left3A_1534 : vector<16xi32>
    %add3A_1536 = arith.addi %add3A_1535, %add3A_1405 : vector<16xi32>
    %swap3A_1537 = arith.constant 336 : index
    %swap3A_1538 = tpu.vector_load %arg7[%swap3A_1537] {strides = array<i32>} : memref<640xi32, #tpu.memory_space<vmem>>, vector<16xi32>,
    %swap3A_1539 = vector.shape_cast %swap3A_1538 : vector<16xi32> to vector<16xi32>
    %swap3A_1540 = vector.shape_cast %add3A_1536 : vector<16xi32> to vector<16xi32>
    tpu.vector_store %arg7[%swap3A_1537], %swap3A_1540 {strides = array<i32>} : memref<640xi32, #tpu.memory_space<vmem>>, vector<16xi32>,
    %jit3A_1541 = arith.constant 1.000000e+00 : f32
    %jit3A_1542 = arith.constant 0.000000e+00 : f32
    %broadcast_in_dim3A_1543 = vector.broadcast %jit3A_1541 : f32 to vector<16xf32>
    %broadcast_in_dim3A_1544 = vector.broadcast %jit3A_1542 : f32 to vector<16xf32>
    %select_n3A_1545 = arith.select %and3A_1511, %broadcast_in_dim3A_1543, %broadcast_in_dim3A_1544 : vector<16xi1>, vector<16xf32>
    %swap3A_1546 = arith.constant 336 : index
    %swap3A_1547 = tpu.vector_load %arg9[%swap3A_1546] {strides = array<i32>} : memref<1024xf32, #tpu.memory_space<vmem>>, vector<16xf32>,
    %swap3A_1548 = vector.shape_cast %swap3A_1547 : vector<16xf32> to vector<16xf32>
    %swap3A_1549 = vector.shape_cast %select_n3A_1545 : vector<16xf32> to vector<16xf32>
    tpu.vector_store %arg9[%swap3A_1546], %swap3A_1549 {strides = array<i32>} : memref<1024xf32, #tpu.memory_space<vmem>>, vector<16xf32>,
    %ge3A_1550 = arith.constant 0 : i32
    %ge3A_1551 = vector.broadcast %ge3A_1550 : i32 to vector<16xi32>
    %ge3A_1552 = arith.cmpi sge, %get3A_1417, %ge3A_1551 : vector<16xi32>
    %ne3A_1553 = arith.cmpi ne, %get3A_1417, %get3A_1408 : vector<16xi32>
    %and3A_1554 = arith.andi %ge3A_1552, %ne3A_1553 : vector<16xi1>
    %ne3A_1555 = arith.cmpi ne, %get3A_1417, %get3A_1411 : vector<16xi32>
    %and3A_1556 = arith.andi %and3A_1554, %ne3A_1555 : vector<16xi1>
    %ne3A_1557 = arith.cmpi ne, %get3A_1417, %get3A_1414 : vector<16xi32>
    %and3A_1558 = arith.andi %and3A_1556, %ne3A_1557 : vector<16xi1>
    %ge3A_1559 = arith.constant 0 : i32
    %ge3A_1560 = vector.broadcast %ge3A_1559 : i32 to vector<16xi32>
    %ge3A_1561 = arith.cmpi sge, %get3A_1417, %ge3A_1560 : vector<16xi32>
    %jit3A_1562 = arith.constant 0 : i32
    %broadcast_in_dim3A_1563 = vector.broadcast %jit3A_1562 : i32 to vector<16xi32>
    %select_n3A_1564 = arith.select %ge3A_1561, %get3A_1417, %broadcast_in_dim3A_1563 : vector<16xi1>, vector<16xi32>
    %shift_right_arithmetic3A_1565 = arith.constant 3 : i32
    %shift_right_arithmetic3A_1566 = vector.broadcast %shift_right_arithmetic3A_1565 : i32 to vector<16xi32>
    %shift_right_arithmetic3A_1567 = arith.shrsi %select_n3A_1564, %shift_right_arithmetic3A_1566 : vector<16xi32>
    %mul3A_1568 = arith.constant 32 : i32
    %mul3A_1569 = vector.broadcast %mul3A_1568 : i32 to vector<16xi32>
    %mul3A_1570 = arith.muli %shift_right_arithmetic3A_1567, %mul3A_1569 : vector<16xi32>
    %add3A_1571 = vector.broadcast %add3A : i32 to vector<16xi32>
    %add3A_1572 = arith.addi %mul3A_1570, %add3A_1571 : vector<16xi32>
    %mul3A_1573 = arith.constant 1024 : i32
    %mul3A_1574 = vector.broadcast %mul3A_1573 : i32 to vector<16xi32>
    %mul3A_1575 = arith.muli %add3A_1572, %mul3A_1574 : vector<16xi32>
    %and3A_1576 = arith.constant 7 : i32
    %and3A_1577 = vector.broadcast %and3A_1576 : i32 to vector<16xi32>
    %and3A_1578 = arith.andi %select_n3A_1564, %and3A_1577 : vector<16xi32>
    %shift_left3A_1579 = arith.constant 7 : i32
    %shift_left3A_1580 = vector.broadcast %shift_left3A_1579 : i32 to vector<16xi32>
    %shift_left3A_1581 = arith.shli %and3A_1578, %shift_left3A_1580 : vector<16xi32>
    %add3A_1582 = arith.addi %mul3A_1575, %shift_left3A_1581 : vector<16xi32>
    %add3A_1583 = arith.addi %add3A_1582, %add3A_1405 : vector<16xi32>
    %swap3A_1584 = arith.constant 464 : index
    %swap3A_1585 = tpu.vector_load %arg7[%swap3A_1584] {strides = array<i32>} : memref<640xi32, #tpu.memory_space<vmem>>, vector<16xi32>,
    %swap3A_1586 = vector.shape_cast %swap3A_1585 : vector<16xi32> to vector<16xi32>
    %swap3A_1587 = vector.shape_cast %add3A_1583 : vector<16xi32> to vector<16xi32>
    tpu.vector_store %arg7[%swap3A_1584], %swap3A_1587 {strides = array<i32>} : memref<640xi32, #tpu.memory_space<vmem>>, vector<16xi32>,
    %jit3A_1588 = arith.constant 1.000000e+00 : f32
    %jit3A_1589 = arith.constant 0.000000e+00 : f32
    %broadcast_in_dim3A_1590 = vector.broadcast %jit3A_1588 : f32 to vector<16xf32>
    %broadcast_in_dim3A_1591 = vector.broadcast %jit3A_1589 : f32 to vector<16xf32>
    %select_n3A_1592 = arith.select %and3A_1558, %broadcast_in_dim3A_1590, %broadcast_in_dim3A_1591 : vector<16xi1>, vector<16xf32>
    %swap3A_1593 = arith.constant 464 : index
    %swap3A_1594 = tpu.vector_load %arg9[%swap3A_1593] {strides = array<i32>} : memref<1024xf32, #tpu.memory_space<vmem>>, vector<16xf32>,
    %swap3A_1595 = vector.shape_cast %swap3A_1594 : vector<16xf32> to vector<16xf32>
    %swap3A_1596 = vector.shape_cast %select_n3A_1592 : vector<16xf32> to vector<16xf32>
    tpu.vector_store %arg9[%swap3A_1593], %swap3A_1596 {strides = array<i32>} : memref<1024xf32, #tpu.memory_space<vmem>>, vector<16xf32>,
    %ge3A_1597 = arith.constant 0 : i32
    %ge3A_1598 = vector.broadcast %ge3A_1597 : i32 to vector<16xi32>
    %ge3A_1599 = arith.cmpi sge, %get3A_1420, %ge3A_1598 : vector<16xi32>
    %ne3A_1600 = arith.cmpi ne, %get3A_1420, %get3A_1408 : vector<16xi32>
    %and3A_1601 = arith.andi %ge3A_1599, %ne3A_1600 : vector<16xi1>
    %ne3A_1602 = arith.cmpi ne, %get3A_1420, %get3A_1411 : vector<16xi32>
    %and3A_1603 = arith.andi %and3A_1601, %ne3A_1602 : vector<16xi1>
    %ne3A_1604 = arith.cmpi ne, %get3A_1420, %get3A_1414 : vector<16xi32>
    %and3A_1605 = arith.andi %and3A_1603, %ne3A_1604 : vector<16xi1>
    %ne3A_1606 = arith.cmpi ne, %get3A_1420, %get3A_1417 : vector<16xi32>
    %and3A_1607 = arith.andi %and3A_1605, %ne3A_1606 : vector<16xi1>
    %ge3A_1608 = arith.constant 0 : i32
    %ge3A_1609 = vector.broadcast %ge3A_1608 : i32 to vector<16xi32>
    %ge3A_1610 = arith.cmpi sge, %get3A_1420, %ge3A_1609 : vector<16xi32>
    %jit3A_1611 = arith.constant 0 : i32
    %broadcast_in_dim3A_1612 = vector.broadcast %jit3A_1611 : i32 to vector<16xi32>
    %select_n3A_1613 = arith.select %ge3A_1610, %get3A_1420, %broadcast_in_dim3A_1612 : vector<16xi1>, vector<16xi32>
    %shift_right_arithmetic3A_1614 = arith.constant 3 : i32
    %shift_right_arithmetic3A_1615 = vector.broadcast %shift_right_arithmetic3A_1614 : i32 to vector<16xi32>
    %shift_right_arithmetic3A_1616 = arith.shrsi %select_n3A_1613, %shift_right_arithmetic3A_1615 : vector<16xi32>
    %mul3A_1617 = arith.constant 32 : i32
    %mul3A_1618 = vector.broadcast %mul3A_1617 : i32 to vector<16xi32>
    %mul3A_1619 = arith.muli %shift_right_arithmetic3A_1616, %mul3A_1618 : vector<16xi32>
    %add3A_1620 = vector.broadcast %add3A : i32 to vector<16xi32>
    %add3A_1621 = arith.addi %mul3A_1619, %add3A_1620 : vector<16xi32>
    %mul3A_1622 = arith.constant 1024 : i32
    %mul3A_1623 = vector.broadcast %mul3A_1622 : i32 to vector<16xi32>
    %mul3A_1624 = arith.muli %add3A_1621, %mul3A_1623 : vector<16xi32>
    %and3A_1625 = arith.constant 7 : i32
    %and3A_1626 = vector.broadcast %and3A_1625 : i32 to vector<16xi32>
    %and3A_1627 = arith.andi %select_n3A_1613, %and3A_1626 : vector<16xi32>
    %shift_left3A_1628 = arith.constant 7 : i32
    %shift_left3A_1629 = vector.broadcast %shift_left3A_1628 : i32 to vector<16xi32>
    %shift_left3A_1630 = arith.shli %and3A_1627, %shift_left3A_1629 : vector<16xi32>
    %add3A_1631 = arith.addi %mul3A_1624, %shift_left3A_1630 : vector<16xi32>
    %add3A_1632 = arith.addi %add3A_1631, %add3A_1405 : vector<16xi32>
    %swap3A_1633 = arith.constant 592 : index
    %swap3A_1634 = tpu.vector_load %arg7[%swap3A_1633] {strides = array<i32>} : memref<640xi32, #tpu.memory_space<vmem>>, vector<16xi32>,
    %swap3A_1635 = vector.shape_cast %swap3A_1634 : vector<16xi32> to vector<16xi32>
    %swap3A_1636 = vector.shape_cast %add3A_1632 : vector<16xi32> to vector<16xi32>
    tpu.vector_store %arg7[%swap3A_1633], %swap3A_1636 {strides = array<i32>} : memref<640xi32, #tpu.memory_space<vmem>>, vector<16xi32>,
    %jit3A_1637 = arith.constant 1.000000e+00 : f32
    %jit3A_1638 = arith.constant 0.000000e+00 : f32
    %broadcast_in_dim3A_1639 = vector.broadcast %jit3A_1637 : f32 to vector<16xf32>
    %broadcast_in_dim3A_1640 = vector.broadcast %jit3A_1638 : f32 to vector<16xf32>
    %select_n3A_1641 = arith.select %and3A_1607, %broadcast_in_dim3A_1639, %broadcast_in_dim3A_1640 : vector<16xi1>, vector<16xf32>
    %swap3A_1642 = arith.constant 592 : index
    %swap3A_1643 = tpu.vector_load %arg9[%swap3A_1642] {strides = array<i32>} : memref<1024xf32, #tpu.memory_space<vmem>>, vector<16xf32>,
    %swap3A_1644 = vector.shape_cast %swap3A_1643 : vector<16xf32> to vector<16xf32>
    %swap3A_1645 = vector.shape_cast %select_n3A_1641 : vector<16xf32> to vector<16xf32>
    tpu.vector_store %arg9[%swap3A_1642], %swap3A_1645 {strides = array<i32>} : memref<1024xf32, #tpu.memory_space<vmem>>, vector<16xf32>,
    %broadcast_in_dim3A_1646 = arith.constant 0.000000e+00 : f32
    %broadcast_in_dim3A_1647 = vector.broadcast %broadcast_in_dim3A_1646 : f32 to vector<16xf32>
    %swap3A_1648 = arith.constant 720 : index
    %swap3A_1649 = tpu.vector_load %arg9[%swap3A_1648] {strides = array<i32>} : memref<1024xf32, #tpu.memory_space<vmem>>, vector<16xf32>,
    %swap3A_1650 = vector.shape_cast %swap3A_1649 : vector<16xf32> to vector<16xf32>
    %swap3A_1651 = vector.shape_cast %broadcast_in_dim3A_1647 : vector<16xf32> to vector<16xf32>
    tpu.vector_store %arg9[%swap3A_1648], %swap3A_1651 {strides = array<i32>} : memref<1024xf32, #tpu.memory_space<vmem>>, vector<16xf32>,
    %broadcast_in_dim3A_1652 = arith.constant 0.000000e+00 : f32
    %broadcast_in_dim3A_1653 = vector.broadcast %broadcast_in_dim3A_1652 : f32 to vector<16xf32>
    %swap3A_1654 = arith.constant 720 : index
    %swap3A_1655 = tpu.vector_load %arg8[%swap3A_1654] {strides = array<i32>} : memref<1024xf32, #tpu.memory_space<vmem>>, vector<16xf32>,
    %swap3A_1656 = vector.shape_cast %swap3A_1655 : vector<16xf32> to vector<16xf32>
    %swap3A_1657 = vector.shape_cast %broadcast_in_dim3A_1653 : vector<16xf32> to vector<16xf32>
    tpu.vector_store %arg8[%swap3A_1654], %swap3A_1657 {strides = array<i32>} : memref<1024xf32, #tpu.memory_space<vmem>>, vector<16xf32>,
    %broadcast_in_dim3A_1658 = arith.constant 0.000000e+00 : f32
    %broadcast_in_dim3A_1659 = vector.broadcast %broadcast_in_dim3A_1658 : f32 to vector<16xf32>
    %swap3A_1660 = arith.constant 848 : index
    %swap3A_1661 = tpu.vector_load %arg9[%swap3A_1660] {strides = array<i32>} : memref<1024xf32, #tpu.memory_space<vmem>>, vector<16xf32>,
    %swap3A_1662 = vector.shape_cast %swap3A_1661 : vector<16xf32> to vector<16xf32>
    %swap3A_1663 = vector.shape_cast %broadcast_in_dim3A_1659 : vector<16xf32> to vector<16xf32>
    tpu.vector_store %arg9[%swap3A_1660], %swap3A_1663 {strides = array<i32>} : memref<1024xf32, #tpu.memory_space<vmem>>, vector<16xf32>,
    %broadcast_in_dim3A_1664 = arith.constant 0.000000e+00 : f32
    %broadcast_in_dim3A_1665 = vector.broadcast %broadcast_in_dim3A_1664 : f32 to vector<16xf32>
    %swap3A_1666 = arith.constant 848 : index
    %swap3A_1667 = tpu.vector_load %arg8[%swap3A_1666] {strides = array<i32>} : memref<1024xf32, #tpu.memory_space<vmem>>, vector<16xf32>,
    %swap3A_1668 = vector.shape_cast %swap3A_1667 : vector<16xf32> to vector<16xf32>
    %swap3A_1669 = vector.shape_cast %broadcast_in_dim3A_1665 : vector<16xf32> to vector<16xf32>
    tpu.vector_store %arg8[%swap3A_1666], %swap3A_1669 {strides = array<i32>} : memref<1024xf32, #tpu.memory_space<vmem>>, vector<16xf32>,
    %broadcast_in_dim3A_1670 = arith.constant 0.000000e+00 : f32
    %broadcast_in_dim3A_1671 = vector.broadcast %broadcast_in_dim3A_1670 : f32 to vector<16xf32>
    %swap3A_1672 = arith.constant 976 : index
    %swap3A_1673 = tpu.vector_load %arg9[%swap3A_1672] {strides = array<i32>} : memref<1024xf32, #tpu.memory_space<vmem>>, vector<16xf32>,
    %swap3A_1674 = vector.shape_cast %swap3A_1673 : vector<16xf32> to vector<16xf32>
    %swap3A_1675 = vector.shape_cast %broadcast_in_dim3A_1671 : vector<16xf32> to vector<16xf32>
    tpu.vector_store %arg9[%swap3A_1672], %swap3A_1675 {strides = array<i32>} : memref<1024xf32, #tpu.memory_space<vmem>>, vector<16xf32>,
    %broadcast_in_dim3A_1676 = arith.constant 0.000000e+00 : f32
    %broadcast_in_dim3A_1677 = vector.broadcast %broadcast_in_dim3A_1676 : f32 to vector<16xf32>
    %swap3A_1678 = arith.constant 976 : index
    %swap3A_1679 = tpu.vector_load %arg8[%swap3A_1678] {strides = array<i32>} : memref<1024xf32, #tpu.memory_space<vmem>>, vector<16xf32>,
    %swap3A_1680 = vector.shape_cast %swap3A_1679 : vector<16xf32> to vector<16xf32>
    %swap3A_1681 = vector.shape_cast %broadcast_in_dim3A_1677 : vector<16xf32> to vector<16xf32>
    tpu.vector_store %arg8[%swap3A_1678], %swap3A_1681 {strides = array<i32>} : memref<1024xf32, #tpu.memory_space<vmem>>, vector<16xf32>,
    %iota3A_1682 = tpu.iota {dimensions = array<i32: 0>} : vector<16xi32>
    %add3A_1683 = arith.constant 96 : i32
    %add3A_1684 = vector.broadcast %add3A_1683 : i32 to vector<16xi32>
    %add3A_1685 = arith.addi %iota3A_1682, %add3A_1684 : vector<16xi32>
    %get3A_1686 = arith.constant 96 : index
    %get3A_1687 = tpu.vector_load %arg6[%get3A_1686] {strides = array<i32>} : memref<640xi32, #tpu.memory_space<vmem>>, vector<16xi32>,
    %get3A_1688 = vector.shape_cast %get3A_1687 : vector<16xi32> to vector<16xi32>
    %get3A_1689 = arith.constant 224 : index
    %get3A_1690 = tpu.vector_load %arg6[%get3A_1689] {strides = array<i32>} : memref<640xi32, #tpu.memory_space<vmem>>, vector<16xi32>,
    %get3A_1691 = vector.shape_cast %get3A_1690 : vector<16xi32> to vector<16xi32>
    %get3A_1692 = arith.constant 352 : index
    %get3A_1693 = tpu.vector_load %arg6[%get3A_1692] {strides = array<i32>} : memref<640xi32, #tpu.memory_space<vmem>>, vector<16xi32>,
    %get3A_1694 = vector.shape_cast %get3A_1693 : vector<16xi32> to vector<16xi32>
    %get3A_1695 = arith.constant 480 : index
    %get3A_1696 = tpu.vector_load %arg6[%get3A_1695] {strides = array<i32>} : memref<640xi32, #tpu.memory_space<vmem>>, vector<16xi32>,
    %get3A_1697 = vector.shape_cast %get3A_1696 : vector<16xi32> to vector<16xi32>
    %get3A_1698 = arith.constant 608 : index
    %get3A_1699 = tpu.vector_load %arg6[%get3A_1698] {strides = array<i32>} : memref<640xi32, #tpu.memory_space<vmem>>, vector<16xi32>,
    %get3A_1700 = vector.shape_cast %get3A_1699 : vector<16xi32> to vector<16xi32>
    %ge3A_1701 = arith.constant 0 : i32
    %ge3A_1702 = vector.broadcast %ge3A_1701 : i32 to vector<16xi32>
    %ge3A_1703 = arith.cmpi sge, %get3A_1688, %ge3A_1702 : vector<16xi32>
    %ge3A_1704 = arith.constant 0 : i32
    %ge3A_1705 = vector.broadcast %ge3A_1704 : i32 to vector<16xi32>
    %ge3A_1706 = arith.cmpi sge, %get3A_1688, %ge3A_1705 : vector<16xi32>
    %jit3A_1707 = arith.constant 0 : i32
    %broadcast_in_dim3A_1708 = vector.broadcast %jit3A_1707 : i32 to vector<16xi32>
    %select_n3A_1709 = arith.select %ge3A_1706, %get3A_1688, %broadcast_in_dim3A_1708 : vector<16xi1>, vector<16xi32>
    %shift_right_arithmetic3A_1710 = arith.constant 3 : i32
    %shift_right_arithmetic3A_1711 = vector.broadcast %shift_right_arithmetic3A_1710 : i32 to vector<16xi32>
    %shift_right_arithmetic3A_1712 = arith.shrsi %select_n3A_1709, %shift_right_arithmetic3A_1711 : vector<16xi32>
    %mul3A_1713 = arith.constant 32 : i32
    %mul3A_1714 = vector.broadcast %mul3A_1713 : i32 to vector<16xi32>
    %mul3A_1715 = arith.muli %shift_right_arithmetic3A_1712, %mul3A_1714 : vector<16xi32>
    %add3A_1716 = vector.broadcast %add3A : i32 to vector<16xi32>
    %add3A_1717 = arith.addi %mul3A_1715, %add3A_1716 : vector<16xi32>
    %mul3A_1718 = arith.constant 1024 : i32
    %mul3A_1719 = vector.broadcast %mul3A_1718 : i32 to vector<16xi32>
    %mul3A_1720 = arith.muli %add3A_1717, %mul3A_1719 : vector<16xi32>
    %and3A_1721 = arith.constant 7 : i32
    %and3A_1722 = vector.broadcast %and3A_1721 : i32 to vector<16xi32>
    %and3A_1723 = arith.andi %select_n3A_1709, %and3A_1722 : vector<16xi32>
    %shift_left3A_1724 = arith.constant 7 : i32
    %shift_left3A_1725 = vector.broadcast %shift_left3A_1724 : i32 to vector<16xi32>
    %shift_left3A_1726 = arith.shli %and3A_1723, %shift_left3A_1725 : vector<16xi32>
    %add3A_1727 = arith.addi %mul3A_1720, %shift_left3A_1726 : vector<16xi32>
    %add3A_1728 = arith.addi %add3A_1727, %add3A_1685 : vector<16xi32>
    %swap3A_1729 = arith.constant 96 : index
    %swap3A_1730 = tpu.vector_load %arg7[%swap3A_1729] {strides = array<i32>} : memref<640xi32, #tpu.memory_space<vmem>>, vector<16xi32>,
    %swap3A_1731 = vector.shape_cast %swap3A_1730 : vector<16xi32> to vector<16xi32>
    %swap3A_1732 = vector.shape_cast %add3A_1728 : vector<16xi32> to vector<16xi32>
    tpu.vector_store %arg7[%swap3A_1729], %swap3A_1732 {strides = array<i32>} : memref<640xi32, #tpu.memory_space<vmem>>, vector<16xi32>,
    %jit3A_1733 = arith.constant 1.000000e+00 : f32
    %jit3A_1734 = arith.constant 0.000000e+00 : f32
    %broadcast_in_dim3A_1735 = vector.broadcast %jit3A_1733 : f32 to vector<16xf32>
    %broadcast_in_dim3A_1736 = vector.broadcast %jit3A_1734 : f32 to vector<16xf32>
    %select_n3A_1737 = arith.select %ge3A_1703, %broadcast_in_dim3A_1735, %broadcast_in_dim3A_1736 : vector<16xi1>, vector<16xf32>
    %swap3A_1738 = arith.constant 96 : index
    %swap3A_1739 = tpu.vector_load %arg9[%swap3A_1738] {strides = array<i32>} : memref<1024xf32, #tpu.memory_space<vmem>>, vector<16xf32>,
    %swap3A_1740 = vector.shape_cast %swap3A_1739 : vector<16xf32> to vector<16xf32>
    %swap3A_1741 = vector.shape_cast %select_n3A_1737 : vector<16xf32> to vector<16xf32>
    tpu.vector_store %arg9[%swap3A_1738], %swap3A_1741 {strides = array<i32>} : memref<1024xf32, #tpu.memory_space<vmem>>, vector<16xf32>,
    %ge3A_1742 = arith.constant 0 : i32
    %ge3A_1743 = vector.broadcast %ge3A_1742 : i32 to vector<16xi32>
    %ge3A_1744 = arith.cmpi sge, %get3A_1691, %ge3A_1743 : vector<16xi32>
    %ne3A_1745 = arith.cmpi ne, %get3A_1691, %get3A_1688 : vector<16xi32>
    %and3A_1746 = arith.andi %ge3A_1744, %ne3A_1745 : vector<16xi1>
    %ge3A_1747 = arith.constant 0 : i32
    %ge3A_1748 = vector.broadcast %ge3A_1747 : i32 to vector<16xi32>
    %ge3A_1749 = arith.cmpi sge, %get3A_1691, %ge3A_1748 : vector<16xi32>
    %jit3A_1750 = arith.constant 0 : i32
    %broadcast_in_dim3A_1751 = vector.broadcast %jit3A_1750 : i32 to vector<16xi32>
    %select_n3A_1752 = arith.select %ge3A_1749, %get3A_1691, %broadcast_in_dim3A_1751 : vector<16xi1>, vector<16xi32>
    %shift_right_arithmetic3A_1753 = arith.constant 3 : i32
    %shift_right_arithmetic3A_1754 = vector.broadcast %shift_right_arithmetic3A_1753 : i32 to vector<16xi32>
    %shift_right_arithmetic3A_1755 = arith.shrsi %select_n3A_1752, %shift_right_arithmetic3A_1754 : vector<16xi32>
    %mul3A_1756 = arith.constant 32 : i32
    %mul3A_1757 = vector.broadcast %mul3A_1756 : i32 to vector<16xi32>
    %mul3A_1758 = arith.muli %shift_right_arithmetic3A_1755, %mul3A_1757 : vector<16xi32>
    %add3A_1759 = vector.broadcast %add3A : i32 to vector<16xi32>
    %add3A_1760 = arith.addi %mul3A_1758, %add3A_1759 : vector<16xi32>
    %mul3A_1761 = arith.constant 1024 : i32
    %mul3A_1762 = vector.broadcast %mul3A_1761 : i32 to vector<16xi32>
    %mul3A_1763 = arith.muli %add3A_1760, %mul3A_1762 : vector<16xi32>
    %and3A_1764 = arith.constant 7 : i32
    %and3A_1765 = vector.broadcast %and3A_1764 : i32 to vector<16xi32>
    %and3A_1766 = arith.andi %select_n3A_1752, %and3A_1765 : vector<16xi32>
    %shift_left3A_1767 = arith.constant 7 : i32
    %shift_left3A_1768 = vector.broadcast %shift_left3A_1767 : i32 to vector<16xi32>
    %shift_left3A_1769 = arith.shli %and3A_1766, %shift_left3A_1768 : vector<16xi32>
    %add3A_1770 = arith.addi %mul3A_1763, %shift_left3A_1769 : vector<16xi32>
    %add3A_1771 = arith.addi %add3A_1770, %add3A_1685 : vector<16xi32>
    %swap3A_1772 = arith.constant 224 : index
    %swap3A_1773 = tpu.vector_load %arg7[%swap3A_1772] {strides = array<i32>} : memref<640xi32, #tpu.memory_space<vmem>>, vector<16xi32>,
    %swap3A_1774 = vector.shape_cast %swap3A_1773 : vector<16xi32> to vector<16xi32>
    %swap3A_1775 = vector.shape_cast %add3A_1771 : vector<16xi32> to vector<16xi32>
    tpu.vector_store %arg7[%swap3A_1772], %swap3A_1775 {strides = array<i32>} : memref<640xi32, #tpu.memory_space<vmem>>, vector<16xi32>,
    %jit3A_1776 = arith.constant 1.000000e+00 : f32
    %jit3A_1777 = arith.constant 0.000000e+00 : f32
    %broadcast_in_dim3A_1778 = vector.broadcast %jit3A_1776 : f32 to vector<16xf32>
    %broadcast_in_dim3A_1779 = vector.broadcast %jit3A_1777 : f32 to vector<16xf32>
    %select_n3A_1780 = arith.select %and3A_1746, %broadcast_in_dim3A_1778, %broadcast_in_dim3A_1779 : vector<16xi1>, vector<16xf32>
    %swap3A_1781 = arith.constant 224 : index
    %swap3A_1782 = tpu.vector_load %arg9[%swap3A_1781] {strides = array<i32>} : memref<1024xf32, #tpu.memory_space<vmem>>, vector<16xf32>,
    %swap3A_1783 = vector.shape_cast %swap3A_1782 : vector<16xf32> to vector<16xf32>
    %swap3A_1784 = vector.shape_cast %select_n3A_1780 : vector<16xf32> to vector<16xf32>
    tpu.vector_store %arg9[%swap3A_1781], %swap3A_1784 {strides = array<i32>} : memref<1024xf32, #tpu.memory_space<vmem>>, vector<16xf32>,
    %ge3A_1785 = arith.constant 0 : i32
    %ge3A_1786 = vector.broadcast %ge3A_1785 : i32 to vector<16xi32>
    %ge3A_1787 = arith.cmpi sge, %get3A_1694, %ge3A_1786 : vector<16xi32>
    %ne3A_1788 = arith.cmpi ne, %get3A_1694, %get3A_1688 : vector<16xi32>
    %and3A_1789 = arith.andi %ge3A_1787, %ne3A_1788 : vector<16xi1>
    %ne3A_1790 = arith.cmpi ne, %get3A_1694, %get3A_1691 : vector<16xi32>
    %and3A_1791 = arith.andi %and3A_1789, %ne3A_1790 : vector<16xi1>
    %ge3A_1792 = arith.constant 0 : i32
    %ge3A_1793 = vector.broadcast %ge3A_1792 : i32 to vector<16xi32>
    %ge3A_1794 = arith.cmpi sge, %get3A_1694, %ge3A_1793 : vector<16xi32>
    %jit3A_1795 = arith.constant 0 : i32
    %broadcast_in_dim3A_1796 = vector.broadcast %jit3A_1795 : i32 to vector<16xi32>
    %select_n3A_1797 = arith.select %ge3A_1794, %get3A_1694, %broadcast_in_dim3A_1796 : vector<16xi1>, vector<16xi32>
    %shift_right_arithmetic3A_1798 = arith.constant 3 : i32
    %shift_right_arithmetic3A_1799 = vector.broadcast %shift_right_arithmetic3A_1798 : i32 to vector<16xi32>
    %shift_right_arithmetic3A_1800 = arith.shrsi %select_n3A_1797, %shift_right_arithmetic3A_1799 : vector<16xi32>
    %mul3A_1801 = arith.constant 32 : i32
    %mul3A_1802 = vector.broadcast %mul3A_1801 : i32 to vector<16xi32>
    %mul3A_1803 = arith.muli %shift_right_arithmetic3A_1800, %mul3A_1802 : vector<16xi32>
    %add3A_1804 = vector.broadcast %add3A : i32 to vector<16xi32>
    %add3A_1805 = arith.addi %mul3A_1803, %add3A_1804 : vector<16xi32>
    %mul3A_1806 = arith.constant 1024 : i32
    %mul3A_1807 = vector.broadcast %mul3A_1806 : i32 to vector<16xi32>
    %mul3A_1808 = arith.muli %add3A_1805, %mul3A_1807 : vector<16xi32>
    %and3A_1809 = arith.constant 7 : i32
    %and3A_1810 = vector.broadcast %and3A_1809 : i32 to vector<16xi32>
    %and3A_1811 = arith.andi %select_n3A_1797, %and3A_1810 : vector<16xi32>
    %shift_left3A_1812 = arith.constant 7 : i32
    %shift_left3A_1813 = vector.broadcast %shift_left3A_1812 : i32 to vector<16xi32>
    %shift_left3A_1814 = arith.shli %and3A_1811, %shift_left3A_1813 : vector<16xi32>
    %add3A_1815 = arith.addi %mul3A_1808, %shift_left3A_1814 : vector<16xi32>
    %add3A_1816 = arith.addi %add3A_1815, %add3A_1685 : vector<16xi32>
    %swap3A_1817 = arith.constant 352 : index
    %swap3A_1818 = tpu.vector_load %arg7[%swap3A_1817] {strides = array<i32>} : memref<640xi32, #tpu.memory_space<vmem>>, vector<16xi32>,
    %swap3A_1819 = vector.shape_cast %swap3A_1818 : vector<16xi32> to vector<16xi32>
    %swap3A_1820 = vector.shape_cast %add3A_1816 : vector<16xi32> to vector<16xi32>
    tpu.vector_store %arg7[%swap3A_1817], %swap3A_1820 {strides = array<i32>} : memref<640xi32, #tpu.memory_space<vmem>>, vector<16xi32>,
    %jit3A_1821 = arith.constant 1.000000e+00 : f32
    %jit3A_1822 = arith.constant 0.000000e+00 : f32
    %broadcast_in_dim3A_1823 = vector.broadcast %jit3A_1821 : f32 to vector<16xf32>
    %broadcast_in_dim3A_1824 = vector.broadcast %jit3A_1822 : f32 to vector<16xf32>
    %select_n3A_1825 = arith.select %and3A_1791, %broadcast_in_dim3A_1823, %broadcast_in_dim3A_1824 : vector<16xi1>, vector<16xf32>
    %swap3A_1826 = arith.constant 352 : index
    %swap3A_1827 = tpu.vector_load %arg9[%swap3A_1826] {strides = array<i32>} : memref<1024xf32, #tpu.memory_space<vmem>>, vector<16xf32>,
    %swap3A_1828 = vector.shape_cast %swap3A_1827 : vector<16xf32> to vector<16xf32>
    %swap3A_1829 = vector.shape_cast %select_n3A_1825 : vector<16xf32> to vector<16xf32>
    tpu.vector_store %arg9[%swap3A_1826], %swap3A_1829 {strides = array<i32>} : memref<1024xf32, #tpu.memory_space<vmem>>, vector<16xf32>,
    %ge3A_1830 = arith.constant 0 : i32
    %ge3A_1831 = vector.broadcast %ge3A_1830 : i32 to vector<16xi32>
    %ge3A_1832 = arith.cmpi sge, %get3A_1697, %ge3A_1831 : vector<16xi32>
    %ne3A_1833 = arith.cmpi ne, %get3A_1697, %get3A_1688 : vector<16xi32>
    %and3A_1834 = arith.andi %ge3A_1832, %ne3A_1833 : vector<16xi1>
    %ne3A_1835 = arith.cmpi ne, %get3A_1697, %get3A_1691 : vector<16xi32>
    %and3A_1836 = arith.andi %and3A_1834, %ne3A_1835 : vector<16xi1>
    %ne3A_1837 = arith.cmpi ne, %get3A_1697, %get3A_1694 : vector<16xi32>
    %and3A_1838 = arith.andi %and3A_1836, %ne3A_1837 : vector<16xi1>
    %ge3A_1839 = arith.constant 0 : i32
    %ge3A_1840 = vector.broadcast %ge3A_1839 : i32 to vector<16xi32>
    %ge3A_1841 = arith.cmpi sge, %get3A_1697, %ge3A_1840 : vector<16xi32>
    %jit3A_1842 = arith.constant 0 : i32
    %broadcast_in_dim3A_1843 = vector.broadcast %jit3A_1842 : i32 to vector<16xi32>
    %select_n3A_1844 = arith.select %ge3A_1841, %get3A_1697, %broadcast_in_dim3A_1843 : vector<16xi1>, vector<16xi32>
    %shift_right_arithmetic3A_1845 = arith.constant 3 : i32
    %shift_right_arithmetic3A_1846 = vector.broadcast %shift_right_arithmetic3A_1845 : i32 to vector<16xi32>
    %shift_right_arithmetic3A_1847 = arith.shrsi %select_n3A_1844, %shift_right_arithmetic3A_1846 : vector<16xi32>
    %mul3A_1848 = arith.constant 32 : i32
    %mul3A_1849 = vector.broadcast %mul3A_1848 : i32 to vector<16xi32>
    %mul3A_1850 = arith.muli %shift_right_arithmetic3A_1847, %mul3A_1849 : vector<16xi32>
    %add3A_1851 = vector.broadcast %add3A : i32 to vector<16xi32>
    %add3A_1852 = arith.addi %mul3A_1850, %add3A_1851 : vector<16xi32>
    %mul3A_1853 = arith.constant 1024 : i32
    %mul3A_1854 = vector.broadcast %mul3A_1853 : i32 to vector<16xi32>
    %mul3A_1855 = arith.muli %add3A_1852, %mul3A_1854 : vector<16xi32>
    %and3A_1856 = arith.constant 7 : i32
    %and3A_1857 = vector.broadcast %and3A_1856 : i32 to vector<16xi32>
    %and3A_1858 = arith.andi %select_n3A_1844, %and3A_1857 : vector<16xi32>
    %shift_left3A_1859 = arith.constant 7 : i32
    %shift_left3A_1860 = vector.broadcast %shift_left3A_1859 : i32 to vector<16xi32>
    %shift_left3A_1861 = arith.shli %and3A_1858, %shift_left3A_1860 : vector<16xi32>
    %add3A_1862 = arith.addi %mul3A_1855, %shift_left3A_1861 : vector<16xi32>
    %add3A_1863 = arith.addi %add3A_1862, %add3A_1685 : vector<16xi32>
    %swap3A_1864 = arith.constant 480 : index
    %swap3A_1865 = tpu.vector_load %arg7[%swap3A_1864] {strides = array<i32>} : memref<640xi32, #tpu.memory_space<vmem>>, vector<16xi32>,
    %swap3A_1866 = vector.shape_cast %swap3A_1865 : vector<16xi32> to vector<16xi32>
    %swap3A_1867 = vector.shape_cast %add3A_1863 : vector<16xi32> to vector<16xi32>
    tpu.vector_store %arg7[%swap3A_1864], %swap3A_1867 {strides = array<i32>} : memref<640xi32, #tpu.memory_space<vmem>>, vector<16xi32>,
    %jit3A_1868 = arith.constant 1.000000e+00 : f32
    %jit3A_1869 = arith.constant 0.000000e+00 : f32
    %broadcast_in_dim3A_1870 = vector.broadcast %jit3A_1868 : f32 to vector<16xf32>
    %broadcast_in_dim3A_1871 = vector.broadcast %jit3A_1869 : f32 to vector<16xf32>
    %select_n3A_1872 = arith.select %and3A_1838, %broadcast_in_dim3A_1870, %broadcast_in_dim3A_1871 : vector<16xi1>, vector<16xf32>
    %swap3A_1873 = arith.constant 480 : index
    %swap3A_1874 = tpu.vector_load %arg9[%swap3A_1873] {strides = array<i32>} : memref<1024xf32, #tpu.memory_space<vmem>>, vector<16xf32>,
    %swap3A_1875 = vector.shape_cast %swap3A_1874 : vector<16xf32> to vector<16xf32>
    %swap3A_1876 = vector.shape_cast %select_n3A_1872 : vector<16xf32> to vector<16xf32>
    tpu.vector_store %arg9[%swap3A_1873], %swap3A_1876 {strides = array<i32>} : memref<1024xf32, #tpu.memory_space<vmem>>, vector<16xf32>,
    %ge3A_1877 = arith.constant 0 : i32
    %ge3A_1878 = vector.broadcast %ge3A_1877 : i32 to vector<16xi32>
    %ge3A_1879 = arith.cmpi sge, %get3A_1700, %ge3A_1878 : vector<16xi32>
    %ne3A_1880 = arith.cmpi ne, %get3A_1700, %get3A_1688 : vector<16xi32>
    %and3A_1881 = arith.andi %ge3A_1879, %ne3A_1880 : vector<16xi1>
    %ne3A_1882 = arith.cmpi ne, %get3A_1700, %get3A_1691 : vector<16xi32>
    %and3A_1883 = arith.andi %and3A_1881, %ne3A_1882 : vector<16xi1>
    %ne3A_1884 = arith.cmpi ne, %get3A_1700, %get3A_1694 : vector<16xi32>
    %and3A_1885 = arith.andi %and3A_1883, %ne3A_1884 : vector<16xi1>
    %ne3A_1886 = arith.cmpi ne, %get3A_1700, %get3A_1697 : vector<16xi32>
    %and3A_1887 = arith.andi %and3A_1885, %ne3A_1886 : vector<16xi1>
    %ge3A_1888 = arith.constant 0 : i32
    %ge3A_1889 = vector.broadcast %ge3A_1888 : i32 to vector<16xi32>
    %ge3A_1890 = arith.cmpi sge, %get3A_1700, %ge3A_1889 : vector<16xi32>
    %jit3A_1891 = arith.constant 0 : i32
    %broadcast_in_dim3A_1892 = vector.broadcast %jit3A_1891 : i32 to vector<16xi32>
    %select_n3A_1893 = arith.select %ge3A_1890, %get3A_1700, %broadcast_in_dim3A_1892 : vector<16xi1>, vector<16xi32>
    %shift_right_arithmetic3A_1894 = arith.constant 3 : i32
    %shift_right_arithmetic3A_1895 = vector.broadcast %shift_right_arithmetic3A_1894 : i32 to vector<16xi32>
    %shift_right_arithmetic3A_1896 = arith.shrsi %select_n3A_1893, %shift_right_arithmetic3A_1895 : vector<16xi32>
    %mul3A_1897 = arith.constant 32 : i32
    %mul3A_1898 = vector.broadcast %mul3A_1897 : i32 to vector<16xi32>
    %mul3A_1899 = arith.muli %shift_right_arithmetic3A_1896, %mul3A_1898 : vector<16xi32>
    %add3A_1900 = vector.broadcast %add3A : i32 to vector<16xi32>
    %add3A_1901 = arith.addi %mul3A_1899, %add3A_1900 : vector<16xi32>
    %mul3A_1902 = arith.constant 1024 : i32
    %mul3A_1903 = vector.broadcast %mul3A_1902 : i32 to vector<16xi32>
    %mul3A_1904 = arith.muli %add3A_1901, %mul3A_1903 : vector<16xi32>
    %and3A_1905 = arith.constant 7 : i32
    %and3A_1906 = vector.broadcast %and3A_1905 : i32 to vector<16xi32>
    %and3A_1907 = arith.andi %select_n3A_1893, %and3A_1906 : vector<16xi32>
    %shift_left3A_1908 = arith.constant 7 : i32
    %shift_left3A_1909 = vector.broadcast %shift_left3A_1908 : i32 to vector<16xi32>
    %shift_left3A_1910 = arith.shli %and3A_1907, %shift_left3A_1909 : vector<16xi32>
    %add3A_1911 = arith.addi %mul3A_1904, %shift_left3A_1910 : vector<16xi32>
    %add3A_1912 = arith.addi %add3A_1911, %add3A_1685 : vector<16xi32>
    %swap3A_1913 = arith.constant 608 : index
    %swap3A_1914 = tpu.vector_load %arg7[%swap3A_1913] {strides = array<i32>} : memref<640xi32, #tpu.memory_space<vmem>>, vector<16xi32>,
    %swap3A_1915 = vector.shape_cast %swap3A_1914 : vector<16xi32> to vector<16xi32>
    %swap3A_1916 = vector.shape_cast %add3A_1912 : vector<16xi32> to vector<16xi32>
    tpu.vector_store %arg7[%swap3A_1913], %swap3A_1916 {strides = array<i32>} : memref<640xi32, #tpu.memory_space<vmem>>, vector<16xi32>,
    %jit3A_1917 = arith.constant 1.000000e+00 : f32
    %jit3A_1918 = arith.constant 0.000000e+00 : f32
    %broadcast_in_dim3A_1919 = vector.broadcast %jit3A_1917 : f32 to vector<16xf32>
    %broadcast_in_dim3A_1920 = vector.broadcast %jit3A_1918 : f32 to vector<16xf32>
    %select_n3A_1921 = arith.select %and3A_1887, %broadcast_in_dim3A_1919, %broadcast_in_dim3A_1920 : vector<16xi1>, vector<16xf32>
    %swap3A_1922 = arith.constant 608 : index
    %swap3A_1923 = tpu.vector_load %arg9[%swap3A_1922] {strides = array<i32>} : memref<1024xf32, #tpu.memory_space<vmem>>, vector<16xf32>,
    %swap3A_1924 = vector.shape_cast %swap3A_1923 : vector<16xf32> to vector<16xf32>
    %swap3A_1925 = vector.shape_cast %select_n3A_1921 : vector<16xf32> to vector<16xf32>
    tpu.vector_store %arg9[%swap3A_1922], %swap3A_1925 {strides = array<i32>} : memref<1024xf32, #tpu.memory_space<vmem>>, vector<16xf32>,
    %broadcast_in_dim3A_1926 = arith.constant 0.000000e+00 : f32
    %broadcast_in_dim3A_1927 = vector.broadcast %broadcast_in_dim3A_1926 : f32 to vector<16xf32>
    %swap3A_1928 = arith.constant 736 : index
    %swap3A_1929 = tpu.vector_load %arg9[%swap3A_1928] {strides = array<i32>} : memref<1024xf32, #tpu.memory_space<vmem>>, vector<16xf32>,
    %swap3A_1930 = vector.shape_cast %swap3A_1929 : vector<16xf32> to vector<16xf32>
    %swap3A_1931 = vector.shape_cast %broadcast_in_dim3A_1927 : vector<16xf32> to vector<16xf32>
    tpu.vector_store %arg9[%swap3A_1928], %swap3A_1931 {strides = array<i32>} : memref<1024xf32, #tpu.memory_space<vmem>>, vector<16xf32>,
    %broadcast_in_dim3A_1932 = arith.constant 0.000000e+00 : f32
    %broadcast_in_dim3A_1933 = vector.broadcast %broadcast_in_dim3A_1932 : f32 to vector<16xf32>
    %swap3A_1934 = arith.constant 736 : index
    %swap3A_1935 = tpu.vector_load %arg8[%swap3A_1934] {strides = array<i32>} : memref<1024xf32, #tpu.memory_space<vmem>>, vector<16xf32>,
    %swap3A_1936 = vector.shape_cast %swap3A_1935 : vector<16xf32> to vector<16xf32>
    %swap3A_1937 = vector.shape_cast %broadcast_in_dim3A_1933 : vector<16xf32> to vector<16xf32>
    tpu.vector_store %arg8[%swap3A_1934], %swap3A_1937 {strides = array<i32>} : memref<1024xf32, #tpu.memory_space<vmem>>, vector<16xf32>,
    %broadcast_in_dim3A_1938 = arith.constant 0.000000e+00 : f32
    %broadcast_in_dim3A_1939 = vector.broadcast %broadcast_in_dim3A_1938 : f32 to vector<16xf32>
    %swap3A_1940 = arith.constant 864 : index
    %swap3A_1941 = tpu.vector_load %arg9[%swap3A_1940] {strides = array<i32>} : memref<1024xf32, #tpu.memory_space<vmem>>, vector<16xf32>,
    %swap3A_1942 = vector.shape_cast %swap3A_1941 : vector<16xf32> to vector<16xf32>
    %swap3A_1943 = vector.shape_cast %broadcast_in_dim3A_1939 : vector<16xf32> to vector<16xf32>
    tpu.vector_store %arg9[%swap3A_1940], %swap3A_1943 {strides = array<i32>} : memref<1024xf32, #tpu.memory_space<vmem>>, vector<16xf32>,
    %broadcast_in_dim3A_1944 = arith.constant 0.000000e+00 : f32
    %broadcast_in_dim3A_1945 = vector.broadcast %broadcast_in_dim3A_1944 : f32 to vector<16xf32>
    %swap3A_1946 = arith.constant 864 : index
    %swap3A_1947 = tpu.vector_load %arg8[%swap3A_1946] {strides = array<i32>} : memref<1024xf32, #tpu.memory_space<vmem>>, vector<16xf32>,
    %swap3A_1948 = vector.shape_cast %swap3A_1947 : vector<16xf32> to vector<16xf32>
    %swap3A_1949 = vector.shape_cast %broadcast_in_dim3A_1945 : vector<16xf32> to vector<16xf32>
    tpu.vector_store %arg8[%swap3A_1946], %swap3A_1949 {strides = array<i32>} : memref<1024xf32, #tpu.memory_space<vmem>>, vector<16xf32>,
    %broadcast_in_dim3A_1950 = arith.constant 0.000000e+00 : f32
    %broadcast_in_dim3A_1951 = vector.broadcast %broadcast_in_dim3A_1950 : f32 to vector<16xf32>
    %swap3A_1952 = arith.constant 992 : index
    %swap3A_1953 = tpu.vector_load %arg9[%swap3A_1952] {strides = array<i32>} : memref<1024xf32, #tpu.memory_space<vmem>>, vector<16xf32>,
    %swap3A_1954 = vector.shape_cast %swap3A_1953 : vector<16xf32> to vector<16xf32>
    %swap3A_1955 = vector.shape_cast %broadcast_in_dim3A_1951 : vector<16xf32> to vector<16xf32>
    tpu.vector_store %arg9[%swap3A_1952], %swap3A_1955 {strides = array<i32>} : memref<1024xf32, #tpu.memory_space<vmem>>, vector<16xf32>,
    %broadcast_in_dim3A_1956 = arith.constant 0.000000e+00 : f32
    %broadcast_in_dim3A_1957 = vector.broadcast %broadcast_in_dim3A_1956 : f32 to vector<16xf32>
    %swap3A_1958 = arith.constant 992 : index
    %swap3A_1959 = tpu.vector_load %arg8[%swap3A_1958] {strides = array<i32>} : memref<1024xf32, #tpu.memory_space<vmem>>, vector<16xf32>,
    %swap3A_1960 = vector.shape_cast %swap3A_1959 : vector<16xf32> to vector<16xf32>
    %swap3A_1961 = vector.shape_cast %broadcast_in_dim3A_1957 : vector<16xf32> to vector<16xf32>
    tpu.vector_store %arg8[%swap3A_1958], %swap3A_1961 {strides = array<i32>} : memref<1024xf32, #tpu.memory_space<vmem>>, vector<16xf32>,
    %iota3A_1962 = tpu.iota {dimensions = array<i32: 0>} : vector<16xi32>
    %add3A_1963 = arith.constant 112 : i32
    %add3A_1964 = vector.broadcast %add3A_1963 : i32 to vector<16xi32>
    %add3A_1965 = arith.addi %iota3A_1962, %add3A_1964 : vector<16xi32>
    %get3A_1966 = arith.constant 112 : index
    %get3A_1967 = tpu.vector_load %arg6[%get3A_1966] {strides = array<i32>} : memref<640xi32, #tpu.memory_space<vmem>>, vector<16xi32>,
    %get3A_1968 = vector.shape_cast %get3A_1967 : vector<16xi32> to vector<16xi32>
    %get3A_1969 = arith.constant 240 : index
    %get3A_1970 = tpu.vector_load %arg6[%get3A_1969] {strides = array<i32>} : memref<640xi32, #tpu.memory_space<vmem>>, vector<16xi32>,
    %get3A_1971 = vector.shape_cast %get3A_1970 : vector<16xi32> to vector<16xi32>
    %get3A_1972 = arith.constant 368 : index
    %get3A_1973 = tpu.vector_load %arg6[%get3A_1972] {strides = array<i32>} : memref<640xi32, #tpu.memory_space<vmem>>, vector<16xi32>,
    %get3A_1974 = vector.shape_cast %get3A_1973 : vector<16xi32> to vector<16xi32>
    %get3A_1975 = arith.constant 496 : index
    %get3A_1976 = tpu.vector_load %arg6[%get3A_1975] {strides = array<i32>} : memref<640xi32, #tpu.memory_space<vmem>>, vector<16xi32>,
    %get3A_1977 = vector.shape_cast %get3A_1976 : vector<16xi32> to vector<16xi32>
    %get3A_1978 = arith.constant 624 : index
    %get3A_1979 = tpu.vector_load %arg6[%get3A_1978] {strides = array<i32>} : memref<640xi32, #tpu.memory_space<vmem>>, vector<16xi32>,
    %get3A_1980 = vector.shape_cast %get3A_1979 : vector<16xi32> to vector<16xi32>
    %ge3A_1981 = arith.constant 0 : i32
    %ge3A_1982 = vector.broadcast %ge3A_1981 : i32 to vector<16xi32>
    %ge3A_1983 = arith.cmpi sge, %get3A_1968, %ge3A_1982 : vector<16xi32>
    %ge3A_1984 = arith.constant 0 : i32
    %ge3A_1985 = vector.broadcast %ge3A_1984 : i32 to vector<16xi32>
    %ge3A_1986 = arith.cmpi sge, %get3A_1968, %ge3A_1985 : vector<16xi32>
    %jit3A_1987 = arith.constant 0 : i32
    %broadcast_in_dim3A_1988 = vector.broadcast %jit3A_1987 : i32 to vector<16xi32>
    %select_n3A_1989 = arith.select %ge3A_1986, %get3A_1968, %broadcast_in_dim3A_1988 : vector<16xi1>, vector<16xi32>
    %shift_right_arithmetic3A_1990 = arith.constant 3 : i32
    %shift_right_arithmetic3A_1991 = vector.broadcast %shift_right_arithmetic3A_1990 : i32 to vector<16xi32>
    %shift_right_arithmetic3A_1992 = arith.shrsi %select_n3A_1989, %shift_right_arithmetic3A_1991 : vector<16xi32>
    %mul3A_1993 = arith.constant 32 : i32
    %mul3A_1994 = vector.broadcast %mul3A_1993 : i32 to vector<16xi32>
    %mul3A_1995 = arith.muli %shift_right_arithmetic3A_1992, %mul3A_1994 : vector<16xi32>
    %add3A_1996 = vector.broadcast %add3A : i32 to vector<16xi32>
    %add3A_1997 = arith.addi %mul3A_1995, %add3A_1996 : vector<16xi32>
    %mul3A_1998 = arith.constant 1024 : i32
    %mul3A_1999 = vector.broadcast %mul3A_1998 : i32 to vector<16xi32>
    %mul3A_2000 = arith.muli %add3A_1997, %mul3A_1999 : vector<16xi32>
    %and3A_2001 = arith.constant 7 : i32
    %and3A_2002 = vector.broadcast %and3A_2001 : i32 to vector<16xi32>
    %and3A_2003 = arith.andi %select_n3A_1989, %and3A_2002 : vector<16xi32>
    %shift_left3A_2004 = arith.constant 7 : i32
    %shift_left3A_2005 = vector.broadcast %shift_left3A_2004 : i32 to vector<16xi32>
    %shift_left3A_2006 = arith.shli %and3A_2003, %shift_left3A_2005 : vector<16xi32>
    %add3A_2007 = arith.addi %mul3A_2000, %shift_left3A_2006 : vector<16xi32>
    %add3A_2008 = arith.addi %add3A_2007, %add3A_1965 : vector<16xi32>
    %swap3A_2009 = arith.constant 112 : index
    %swap3A_2010 = tpu.vector_load %arg7[%swap3A_2009] {strides = array<i32>} : memref<640xi32, #tpu.memory_space<vmem>>, vector<16xi32>,
    %swap3A_2011 = vector.shape_cast %swap3A_2010 : vector<16xi32> to vector<16xi32>
    %swap3A_2012 = vector.shape_cast %add3A_2008 : vector<16xi32> to vector<16xi32>
    tpu.vector_store %arg7[%swap3A_2009], %swap3A_2012 {strides = array<i32>} : memref<640xi32, #tpu.memory_space<vmem>>, vector<16xi32>,
    %jit3A_2013 = arith.constant 1.000000e+00 : f32
    %jit3A_2014 = arith.constant 0.000000e+00 : f32
    %broadcast_in_dim3A_2015 = vector.broadcast %jit3A_2013 : f32 to vector<16xf32>
    %broadcast_in_dim3A_2016 = vector.broadcast %jit3A_2014 : f32 to vector<16xf32>
    %select_n3A_2017 = arith.select %ge3A_1983, %broadcast_in_dim3A_2015, %broadcast_in_dim3A_2016 : vector<16xi1>, vector<16xf32>
    %swap3A_2018 = arith.constant 112 : index
    %swap3A_2019 = tpu.vector_load %arg9[%swap3A_2018] {strides = array<i32>} : memref<1024xf32, #tpu.memory_space<vmem>>, vector<16xf32>,
    %swap3A_2020 = vector.shape_cast %swap3A_2019 : vector<16xf32> to vector<16xf32>
    %swap3A_2021 = vector.shape_cast %select_n3A_2017 : vector<16xf32> to vector<16xf32>
    tpu.vector_store %arg9[%swap3A_2018], %swap3A_2021 {strides = array<i32>} : memref<1024xf32, #tpu.memory_space<vmem>>, vector<16xf32>,
    %ge3A_2022 = arith.constant 0 : i32
    %ge3A_2023 = vector.broadcast %ge3A_2022 : i32 to vector<16xi32>
    %ge3A_2024 = arith.cmpi sge, %get3A_1971, %ge3A_2023 : vector<16xi32>
    %ne3A_2025 = arith.cmpi ne, %get3A_1971, %get3A_1968 : vector<16xi32>
    %and3A_2026 = arith.andi %ge3A_2024, %ne3A_2025 : vector<16xi1>
    %ge3A_2027 = arith.constant 0 : i32
    %ge3A_2028 = vector.broadcast %ge3A_2027 : i32 to vector<16xi32>
    %ge3A_2029 = arith.cmpi sge, %get3A_1971, %ge3A_2028 : vector<16xi32>
    %jit3A_2030 = arith.constant 0 : i32
    %broadcast_in_dim3A_2031 = vector.broadcast %jit3A_2030 : i32 to vector<16xi32>
    %select_n3A_2032 = arith.select %ge3A_2029, %get3A_1971, %broadcast_in_dim3A_2031 : vector<16xi1>, vector<16xi32>
    %shift_right_arithmetic3A_2033 = arith.constant 3 : i32
    %shift_right_arithmetic3A_2034 = vector.broadcast %shift_right_arithmetic3A_2033 : i32 to vector<16xi32>
    %shift_right_arithmetic3A_2035 = arith.shrsi %select_n3A_2032, %shift_right_arithmetic3A_2034 : vector<16xi32>
    %mul3A_2036 = arith.constant 32 : i32
    %mul3A_2037 = vector.broadcast %mul3A_2036 : i32 to vector<16xi32>
    %mul3A_2038 = arith.muli %shift_right_arithmetic3A_2035, %mul3A_2037 : vector<16xi32>
    %add3A_2039 = vector.broadcast %add3A : i32 to vector<16xi32>
    %add3A_2040 = arith.addi %mul3A_2038, %add3A_2039 : vector<16xi32>
    %mul3A_2041 = arith.constant 1024 : i32
    %mul3A_2042 = vector.broadcast %mul3A_2041 : i32 to vector<16xi32>
    %mul3A_2043 = arith.muli %add3A_2040, %mul3A_2042 : vector<16xi32>
    %and3A_2044 = arith.constant 7 : i32
    %and3A_2045 = vector.broadcast %and3A_2044 : i32 to vector<16xi32>
    %and3A_2046 = arith.andi %select_n3A_2032, %and3A_2045 : vector<16xi32>
    %shift_left3A_2047 = arith.constant 7 : i32
    %shift_left3A_2048 = vector.broadcast %shift_left3A_2047 : i32 to vector<16xi32>
    %shift_left3A_2049 = arith.shli %and3A_2046, %shift_left3A_2048 : vector<16xi32>
    %add3A_2050 = arith.addi %mul3A_2043, %shift_left3A_2049 : vector<16xi32>
    %add3A_2051 = arith.addi %add3A_2050, %add3A_1965 : vector<16xi32>
    %swap3A_2052 = arith.constant 240 : index
    %swap3A_2053 = tpu.vector_load %arg7[%swap3A_2052] {strides = array<i32>} : memref<640xi32, #tpu.memory_space<vmem>>, vector<16xi32>,
    %swap3A_2054 = vector.shape_cast %swap3A_2053 : vector<16xi32> to vector<16xi32>
    %swap3A_2055 = vector.shape_cast %add3A_2051 : vector<16xi32> to vector<16xi32>
    tpu.vector_store %arg7[%swap3A_2052], %swap3A_2055 {strides = array<i32>} : memref<640xi32, #tpu.memory_space<vmem>>, vector<16xi32>,
    %jit3A_2056 = arith.constant 1.000000e+00 : f32
    %jit3A_2057 = arith.constant 0.000000e+00 : f32
    %broadcast_in_dim3A_2058 = vector.broadcast %jit3A_2056 : f32 to vector<16xf32>
    %broadcast_in_dim3A_2059 = vector.broadcast %jit3A_2057 : f32 to vector<16xf32>
    %select_n3A_2060 = arith.select %and3A_2026, %broadcast_in_dim3A_2058, %broadcast_in_dim3A_2059 : vector<16xi1>, vector<16xf32>
    %swap3A_2061 = arith.constant 240 : index
    %swap3A_2062 = tpu.vector_load %arg9[%swap3A_2061] {strides = array<i32>} : memref<1024xf32, #tpu.memory_space<vmem>>, vector<16xf32>,
    %swap3A_2063 = vector.shape_cast %swap3A_2062 : vector<16xf32> to vector<16xf32>
    %swap3A_2064 = vector.shape_cast %select_n3A_2060 : vector<16xf32> to vector<16xf32>
    tpu.vector_store %arg9[%swap3A_2061], %swap3A_2064 {strides = array<i32>} : memref<1024xf32, #tpu.memory_space<vmem>>, vector<16xf32>,
    %ge3A_2065 = arith.constant 0 : i32
    %ge3A_2066 = vector.broadcast %ge3A_2065 : i32 to vector<16xi32>
    %ge3A_2067 = arith.cmpi sge, %get3A_1974, %ge3A_2066 : vector<16xi32>
    %ne3A_2068 = arith.cmpi ne, %get3A_1974, %get3A_1968 : vector<16xi32>
    %and3A_2069 = arith.andi %ge3A_2067, %ne3A_2068 : vector<16xi1>
    %ne3A_2070 = arith.cmpi ne, %get3A_1974, %get3A_1971 : vector<16xi32>
    %and3A_2071 = arith.andi %and3A_2069, %ne3A_2070 : vector<16xi1>
    %ge3A_2072 = arith.constant 0 : i32
    %ge3A_2073 = vector.broadcast %ge3A_2072 : i32 to vector<16xi32>
    %ge3A_2074 = arith.cmpi sge, %get3A_1974, %ge3A_2073 : vector<16xi32>
    %jit3A_2075 = arith.constant 0 : i32
    %broadcast_in_dim3A_2076 = vector.broadcast %jit3A_2075 : i32 to vector<16xi32>
    %select_n3A_2077 = arith.select %ge3A_2074, %get3A_1974, %broadcast_in_dim3A_2076 : vector<16xi1>, vector<16xi32>
    %shift_right_arithmetic3A_2078 = arith.constant 3 : i32
    %shift_right_arithmetic3A_2079 = vector.broadcast %shift_right_arithmetic3A_2078 : i32 to vector<16xi32>
    %shift_right_arithmetic3A_2080 = arith.shrsi %select_n3A_2077, %shift_right_arithmetic3A_2079 : vector<16xi32>
    %mul3A_2081 = arith.constant 32 : i32
    %mul3A_2082 = vector.broadcast %mul3A_2081 : i32 to vector<16xi32>
    %mul3A_2083 = arith.muli %shift_right_arithmetic3A_2080, %mul3A_2082 : vector<16xi32>
    %add3A_2084 = vector.broadcast %add3A : i32 to vector<16xi32>
    %add3A_2085 = arith.addi %mul3A_2083, %add3A_2084 : vector<16xi32>
    %mul3A_2086 = arith.constant 1024 : i32
    %mul3A_2087 = vector.broadcast %mul3A_2086 : i32 to vector<16xi32>
    %mul3A_2088 = arith.muli %add3A_2085, %mul3A_2087 : vector<16xi32>
    %and3A_2089 = arith.constant 7 : i32
    %and3A_2090 = vector.broadcast %and3A_2089 : i32 to vector<16xi32>
    %and3A_2091 = arith.andi %select_n3A_2077, %and3A_2090 : vector<16xi32>
    %shift_left3A_2092 = arith.constant 7 : i32
    %shift_left3A_2093 = vector.broadcast %shift_left3A_2092 : i32 to vector<16xi32>
    %shift_left3A_2094 = arith.shli %and3A_2091, %shift_left3A_2093 : vector<16xi32>
    %add3A_2095 = arith.addi %mul3A_2088, %shift_left3A_2094 : vector<16xi32>
    %add3A_2096 = arith.addi %add3A_2095, %add3A_1965 : vector<16xi32>
    %swap3A_2097 = arith.constant 368 : index
    %swap3A_2098 = tpu.vector_load %arg7[%swap3A_2097] {strides = array<i32>} : memref<640xi32, #tpu.memory_space<vmem>>, vector<16xi32>,
    %swap3A_2099 = vector.shape_cast %swap3A_2098 : vector<16xi32> to vector<16xi32>
    %swap3A_2100 = vector.shape_cast %add3A_2096 : vector<16xi32> to vector<16xi32>
    tpu.vector_store %arg7[%swap3A_2097], %swap3A_2100 {strides = array<i32>} : memref<640xi32, #tpu.memory_space<vmem>>, vector<16xi32>,
    %jit3A_2101 = arith.constant 1.000000e+00 : f32
    %jit3A_2102 = arith.constant 0.000000e+00 : f32
    %broadcast_in_dim3A_2103 = vector.broadcast %jit3A_2101 : f32 to vector<16xf32>
    %broadcast_in_dim3A_2104 = vector.broadcast %jit3A_2102 : f32 to vector<16xf32>
    %select_n3A_2105 = arith.select %and3A_2071, %broadcast_in_dim3A_2103, %broadcast_in_dim3A_2104 : vector<16xi1>, vector<16xf32>
    %swap3A_2106 = arith.constant 368 : index
    %swap3A_2107 = tpu.vector_load %arg9[%swap3A_2106] {strides = array<i32>} : memref<1024xf32, #tpu.memory_space<vmem>>, vector<16xf32>,
    %swap3A_2108 = vector.shape_cast %swap3A_2107 : vector<16xf32> to vector<16xf32>
    %swap3A_2109 = vector.shape_cast %select_n3A_2105 : vector<16xf32> to vector<16xf32>
    tpu.vector_store %arg9[%swap3A_2106], %swap3A_2109 {strides = array<i32>} : memref<1024xf32, #tpu.memory_space<vmem>>, vector<16xf32>,
    %ge3A_2110 = arith.constant 0 : i32
    %ge3A_2111 = vector.broadcast %ge3A_2110 : i32 to vector<16xi32>
    %ge3A_2112 = arith.cmpi sge, %get3A_1977, %ge3A_2111 : vector<16xi32>
    %ne3A_2113 = arith.cmpi ne, %get3A_1977, %get3A_1968 : vector<16xi32>
    %and3A_2114 = arith.andi %ge3A_2112, %ne3A_2113 : vector<16xi1>
    %ne3A_2115 = arith.cmpi ne, %get3A_1977, %get3A_1971 : vector<16xi32>
    %and3A_2116 = arith.andi %and3A_2114, %ne3A_2115 : vector<16xi1>
    %ne3A_2117 = arith.cmpi ne, %get3A_1977, %get3A_1974 : vector<16xi32>
    %and3A_2118 = arith.andi %and3A_2116, %ne3A_2117 : vector<16xi1>
    %ge3A_2119 = arith.constant 0 : i32
    %ge3A_2120 = vector.broadcast %ge3A_2119 : i32 to vector<16xi32>
    %ge3A_2121 = arith.cmpi sge, %get3A_1977, %ge3A_2120 : vector<16xi32>
    %jit3A_2122 = arith.constant 0 : i32
    %broadcast_in_dim3A_2123 = vector.broadcast %jit3A_2122 : i32 to vector<16xi32>
    %select_n3A_2124 = arith.select %ge3A_2121, %get3A_1977, %broadcast_in_dim3A_2123 : vector<16xi1>, vector<16xi32>
    %shift_right_arithmetic3A_2125 = arith.constant 3 : i32
    %shift_right_arithmetic3A_2126 = vector.broadcast %shift_right_arithmetic3A_2125 : i32 to vector<16xi32>
    %shift_right_arithmetic3A_2127 = arith.shrsi %select_n3A_2124, %shift_right_arithmetic3A_2126 : vector<16xi32>
    %mul3A_2128 = arith.constant 32 : i32
    %mul3A_2129 = vector.broadcast %mul3A_2128 : i32 to vector<16xi32>
    %mul3A_2130 = arith.muli %shift_right_arithmetic3A_2127, %mul3A_2129 : vector<16xi32>
    %add3A_2131 = vector.broadcast %add3A : i32 to vector<16xi32>
    %add3A_2132 = arith.addi %mul3A_2130, %add3A_2131 : vector<16xi32>
    %mul3A_2133 = arith.constant 1024 : i32
    %mul3A_2134 = vector.broadcast %mul3A_2133 : i32 to vector<16xi32>
    %mul3A_2135 = arith.muli %add3A_2132, %mul3A_2134 : vector<16xi32>
    %and3A_2136 = arith.constant 7 : i32
    %and3A_2137 = vector.broadcast %and3A_2136 : i32 to vector<16xi32>
    %and3A_2138 = arith.andi %select_n3A_2124, %and3A_2137 : vector<16xi32>
    %shift_left3A_2139 = arith.constant 7 : i32
    %shift_left3A_2140 = vector.broadcast %shift_left3A_2139 : i32 to vector<16xi32>
    %shift_left3A_2141 = arith.shli %and3A_2138, %shift_left3A_2140 : vector<16xi32>
    %add3A_2142 = arith.addi %mul3A_2135, %shift_left3A_2141 : vector<16xi32>
    %add3A_2143 = arith.addi %add3A_2142, %add3A_1965 : vector<16xi32>
    %swap3A_2144 = arith.constant 496 : index
    %swap3A_2145 = tpu.vector_load %arg7[%swap3A_2144] {strides = array<i32>} : memref<640xi32, #tpu.memory_space<vmem>>, vector<16xi32>,
    %swap3A_2146 = vector.shape_cast %swap3A_2145 : vector<16xi32> to vector<16xi32>
    %swap3A_2147 = vector.shape_cast %add3A_2143 : vector<16xi32> to vector<16xi32>
    tpu.vector_store %arg7[%swap3A_2144], %swap3A_2147 {strides = array<i32>} : memref<640xi32, #tpu.memory_space<vmem>>, vector<16xi32>,
    %jit3A_2148 = arith.constant 1.000000e+00 : f32
    %jit3A_2149 = arith.constant 0.000000e+00 : f32
    %broadcast_in_dim3A_2150 = vector.broadcast %jit3A_2148 : f32 to vector<16xf32>
    %broadcast_in_dim3A_2151 = vector.broadcast %jit3A_2149 : f32 to vector<16xf32>
    %select_n3A_2152 = arith.select %and3A_2118, %broadcast_in_dim3A_2150, %broadcast_in_dim3A_2151 : vector<16xi1>, vector<16xf32>
    %swap3A_2153 = arith.constant 496 : index
    %swap3A_2154 = tpu.vector_load %arg9[%swap3A_2153] {strides = array<i32>} : memref<1024xf32, #tpu.memory_space<vmem>>, vector<16xf32>,
    %swap3A_2155 = vector.shape_cast %swap3A_2154 : vector<16xf32> to vector<16xf32>
    %swap3A_2156 = vector.shape_cast %select_n3A_2152 : vector<16xf32> to vector<16xf32>
    tpu.vector_store %arg9[%swap3A_2153], %swap3A_2156 {strides = array<i32>} : memref<1024xf32, #tpu.memory_space<vmem>>, vector<16xf32>,
    %ge3A_2157 = arith.constant 0 : i32
    %ge3A_2158 = vector.broadcast %ge3A_2157 : i32 to vector<16xi32>
    %ge3A_2159 = arith.cmpi sge, %get3A_1980, %ge3A_2158 : vector<16xi32>
    %ne3A_2160 = arith.cmpi ne, %get3A_1980, %get3A_1968 : vector<16xi32>
    %and3A_2161 = arith.andi %ge3A_2159, %ne3A_2160 : vector<16xi1>
    %ne3A_2162 = arith.cmpi ne, %get3A_1980, %get3A_1971 : vector<16xi32>
    %and3A_2163 = arith.andi %and3A_2161, %ne3A_2162 : vector<16xi1>
    %ne3A_2164 = arith.cmpi ne, %get3A_1980, %get3A_1974 : vector<16xi32>
    %and3A_2165 = arith.andi %and3A_2163, %ne3A_2164 : vector<16xi1>
    %ne3A_2166 = arith.cmpi ne, %get3A_1980, %get3A_1977 : vector<16xi32>
    %and3A_2167 = arith.andi %and3A_2165, %ne3A_2166 : vector<16xi1>
    %ge3A_2168 = arith.constant 0 : i32
    %ge3A_2169 = vector.broadcast %ge3A_2168 : i32 to vector<16xi32>
    %ge3A_2170 = arith.cmpi sge, %get3A_1980, %ge3A_2169 : vector<16xi32>
    %jit3A_2171 = arith.constant 0 : i32
    %broadcast_in_dim3A_2172 = vector.broadcast %jit3A_2171 : i32 to vector<16xi32>
    %select_n3A_2173 = arith.select %ge3A_2170, %get3A_1980, %broadcast_in_dim3A_2172 : vector<16xi1>, vector<16xi32>
    %shift_right_arithmetic3A_2174 = arith.constant 3 : i32
    %shift_right_arithmetic3A_2175 = vector.broadcast %shift_right_arithmetic3A_2174 : i32 to vector<16xi32>
    %shift_right_arithmetic3A_2176 = arith.shrsi %select_n3A_2173, %shift_right_arithmetic3A_2175 : vector<16xi32>
    %mul3A_2177 = arith.constant 32 : i32
    %mul3A_2178 = vector.broadcast %mul3A_2177 : i32 to vector<16xi32>
    %mul3A_2179 = arith.muli %shift_right_arithmetic3A_2176, %mul3A_2178 : vector<16xi32>
    %add3A_2180 = vector.broadcast %add3A : i32 to vector<16xi32>
    %add3A_2181 = arith.addi %mul3A_2179, %add3A_2180 : vector<16xi32>
    %mul3A_2182 = arith.constant 1024 : i32
    %mul3A_2183 = vector.broadcast %mul3A_2182 : i32 to vector<16xi32>
    %mul3A_2184 = arith.muli %add3A_2181, %mul3A_2183 : vector<16xi32>
    %and3A_2185 = arith.constant 7 : i32
    %and3A_2186 = vector.broadcast %and3A_2185 : i32 to vector<16xi32>
    %and3A_2187 = arith.andi %select_n3A_2173, %and3A_2186 : vector<16xi32>
    %shift_left3A_2188 = arith.constant 7 : i32
    %shift_left3A_2189 = vector.broadcast %shift_left3A_2188 : i32 to vector<16xi32>
    %shift_left3A_2190 = arith.shli %and3A_2187, %shift_left3A_2189 : vector<16xi32>
    %add3A_2191 = arith.addi %mul3A_2184, %shift_left3A_2190 : vector<16xi32>
    %add3A_2192 = arith.addi %add3A_2191, %add3A_1965 : vector<16xi32>
    %swap3A_2193 = arith.constant 624 : index
    %swap3A_2194 = tpu.vector_load %arg7[%swap3A_2193] {strides = array<i32>} : memref<640xi32, #tpu.memory_space<vmem>>, vector<16xi32>,
    %swap3A_2195 = vector.shape_cast %swap3A_2194 : vector<16xi32> to vector<16xi32>
    %swap3A_2196 = vector.shape_cast %add3A_2192 : vector<16xi32> to vector<16xi32>
    tpu.vector_store %arg7[%swap3A_2193], %swap3A_2196 {strides = array<i32>} : memref<640xi32, #tpu.memory_space<vmem>>, vector<16xi32>,
    %jit3A_2197 = arith.constant 1.000000e+00 : f32
    %jit3A_2198 = arith.constant 0.000000e+00 : f32
    %broadcast_in_dim3A_2199 = vector.broadcast %jit3A_2197 : f32 to vector<16xf32>
    %broadcast_in_dim3A_2200 = vector.broadcast %jit3A_2198 : f32 to vector<16xf32>
    %select_n3A_2201 = arith.select %and3A_2167, %broadcast_in_dim3A_2199, %broadcast_in_dim3A_2200 : vector<16xi1>, vector<16xf32>
    %swap3A_2202 = arith.constant 624 : index
    %swap3A_2203 = tpu.vector_load %arg9[%swap3A_2202] {strides = array<i32>} : memref<1024xf32, #tpu.memory_space<vmem>>, vector<16xf32>,
    %swap3A_2204 = vector.shape_cast %swap3A_2203 : vector<16xf32> to vector<16xf32>
    %swap3A_2205 = vector.shape_cast %select_n3A_2201 : vector<16xf32> to vector<16xf32>
    tpu.vector_store %arg9[%swap3A_2202], %swap3A_2205 {strides = array<i32>} : memref<1024xf32, #tpu.memory_space<vmem>>, vector<16xf32>,
    %broadcast_in_dim3A_2206 = arith.constant 0.000000e+00 : f32
    %broadcast_in_dim3A_2207 = vector.broadcast %broadcast_in_dim3A_2206 : f32 to vector<16xf32>
    %swap3A_2208 = arith.constant 752 : index
    %swap3A_2209 = tpu.vector_load %arg9[%swap3A_2208] {strides = array<i32>} : memref<1024xf32, #tpu.memory_space<vmem>>, vector<16xf32>,
    %swap3A_2210 = vector.shape_cast %swap3A_2209 : vector<16xf32> to vector<16xf32>
    %swap3A_2211 = vector.shape_cast %broadcast_in_dim3A_2207 : vector<16xf32> to vector<16xf32>
    tpu.vector_store %arg9[%swap3A_2208], %swap3A_2211 {strides = array<i32>} : memref<1024xf32, #tpu.memory_space<vmem>>, vector<16xf32>,
    %broadcast_in_dim3A_2212 = arith.constant 0.000000e+00 : f32
    %broadcast_in_dim3A_2213 = vector.broadcast %broadcast_in_dim3A_2212 : f32 to vector<16xf32>
    %swap3A_2214 = arith.constant 752 : index
    %swap3A_2215 = tpu.vector_load %arg8[%swap3A_2214] {strides = array<i32>} : memref<1024xf32, #tpu.memory_space<vmem>>, vector<16xf32>,
    %swap3A_2216 = vector.shape_cast %swap3A_2215 : vector<16xf32> to vector<16xf32>
    %swap3A_2217 = vector.shape_cast %broadcast_in_dim3A_2213 : vector<16xf32> to vector<16xf32>
    tpu.vector_store %arg8[%swap3A_2214], %swap3A_2217 {strides = array<i32>} : memref<1024xf32, #tpu.memory_space<vmem>>, vector<16xf32>,
    %broadcast_in_dim3A_2218 = arith.constant 0.000000e+00 : f32
    %broadcast_in_dim3A_2219 = vector.broadcast %broadcast_in_dim3A_2218 : f32 to vector<16xf32>
    %swap3A_2220 = arith.constant 880 : index
    %swap3A_2221 = tpu.vector_load %arg9[%swap3A_2220] {strides = array<i32>} : memref<1024xf32, #tpu.memory_space<vmem>>, vector<16xf32>,
    %swap3A_2222 = vector.shape_cast %swap3A_2221 : vector<16xf32> to vector<16xf32>
    %swap3A_2223 = vector.shape_cast %broadcast_in_dim3A_2219 : vector<16xf32> to vector<16xf32>
    tpu.vector_store %arg9[%swap3A_2220], %swap3A_2223 {strides = array<i32>} : memref<1024xf32, #tpu.memory_space<vmem>>, vector<16xf32>,
    %broadcast_in_dim3A_2224 = arith.constant 0.000000e+00 : f32
    %broadcast_in_dim3A_2225 = vector.broadcast %broadcast_in_dim3A_2224 : f32 to vector<16xf32>
    %swap3A_2226 = arith.constant 880 : index
    %swap3A_2227 = tpu.vector_load %arg8[%swap3A_2226] {strides = array<i32>} : memref<1024xf32, #tpu.memory_space<vmem>>, vector<16xf32>,
    %swap3A_2228 = vector.shape_cast %swap3A_2227 : vector<16xf32> to vector<16xf32>
    %swap3A_2229 = vector.shape_cast %broadcast_in_dim3A_2225 : vector<16xf32> to vector<16xf32>
    tpu.vector_store %arg8[%swap3A_2226], %swap3A_2229 {strides = array<i32>} : memref<1024xf32, #tpu.memory_space<vmem>>, vector<16xf32>,
    %broadcast_in_dim3A_2230 = arith.constant 0.000000e+00 : f32
    %broadcast_in_dim3A_2231 = vector.broadcast %broadcast_in_dim3A_2230 : f32 to vector<16xf32>
    %swap3A_2232 = arith.constant 1008 : index
    %swap3A_2233 = tpu.vector_load %arg9[%swap3A_2232] {strides = array<i32>} : memref<1024xf32, #tpu.memory_space<vmem>>, vector<16xf32>,
    %swap3A_2234 = vector.shape_cast %swap3A_2233 : vector<16xf32> to vector<16xf32>
    %swap3A_2235 = vector.shape_cast %broadcast_in_dim3A_2231 : vector<16xf32> to vector<16xf32>
    tpu.vector_store %arg9[%swap3A_2232], %swap3A_2235 {strides = array<i32>} : memref<1024xf32, #tpu.memory_space<vmem>>, vector<16xf32>,
    %broadcast_in_dim3A_2236 = arith.constant 0.000000e+00 : f32
    %broadcast_in_dim3A_2237 = vector.broadcast %broadcast_in_dim3A_2236 : f32 to vector<16xf32>
    %swap3A_2238 = arith.constant 1008 : index
    %swap3A_2239 = tpu.vector_load %arg8[%swap3A_2238] {strides = array<i32>} : memref<1024xf32, #tpu.memory_space<vmem>>, vector<16xf32>,
    %swap3A_2240 = vector.shape_cast %swap3A_2239 : vector<16xf32> to vector<16xf32>
    %swap3A_2241 = vector.shape_cast %broadcast_in_dim3A_2237 : vector<16xf32> to vector<16xf32>
    tpu.vector_store %arg8[%swap3A_2238], %swap3A_2241 {strides = array<i32>} : memref<1024xf32, #tpu.memory_space<vmem>>, vector<16xf32>,
    %dma_start3A = arith.constant 0 : i32
    %dma_start3A_2242 = tpu.memref_slice %arg8[%dma_start3A] : memref<1024xf32, #tpu.memory_space<vmem>> -> memref<128xf32, #tpu.memory_space<vmem>>
    %dma_start3A_2243 = arith.constant 0 : i32
    %dma_start3A_2244 = tpu.memref_slice %arg7[%dma_start3A_2243] : memref<640xi32, #tpu.memory_space<vmem>> -> memref<128xi32, #tpu.memory_space<vmem>>
    %dma_start3A_2245 = arith.constant 0 : i32
    %dma_start3A_2246 = tpu.memref_slice %arg2[%dma_start3A_2245] : memref<4096000xf32, #tpu.memory_space<hbm>> -> memref<4096000xf32, #tpu.memory_space<hbm>>
    tpu.enqueue_indirect_dma source(%dma_start3A_2246 : memref<4096000xf32, #tpu.memory_space<hbm>>) target(%dma_start3A_2242 : memref<128xf32, #tpu.memory_space<vmem>>) offsets(%dma_start3A_2244 : memref<128xi32, #tpu.memory_space<vmem>>) semaphore(%arg10 : memref<!tpu.dma_semaphore, #tpu.memory_space<semaphore_mem>>)
    %dma_start3A_2247 = arith.constant 128 : i32
    %dma_start3A_2248 = tpu.memref_slice %arg8[%dma_start3A_2247] : memref<1024xf32, #tpu.memory_space<vmem>> -> memref<128xf32, #tpu.memory_space<vmem>>
    %dma_start3A_2249 = arith.constant 128 : i32
    %dma_start3A_2250 = tpu.memref_slice %arg7[%dma_start3A_2249] : memref<640xi32, #tpu.memory_space<vmem>> -> memref<128xi32, #tpu.memory_space<vmem>>
    %dma_start3A_2251 = arith.constant 0 : i32
    %dma_start3A_2252 = tpu.memref_slice %arg2[%dma_start3A_2251] : memref<4096000xf32, #tpu.memory_space<hbm>> -> memref<4096000xf32, #tpu.memory_space<hbm>>
    tpu.enqueue_indirect_dma source(%dma_start3A_2252 : memref<4096000xf32, #tpu.memory_space<hbm>>) target(%dma_start3A_2248 : memref<128xf32, #tpu.memory_space<vmem>>) offsets(%dma_start3A_2250 : memref<128xi32, #tpu.memory_space<vmem>>) semaphore(%arg10 : memref<!tpu.dma_semaphore, #tpu.memory_space<semaphore_mem>>)
    %dma_start3A_2253 = arith.constant 256 : i32
    %dma_start3A_2254 = tpu.memref_slice %arg8[%dma_start3A_2253] : memref<1024xf32, #tpu.memory_space<vmem>> -> memref<128xf32, #tpu.memory_space<vmem>>
    %dma_start3A_2255 = arith.constant 256 : i32
    %dma_start3A_2256 = tpu.memref_slice %arg7[%dma_start3A_2255] : memref<640xi32, #tpu.memory_space<vmem>> -> memref<128xi32, #tpu.memory_space<vmem>>
    %dma_start3A_2257 = arith.constant 0 : i32
    %dma_start3A_2258 = tpu.memref_slice %arg2[%dma_start3A_2257] : memref<4096000xf32, #tpu.memory_space<hbm>> -> memref<4096000xf32, #tpu.memory_space<hbm>>
    tpu.enqueue_indirect_dma source(%dma_start3A_2258 : memref<4096000xf32, #tpu.memory_space<hbm>>) target(%dma_start3A_2254 : memref<128xf32, #tpu.memory_space<vmem>>) offsets(%dma_start3A_2256 : memref<128xi32, #tpu.memory_space<vmem>>) semaphore(%arg10 : memref<!tpu.dma_semaphore, #tpu.memory_space<semaphore_mem>>)
    %dma_start3A_2259 = arith.constant 384 : i32
    %dma_start3A_2260 = tpu.memref_slice %arg8[%dma_start3A_2259] : memref<1024xf32, #tpu.memory_space<vmem>> -> memref<128xf32, #tpu.memory_space<vmem>>
    %dma_start3A_2261 = arith.constant 384 : i32
    %dma_start3A_2262 = tpu.memref_slice %arg7[%dma_start3A_2261] : memref<640xi32, #tpu.memory_space<vmem>> -> memref<128xi32, #tpu.memory_space<vmem>>
    %dma_start3A_2263 = arith.constant 0 : i32
    %dma_start3A_2264 = tpu.memref_slice %arg2[%dma_start3A_2263] : memref<4096000xf32, #tpu.memory_space<hbm>> -> memref<4096000xf32, #tpu.memory_space<hbm>>
    tpu.enqueue_indirect_dma source(%dma_start3A_2264 : memref<4096000xf32, #tpu.memory_space<hbm>>) target(%dma_start3A_2260 : memref<128xf32, #tpu.memory_space<vmem>>) offsets(%dma_start3A_2262 : memref<128xi32, #tpu.memory_space<vmem>>) semaphore(%arg10 : memref<!tpu.dma_semaphore, #tpu.memory_space<semaphore_mem>>)
    %dma_start3A_2265 = arith.constant 512 : i32
    %dma_start3A_2266 = tpu.memref_slice %arg8[%dma_start3A_2265] : memref<1024xf32, #tpu.memory_space<vmem>> -> memref<128xf32, #tpu.memory_space<vmem>>
    %dma_start3A_2267 = arith.constant 512 : i32
    %dma_start3A_2268 = tpu.memref_slice %arg7[%dma_start3A_2267] : memref<640xi32, #tpu.memory_space<vmem>> -> memref<128xi32, #tpu.memory_space<vmem>>
    %dma_start3A_2269 = arith.constant 0 : i32
    %dma_start3A_2270 = tpu.memref_slice %arg2[%dma_start3A_2269] : memref<4096000xf32, #tpu.memory_space<hbm>> -> memref<4096000xf32, #tpu.memory_space<hbm>>
    tpu.enqueue_indirect_dma source(%dma_start3A_2270 : memref<4096000xf32, #tpu.memory_space<hbm>>) target(%dma_start3A_2266 : memref<128xf32, #tpu.memory_space<vmem>>) offsets(%dma_start3A_2268 : memref<128xi32, #tpu.memory_space<vmem>>) semaphore(%arg10 : memref<!tpu.dma_semaphore, #tpu.memory_space<semaphore_mem>>)
    %dma_wait3A = arith.constant 0 : i32
    %dma_wait3A_2271 = tpu.memref_slice %arg8[%dma_wait3A] : memref<1024xf32, #tpu.memory_space<vmem>> -> memref<128xf32, #tpu.memory_space<vmem>>
    %dma_wait3A_2272 = arith.constant 0 : i32
    %dma_wait3A_2273 = tpu.memref_slice %arg7[%dma_wait3A_2272] : memref<640xi32, #tpu.memory_space<vmem>> -> memref<128xi32, #tpu.memory_space<vmem>>
    %dma_wait3A_2274 = arith.constant 0 : i32
    %dma_wait3A_2275 = tpu.memref_slice %arg2[%dma_wait3A_2274] : memref<4096000xf32, #tpu.memory_space<hbm>> -> memref<4096000xf32, #tpu.memory_space<hbm>>
    tpu.wait_indirect_dma semaphore(%arg10 : memref<!tpu.dma_semaphore, #tpu.memory_space<semaphore_mem>>) src(%dma_wait3A_2275 : memref<4096000xf32, #tpu.memory_space<hbm>>) dst(%dma_wait3A_2271 : memref<128xf32, #tpu.memory_space<vmem>>)
    %dma_wait3A_2276 = arith.constant 128 : i32
    %dma_wait3A_2277 = tpu.memref_slice %arg8[%dma_wait3A_2276] : memref<1024xf32, #tpu.memory_space<vmem>> -> memref<128xf32, #tpu.memory_space<vmem>>
    %dma_wait3A_2278 = arith.constant 128 : i32
    %dma_wait3A_2279 = tpu.memref_slice %arg7[%dma_wait3A_2278] : memref<640xi32, #tpu.memory_space<vmem>> -> memref<128xi32, #tpu.memory_space<vmem>>
    %dma_wait3A_2280 = arith.constant 0 : i32
    %dma_wait3A_2281 = tpu.memref_slice %arg2[%dma_wait3A_2280] : memref<4096000xf32, #tpu.memory_space<hbm>> -> memref<4096000xf32, #tpu.memory_space<hbm>>
    tpu.wait_indirect_dma semaphore(%arg10 : memref<!tpu.dma_semaphore, #tpu.memory_space<semaphore_mem>>) src(%dma_wait3A_2281 : memref<4096000xf32, #tpu.memory_space<hbm>>) dst(%dma_wait3A_2277 : memref<128xf32, #tpu.memory_space<vmem>>)
    %dma_wait3A_2282 = arith.constant 256 : i32
    %dma_wait3A_2283 = tpu.memref_slice %arg8[%dma_wait3A_2282] : memref<1024xf32, #tpu.memory_space<vmem>> -> memref<128xf32, #tpu.memory_space<vmem>>
    %dma_wait3A_2284 = arith.constant 256 : i32
    %dma_wait3A_2285 = tpu.memref_slice %arg7[%dma_wait3A_2284] : memref<640xi32, #tpu.memory_space<vmem>> -> memref<128xi32, #tpu.memory_space<vmem>>
    %dma_wait3A_2286 = arith.constant 0 : i32
    %dma_wait3A_2287 = tpu.memref_slice %arg2[%dma_wait3A_2286] : memref<4096000xf32, #tpu.memory_space<hbm>> -> memref<4096000xf32, #tpu.memory_space<hbm>>
    tpu.wait_indirect_dma semaphore(%arg10 : memref<!tpu.dma_semaphore, #tpu.memory_space<semaphore_mem>>) src(%dma_wait3A_2287 : memref<4096000xf32, #tpu.memory_space<hbm>>) dst(%dma_wait3A_2283 : memref<128xf32, #tpu.memory_space<vmem>>)
    %dma_wait3A_2288 = arith.constant 384 : i32
    %dma_wait3A_2289 = tpu.memref_slice %arg8[%dma_wait3A_2288] : memref<1024xf32, #tpu.memory_space<vmem>> -> memref<128xf32, #tpu.memory_space<vmem>>
    %dma_wait3A_2290 = arith.constant 384 : i32
    %dma_wait3A_2291 = tpu.memref_slice %arg7[%dma_wait3A_2290] : memref<640xi32, #tpu.memory_space<vmem>> -> memref<128xi32, #tpu.memory_space<vmem>>
    %dma_wait3A_2292 = arith.constant 0 : i32
    %dma_wait3A_2293 = tpu.memref_slice %arg2[%dma_wait3A_2292] : memref<4096000xf32, #tpu.memory_space<hbm>> -> memref<4096000xf32, #tpu.memory_space<hbm>>
    tpu.wait_indirect_dma semaphore(%arg10 : memref<!tpu.dma_semaphore, #tpu.memory_space<semaphore_mem>>) src(%dma_wait3A_2293 : memref<4096000xf32, #tpu.memory_space<hbm>>) dst(%dma_wait3A_2289 : memref<128xf32, #tpu.memory_space<vmem>>)
    %dma_wait3A_2294 = arith.constant 512 : i32
    %dma_wait3A_2295 = tpu.memref_slice %arg8[%dma_wait3A_2294] : memref<1024xf32, #tpu.memory_space<vmem>> -> memref<128xf32, #tpu.memory_space<vmem>>
    %dma_wait3A_2296 = arith.constant 512 : i32
    %dma_wait3A_2297 = tpu.memref_slice %arg7[%dma_wait3A_2296] : memref<640xi32, #tpu.memory_space<vmem>> -> memref<128xi32, #tpu.memory_space<vmem>>
    %dma_wait3A_2298 = arith.constant 0 : i32
    %dma_wait3A_2299 = tpu.memref_slice %arg2[%dma_wait3A_2298] : memref<4096000xf32, #tpu.memory_space<hbm>> -> memref<4096000xf32, #tpu.memory_space<hbm>>
    tpu.wait_indirect_dma semaphore(%arg10 : memref<!tpu.dma_semaphore, #tpu.memory_space<semaphore_mem>>) src(%dma_wait3A_2299 : memref<4096000xf32, #tpu.memory_space<hbm>>) dst(%dma_wait3A_2295 : memref<128xf32, #tpu.memory_space<vmem>>)
    %add3A_2300 = arith.constant 0 : i32
    %add3A_2301 = arith.addi %add3A_2300, %mul3A_2 : i32
    "tpu.region"() ({
      %run_scoped3A = tpu.sem_alloc : memref<!tpu.dma_semaphore, #tpu.memory_space<semaphore_mem>>
      %dma_start3A_2332 = arith.constant 0 : i32
      %dma_start3A_2333 = tpu.memref_slice %arg8[%dma_start3A_2332] : memref<1024xf32, #tpu.memory_space<vmem>> -> memref<128xf32, #tpu.memory_space<vmem>>
      %dma_start3A_2334 = tpu.memref_slice %arg4[%add3A_2301] : memref<32768xf32, #tpu.memory_space<hbm>> -> memref<128xf32, #tpu.memory_space<hbm>>
      %dma_start3A_2335 = tpu.memref_slice %arg4[%add3A_2301] : memref<32768xf32, #tpu.memory_space<hbm>> -> memref<128xf32, #tpu.memory_space<hbm>>
      %dma_start3A_2336 = arith.constant 0 : i32
      %dma_start3A_2337 = tpu.memref_slice %arg8[%dma_start3A_2336] : memref<1024xf32, #tpu.memory_space<vmem>> -> memref<128xf32, #tpu.memory_space<vmem>>
      tpu.enqueue_dma source(%dma_start3A_2337 : memref<128xf32, #tpu.memory_space<vmem>>) target(%dma_start3A_2335 : memref<128xf32, #tpu.memory_space<hbm>>) target_semaphore(%run_scoped3A : memref<!tpu.dma_semaphore, #tpu.memory_space<semaphore_mem>>)
      %dma_wait3A_2338 = arith.constant 0 : i32
      %dma_wait3A_2339 = tpu.memref_slice %arg8[%dma_wait3A_2338] : memref<1024xf32, #tpu.memory_space<vmem>> -> memref<128xf32, #tpu.memory_space<vmem>>
      %dma_wait3A_2340 = tpu.memref_slice %arg4[%add3A_2301] : memref<32768xf32, #tpu.memory_space<hbm>> -> memref<128xf32, #tpu.memory_space<hbm>>
      %dma_wait3A_2341 = tpu.memref_slice %arg4[%add3A_2301] : memref<32768xf32, #tpu.memory_space<hbm>> -> memref<128xf32, #tpu.memory_space<hbm>>
      %dma_wait3A_2342 = arith.constant 0 : i32
      %dma_wait3A_2343 = tpu.memref_slice %arg8[%dma_wait3A_2342] : memref<1024xf32, #tpu.memory_space<vmem>> -> memref<128xf32, #tpu.memory_space<vmem>>
      tpu.wait_dma2 semaphore(%run_scoped3A : memref<!tpu.dma_semaphore, #tpu.memory_space<semaphore_mem>>) src(%dma_wait3A_2343 : memref<128xf32, #tpu.memory_space<vmem>>) dst(%dma_wait3A_2341 : memref<128xf32, #tpu.memory_space<hbm>>)
      tpu.yield
    }) : () -> ()
    %add3A_2302 = arith.constant 0 : i32
    %add3A_2303 = arith.addi %add3A_2302, %mul3A_2 : i32
    "tpu.region"() ({
      %run_scoped3A = tpu.sem_alloc : memref<!tpu.dma_semaphore, #tpu.memory_space<semaphore_mem>>
      %dma_start3A_2332 = arith.constant 0 : i32
      %dma_start3A_2333 = tpu.memref_slice %arg9[%dma_start3A_2332] : memref<1024xf32, #tpu.memory_space<vmem>> -> memref<128xf32, #tpu.memory_space<vmem>>
      %dma_start3A_2334 = tpu.memref_slice %arg5[%add3A_2303] : memref<32768xf32, #tpu.memory_space<hbm>> -> memref<128xf32, #tpu.memory_space<hbm>>
      %dma_start3A_2335 = tpu.memref_slice %arg5[%add3A_2303] : memref<32768xf32, #tpu.memory_space<hbm>> -> memref<128xf32, #tpu.memory_space<hbm>>
      %dma_start3A_2336 = arith.constant 0 : i32
      %dma_start3A_2337 = tpu.memref_slice %arg9[%dma_start3A_2336] : memref<1024xf32, #tpu.memory_space<vmem>> -> memref<128xf32, #tpu.memory_space<vmem>>
      tpu.enqueue_dma source(%dma_start3A_2337 : memref<128xf32, #tpu.memory_space<vmem>>) target(%dma_start3A_2335 : memref<128xf32, #tpu.memory_space<hbm>>) target_semaphore(%run_scoped3A : memref<!tpu.dma_semaphore, #tpu.memory_space<semaphore_mem>>)
      %dma_wait3A_2338 = arith.constant 0 : i32
      %dma_wait3A_2339 = tpu.memref_slice %arg9[%dma_wait3A_2338] : memref<1024xf32, #tpu.memory_space<vmem>> -> memref<128xf32, #tpu.memory_space<vmem>>
      %dma_wait3A_2340 = tpu.memref_slice %arg5[%add3A_2303] : memref<32768xf32, #tpu.memory_space<hbm>> -> memref<128xf32, #tpu.memory_space<hbm>>
      %dma_wait3A_2341 = tpu.memref_slice %arg5[%add3A_2303] : memref<32768xf32, #tpu.memory_space<hbm>> -> memref<128xf32, #tpu.memory_space<hbm>>
      %dma_wait3A_2342 = arith.constant 0 : i32
      %dma_wait3A_2343 = tpu.memref_slice %arg9[%dma_wait3A_2342] : memref<1024xf32, #tpu.memory_space<vmem>> -> memref<128xf32, #tpu.memory_space<vmem>>
      tpu.wait_dma2 semaphore(%run_scoped3A : memref<!tpu.dma_semaphore, #tpu.memory_space<semaphore_mem>>) src(%dma_wait3A_2343 : memref<128xf32, #tpu.memory_space<vmem>>) dst(%dma_wait3A_2341 : memref<128xf32, #tpu.memory_space<hbm>>)
      tpu.yield
    }) : () -> ()
    %add3A_2304 = arith.constant 4096 : i32
    %add3A_2305 = arith.addi %add3A_2304, %mul3A_2 : i32
    "tpu.region"() ({
      %run_scoped3A = tpu.sem_alloc : memref<!tpu.dma_semaphore, #tpu.memory_space<semaphore_mem>>
      %dma_start3A_2332 = arith.constant 128 : i32
      %dma_start3A_2333 = tpu.memref_slice %arg8[%dma_start3A_2332] : memref<1024xf32, #tpu.memory_space<vmem>> -> memref<128xf32, #tpu.memory_space<vmem>>
      %dma_start3A_2334 = tpu.memref_slice %arg4[%add3A_2305] : memref<32768xf32, #tpu.memory_space<hbm>> -> memref<128xf32, #tpu.memory_space<hbm>>
      %dma_start3A_2335 = tpu.memref_slice %arg4[%add3A_2305] : memref<32768xf32, #tpu.memory_space<hbm>> -> memref<128xf32, #tpu.memory_space<hbm>>
      %dma_start3A_2336 = arith.constant 128 : i32
      %dma_start3A_2337 = tpu.memref_slice %arg8[%dma_start3A_2336] : memref<1024xf32, #tpu.memory_space<vmem>> -> memref<128xf32, #tpu.memory_space<vmem>>
      tpu.enqueue_dma source(%dma_start3A_2337 : memref<128xf32, #tpu.memory_space<vmem>>) target(%dma_start3A_2335 : memref<128xf32, #tpu.memory_space<hbm>>) target_semaphore(%run_scoped3A : memref<!tpu.dma_semaphore, #tpu.memory_space<semaphore_mem>>)
      %dma_wait3A_2338 = arith.constant 128 : i32
      %dma_wait3A_2339 = tpu.memref_slice %arg8[%dma_wait3A_2338] : memref<1024xf32, #tpu.memory_space<vmem>> -> memref<128xf32, #tpu.memory_space<vmem>>
      %dma_wait3A_2340 = tpu.memref_slice %arg4[%add3A_2305] : memref<32768xf32, #tpu.memory_space<hbm>> -> memref<128xf32, #tpu.memory_space<hbm>>
      %dma_wait3A_2341 = tpu.memref_slice %arg4[%add3A_2305] : memref<32768xf32, #tpu.memory_space<hbm>> -> memref<128xf32, #tpu.memory_space<hbm>>
      %dma_wait3A_2342 = arith.constant 128 : i32
      %dma_wait3A_2343 = tpu.memref_slice %arg8[%dma_wait3A_2342] : memref<1024xf32, #tpu.memory_space<vmem>> -> memref<128xf32, #tpu.memory_space<vmem>>
      tpu.wait_dma2 semaphore(%run_scoped3A : memref<!tpu.dma_semaphore, #tpu.memory_space<semaphore_mem>>) src(%dma_wait3A_2343 : memref<128xf32, #tpu.memory_space<vmem>>) dst(%dma_wait3A_2341 : memref<128xf32, #tpu.memory_space<hbm>>)
      tpu.yield
    }) : () -> ()
    %add3A_2306 = arith.constant 4096 : i32
    %add3A_2307 = arith.addi %add3A_2306, %mul3A_2 : i32
    "tpu.region"() ({
      %run_scoped3A = tpu.sem_alloc : memref<!tpu.dma_semaphore, #tpu.memory_space<semaphore_mem>>
      %dma_start3A_2332 = arith.constant 128 : i32
      %dma_start3A_2333 = tpu.memref_slice %arg9[%dma_start3A_2332] : memref<1024xf32, #tpu.memory_space<vmem>> -> memref<128xf32, #tpu.memory_space<vmem>>
      %dma_start3A_2334 = tpu.memref_slice %arg5[%add3A_2307] : memref<32768xf32, #tpu.memory_space<hbm>> -> memref<128xf32, #tpu.memory_space<hbm>>
      %dma_start3A_2335 = tpu.memref_slice %arg5[%add3A_2307] : memref<32768xf32, #tpu.memory_space<hbm>> -> memref<128xf32, #tpu.memory_space<hbm>>
      %dma_start3A_2336 = arith.constant 128 : i32
      %dma_start3A_2337 = tpu.memref_slice %arg9[%dma_start3A_2336] : memref<1024xf32, #tpu.memory_space<vmem>> -> memref<128xf32, #tpu.memory_space<vmem>>
      tpu.enqueue_dma source(%dma_start3A_2337 : memref<128xf32, #tpu.memory_space<vmem>>) target(%dma_start3A_2335 : memref<128xf32, #tpu.memory_space<hbm>>) target_semaphore(%run_scoped3A : memref<!tpu.dma_semaphore, #tpu.memory_space<semaphore_mem>>)
      %dma_wait3A_2338 = arith.constant 128 : i32
      %dma_wait3A_2339 = tpu.memref_slice %arg9[%dma_wait3A_2338] : memref<1024xf32, #tpu.memory_space<vmem>> -> memref<128xf32, #tpu.memory_space<vmem>>
      %dma_wait3A_2340 = tpu.memref_slice %arg5[%add3A_2307] : memref<32768xf32, #tpu.memory_space<hbm>> -> memref<128xf32, #tpu.memory_space<hbm>>
      %dma_wait3A_2341 = tpu.memref_slice %arg5[%add3A_2307] : memref<32768xf32, #tpu.memory_space<hbm>> -> memref<128xf32, #tpu.memory_space<hbm>>
      %dma_wait3A_2342 = arith.constant 128 : i32
      %dma_wait3A_2343 = tpu.memref_slice %arg9[%dma_wait3A_2342] : memref<1024xf32, #tpu.memory_space<vmem>> -> memref<128xf32, #tpu.memory_space<vmem>>
      tpu.wait_dma2 semaphore(%run_scoped3A : memref<!tpu.dma_semaphore, #tpu.memory_space<semaphore_mem>>) src(%dma_wait3A_2343 : memref<128xf32, #tpu.memory_space<vmem>>) dst(%dma_wait3A_2341 : memref<128xf32, #tpu.memory_space<hbm>>)
      tpu.yield
    }) : () -> ()
    %add3A_2308 = arith.constant 8192 : i32
    %add3A_2309 = arith.addi %add3A_2308, %mul3A_2 : i32
    "tpu.region"() ({
      %run_scoped3A = tpu.sem_alloc : memref<!tpu.dma_semaphore, #tpu.memory_space<semaphore_mem>>
      %dma_start3A_2332 = arith.constant 256 : i32
      %dma_start3A_2333 = tpu.memref_slice %arg8[%dma_start3A_2332] : memref<1024xf32, #tpu.memory_space<vmem>> -> memref<128xf32, #tpu.memory_space<vmem>>
      %dma_start3A_2334 = tpu.memref_slice %arg4[%add3A_2309] : memref<32768xf32, #tpu.memory_space<hbm>> -> memref<128xf32, #tpu.memory_space<hbm>>
      %dma_start3A_2335 = tpu.memref_slice %arg4[%add3A_2309] : memref<32768xf32, #tpu.memory_space<hbm>> -> memref<128xf32, #tpu.memory_space<hbm>>
      %dma_start3A_2336 = arith.constant 256 : i32
      %dma_start3A_2337 = tpu.memref_slice %arg8[%dma_start3A_2336] : memref<1024xf32, #tpu.memory_space<vmem>> -> memref<128xf32, #tpu.memory_space<vmem>>
      tpu.enqueue_dma source(%dma_start3A_2337 : memref<128xf32, #tpu.memory_space<vmem>>) target(%dma_start3A_2335 : memref<128xf32, #tpu.memory_space<hbm>>) target_semaphore(%run_scoped3A : memref<!tpu.dma_semaphore, #tpu.memory_space<semaphore_mem>>)
      %dma_wait3A_2338 = arith.constant 256 : i32
      %dma_wait3A_2339 = tpu.memref_slice %arg8[%dma_wait3A_2338] : memref<1024xf32, #tpu.memory_space<vmem>> -> memref<128xf32, #tpu.memory_space<vmem>>
      %dma_wait3A_2340 = tpu.memref_slice %arg4[%add3A_2309] : memref<32768xf32, #tpu.memory_space<hbm>> -> memref<128xf32, #tpu.memory_space<hbm>>
      %dma_wait3A_2341 = tpu.memref_slice %arg4[%add3A_2309] : memref<32768xf32, #tpu.memory_space<hbm>> -> memref<128xf32, #tpu.memory_space<hbm>>
      %dma_wait3A_2342 = arith.constant 256 : i32
      %dma_wait3A_2343 = tpu.memref_slice %arg8[%dma_wait3A_2342] : memref<1024xf32, #tpu.memory_space<vmem>> -> memref<128xf32, #tpu.memory_space<vmem>>
      tpu.wait_dma2 semaphore(%run_scoped3A : memref<!tpu.dma_semaphore, #tpu.memory_space<semaphore_mem>>) src(%dma_wait3A_2343 : memref<128xf32, #tpu.memory_space<vmem>>) dst(%dma_wait3A_2341 : memref<128xf32, #tpu.memory_space<hbm>>)
      tpu.yield
    }) : () -> ()
    %add3A_2310 = arith.constant 8192 : i32
    %add3A_2311 = arith.addi %add3A_2310, %mul3A_2 : i32
    "tpu.region"() ({
      %run_scoped3A = tpu.sem_alloc : memref<!tpu.dma_semaphore, #tpu.memory_space<semaphore_mem>>
      %dma_start3A_2332 = arith.constant 256 : i32
      %dma_start3A_2333 = tpu.memref_slice %arg9[%dma_start3A_2332] : memref<1024xf32, #tpu.memory_space<vmem>> -> memref<128xf32, #tpu.memory_space<vmem>>
      %dma_start3A_2334 = tpu.memref_slice %arg5[%add3A_2311] : memref<32768xf32, #tpu.memory_space<hbm>> -> memref<128xf32, #tpu.memory_space<hbm>>
      %dma_start3A_2335 = tpu.memref_slice %arg5[%add3A_2311] : memref<32768xf32, #tpu.memory_space<hbm>> -> memref<128xf32, #tpu.memory_space<hbm>>
      %dma_start3A_2336 = arith.constant 256 : i32
      %dma_start3A_2337 = tpu.memref_slice %arg9[%dma_start3A_2336] : memref<1024xf32, #tpu.memory_space<vmem>> -> memref<128xf32, #tpu.memory_space<vmem>>
      tpu.enqueue_dma source(%dma_start3A_2337 : memref<128xf32, #tpu.memory_space<vmem>>) target(%dma_start3A_2335 : memref<128xf32, #tpu.memory_space<hbm>>) target_semaphore(%run_scoped3A : memref<!tpu.dma_semaphore, #tpu.memory_space<semaphore_mem>>)
      %dma_wait3A_2338 = arith.constant 256 : i32
      %dma_wait3A_2339 = tpu.memref_slice %arg9[%dma_wait3A_2338] : memref<1024xf32, #tpu.memory_space<vmem>> -> memref<128xf32, #tpu.memory_space<vmem>>
      %dma_wait3A_2340 = tpu.memref_slice %arg5[%add3A_2311] : memref<32768xf32, #tpu.memory_space<hbm>> -> memref<128xf32, #tpu.memory_space<hbm>>
      %dma_wait3A_2341 = tpu.memref_slice %arg5[%add3A_2311] : memref<32768xf32, #tpu.memory_space<hbm>> -> memref<128xf32, #tpu.memory_space<hbm>>
      %dma_wait3A_2342 = arith.constant 256 : i32
      %dma_wait3A_2343 = tpu.memref_slice %arg9[%dma_wait3A_2342] : memref<1024xf32, #tpu.memory_space<vmem>> -> memref<128xf32, #tpu.memory_space<vmem>>
      tpu.wait_dma2 semaphore(%run_scoped3A : memref<!tpu.dma_semaphore, #tpu.memory_space<semaphore_mem>>) src(%dma_wait3A_2343 : memref<128xf32, #tpu.memory_space<vmem>>) dst(%dma_wait3A_2341 : memref<128xf32, #tpu.memory_space<hbm>>)
      tpu.yield
    }) : () -> ()
    %add3A_2312 = arith.constant 12288 : i32
    %add3A_2313 = arith.addi %add3A_2312, %mul3A_2 : i32
    "tpu.region"() ({
      %run_scoped3A = tpu.sem_alloc : memref<!tpu.dma_semaphore, #tpu.memory_space<semaphore_mem>>
      %dma_start3A_2332 = arith.constant 384 : i32
      %dma_start3A_2333 = tpu.memref_slice %arg8[%dma_start3A_2332] : memref<1024xf32, #tpu.memory_space<vmem>> -> memref<128xf32, #tpu.memory_space<vmem>>
      %dma_start3A_2334 = tpu.memref_slice %arg4[%add3A_2313] : memref<32768xf32, #tpu.memory_space<hbm>> -> memref<128xf32, #tpu.memory_space<hbm>>
      %dma_start3A_2335 = tpu.memref_slice %arg4[%add3A_2313] : memref<32768xf32, #tpu.memory_space<hbm>> -> memref<128xf32, #tpu.memory_space<hbm>>
      %dma_start3A_2336 = arith.constant 384 : i32
      %dma_start3A_2337 = tpu.memref_slice %arg8[%dma_start3A_2336] : memref<1024xf32, #tpu.memory_space<vmem>> -> memref<128xf32, #tpu.memory_space<vmem>>
      tpu.enqueue_dma source(%dma_start3A_2337 : memref<128xf32, #tpu.memory_space<vmem>>) target(%dma_start3A_2335 : memref<128xf32, #tpu.memory_space<hbm>>) target_semaphore(%run_scoped3A : memref<!tpu.dma_semaphore, #tpu.memory_space<semaphore_mem>>)
      %dma_wait3A_2338 = arith.constant 384 : i32
      %dma_wait3A_2339 = tpu.memref_slice %arg8[%dma_wait3A_2338] : memref<1024xf32, #tpu.memory_space<vmem>> -> memref<128xf32, #tpu.memory_space<vmem>>
      %dma_wait3A_2340 = tpu.memref_slice %arg4[%add3A_2313] : memref<32768xf32, #tpu.memory_space<hbm>> -> memref<128xf32, #tpu.memory_space<hbm>>
      %dma_wait3A_2341 = tpu.memref_slice %arg4[%add3A_2313] : memref<32768xf32, #tpu.memory_space<hbm>> -> memref<128xf32, #tpu.memory_space<hbm>>
      %dma_wait3A_2342 = arith.constant 384 : i32
      %dma_wait3A_2343 = tpu.memref_slice %arg8[%dma_wait3A_2342] : memref<1024xf32, #tpu.memory_space<vmem>> -> memref<128xf32, #tpu.memory_space<vmem>>
      tpu.wait_dma2 semaphore(%run_scoped3A : memref<!tpu.dma_semaphore, #tpu.memory_space<semaphore_mem>>) src(%dma_wait3A_2343 : memref<128xf32, #tpu.memory_space<vmem>>) dst(%dma_wait3A_2341 : memref<128xf32, #tpu.memory_space<hbm>>)
      tpu.yield
    }) : () -> ()
    %add3A_2314 = arith.constant 12288 : i32
    %add3A_2315 = arith.addi %add3A_2314, %mul3A_2 : i32
    "tpu.region"() ({
      %run_scoped3A = tpu.sem_alloc : memref<!tpu.dma_semaphore, #tpu.memory_space<semaphore_mem>>
      %dma_start3A_2332 = arith.constant 384 : i32
      %dma_start3A_2333 = tpu.memref_slice %arg9[%dma_start3A_2332] : memref<1024xf32, #tpu.memory_space<vmem>> -> memref<128xf32, #tpu.memory_space<vmem>>
      %dma_start3A_2334 = tpu.memref_slice %arg5[%add3A_2315] : memref<32768xf32, #tpu.memory_space<hbm>> -> memref<128xf32, #tpu.memory_space<hbm>>
      %dma_start3A_2335 = tpu.memref_slice %arg5[%add3A_2315] : memref<32768xf32, #tpu.memory_space<hbm>> -> memref<128xf32, #tpu.memory_space<hbm>>
      %dma_start3A_2336 = arith.constant 384 : i32
      %dma_start3A_2337 = tpu.memref_slice %arg9[%dma_start3A_2336] : memref<1024xf32, #tpu.memory_space<vmem>> -> memref<128xf32, #tpu.memory_space<vmem>>
      tpu.enqueue_dma source(%dma_start3A_2337 : memref<128xf32, #tpu.memory_space<vmem>>) target(%dma_start3A_2335 : memref<128xf32, #tpu.memory_space<hbm>>) target_semaphore(%run_scoped3A : memref<!tpu.dma_semaphore, #tpu.memory_space<semaphore_mem>>)
      %dma_wait3A_2338 = arith.constant 384 : i32
      %dma_wait3A_2339 = tpu.memref_slice %arg9[%dma_wait3A_2338] : memref<1024xf32, #tpu.memory_space<vmem>> -> memref<128xf32, #tpu.memory_space<vmem>>
      %dma_wait3A_2340 = tpu.memref_slice %arg5[%add3A_2315] : memref<32768xf32, #tpu.memory_space<hbm>> -> memref<128xf32, #tpu.memory_space<hbm>>
      %dma_wait3A_2341 = tpu.memref_slice %arg5[%add3A_2315] : memref<32768xf32, #tpu.memory_space<hbm>> -> memref<128xf32, #tpu.memory_space<hbm>>
      %dma_wait3A_2342 = arith.constant 384 : i32
      %dma_wait3A_2343 = tpu.memref_slice %arg9[%dma_wait3A_2342] : memref<1024xf32, #tpu.memory_space<vmem>> -> memref<128xf32, #tpu.memory_space<vmem>>
      tpu.wait_dma2 semaphore(%run_scoped3A : memref<!tpu.dma_semaphore, #tpu.memory_space<semaphore_mem>>) src(%dma_wait3A_2343 : memref<128xf32, #tpu.memory_space<vmem>>) dst(%dma_wait3A_2341 : memref<128xf32, #tpu.memory_space<hbm>>)
      tpu.yield
    }) : () -> ()
    %add3A_2316 = arith.constant 16384 : i32
    %add3A_2317 = arith.addi %add3A_2316, %mul3A_2 : i32
    "tpu.region"() ({
      %run_scoped3A = tpu.sem_alloc : memref<!tpu.dma_semaphore, #tpu.memory_space<semaphore_mem>>
      %dma_start3A_2332 = arith.constant 512 : i32
      %dma_start3A_2333 = tpu.memref_slice %arg8[%dma_start3A_2332] : memref<1024xf32, #tpu.memory_space<vmem>> -> memref<128xf32, #tpu.memory_space<vmem>>
      %dma_start3A_2334 = tpu.memref_slice %arg4[%add3A_2317] : memref<32768xf32, #tpu.memory_space<hbm>> -> memref<128xf32, #tpu.memory_space<hbm>>
      %dma_start3A_2335 = tpu.memref_slice %arg4[%add3A_2317] : memref<32768xf32, #tpu.memory_space<hbm>> -> memref<128xf32, #tpu.memory_space<hbm>>
      %dma_start3A_2336 = arith.constant 512 : i32
      %dma_start3A_2337 = tpu.memref_slice %arg8[%dma_start3A_2336] : memref<1024xf32, #tpu.memory_space<vmem>> -> memref<128xf32, #tpu.memory_space<vmem>>
      tpu.enqueue_dma source(%dma_start3A_2337 : memref<128xf32, #tpu.memory_space<vmem>>) target(%dma_start3A_2335 : memref<128xf32, #tpu.memory_space<hbm>>) target_semaphore(%run_scoped3A : memref<!tpu.dma_semaphore, #tpu.memory_space<semaphore_mem>>)
      %dma_wait3A_2338 = arith.constant 512 : i32
      %dma_wait3A_2339 = tpu.memref_slice %arg8[%dma_wait3A_2338] : memref<1024xf32, #tpu.memory_space<vmem>> -> memref<128xf32, #tpu.memory_space<vmem>>
      %dma_wait3A_2340 = tpu.memref_slice %arg4[%add3A_2317] : memref<32768xf32, #tpu.memory_space<hbm>> -> memref<128xf32, #tpu.memory_space<hbm>>
      %dma_wait3A_2341 = tpu.memref_slice %arg4[%add3A_2317] : memref<32768xf32, #tpu.memory_space<hbm>> -> memref<128xf32, #tpu.memory_space<hbm>>
      %dma_wait3A_2342 = arith.constant 512 : i32
      %dma_wait3A_2343 = tpu.memref_slice %arg8[%dma_wait3A_2342] : memref<1024xf32, #tpu.memory_space<vmem>> -> memref<128xf32, #tpu.memory_space<vmem>>
      tpu.wait_dma2 semaphore(%run_scoped3A : memref<!tpu.dma_semaphore, #tpu.memory_space<semaphore_mem>>) src(%dma_wait3A_2343 : memref<128xf32, #tpu.memory_space<vmem>>) dst(%dma_wait3A_2341 : memref<128xf32, #tpu.memory_space<hbm>>)
      tpu.yield
    }) : () -> ()
    %add3A_2318 = arith.constant 16384 : i32
    %add3A_2319 = arith.addi %add3A_2318, %mul3A_2 : i32
    "tpu.region"() ({
      %run_scoped3A = tpu.sem_alloc : memref<!tpu.dma_semaphore, #tpu.memory_space<semaphore_mem>>
      %dma_start3A_2332 = arith.constant 512 : i32
      %dma_start3A_2333 = tpu.memref_slice %arg9[%dma_start3A_2332] : memref<1024xf32, #tpu.memory_space<vmem>> -> memref<128xf32, #tpu.memory_space<vmem>>
      %dma_start3A_2334 = tpu.memref_slice %arg5[%add3A_2319] : memref<32768xf32, #tpu.memory_space<hbm>> -> memref<128xf32, #tpu.memory_space<hbm>>
      %dma_start3A_2335 = tpu.memref_slice %arg5[%add3A_2319] : memref<32768xf32, #tpu.memory_space<hbm>> -> memref<128xf32, #tpu.memory_space<hbm>>
      %dma_start3A_2336 = arith.constant 512 : i32
      %dma_start3A_2337 = tpu.memref_slice %arg9[%dma_start3A_2336] : memref<1024xf32, #tpu.memory_space<vmem>> -> memref<128xf32, #tpu.memory_space<vmem>>
      tpu.enqueue_dma source(%dma_start3A_2337 : memref<128xf32, #tpu.memory_space<vmem>>) target(%dma_start3A_2335 : memref<128xf32, #tpu.memory_space<hbm>>) target_semaphore(%run_scoped3A : memref<!tpu.dma_semaphore, #tpu.memory_space<semaphore_mem>>)
      %dma_wait3A_2338 = arith.constant 512 : i32
      %dma_wait3A_2339 = tpu.memref_slice %arg9[%dma_wait3A_2338] : memref<1024xf32, #tpu.memory_space<vmem>> -> memref<128xf32, #tpu.memory_space<vmem>>
      %dma_wait3A_2340 = tpu.memref_slice %arg5[%add3A_2319] : memref<32768xf32, #tpu.memory_space<hbm>> -> memref<128xf32, #tpu.memory_space<hbm>>
      %dma_wait3A_2341 = tpu.memref_slice %arg5[%add3A_2319] : memref<32768xf32, #tpu.memory_space<hbm>> -> memref<128xf32, #tpu.memory_space<hbm>>
      %dma_wait3A_2342 = arith.constant 512 : i32
      %dma_wait3A_2343 = tpu.memref_slice %arg9[%dma_wait3A_2342] : memref<1024xf32, #tpu.memory_space<vmem>> -> memref<128xf32, #tpu.memory_space<vmem>>
      tpu.wait_dma2 semaphore(%run_scoped3A : memref<!tpu.dma_semaphore, #tpu.memory_space<semaphore_mem>>) src(%dma_wait3A_2343 : memref<128xf32, #tpu.memory_space<vmem>>) dst(%dma_wait3A_2341 : memref<128xf32, #tpu.memory_space<hbm>>)
      tpu.yield
    }) : () -> ()
    %add3A_2320 = arith.constant 20480 : i32
    %add3A_2321 = arith.addi %add3A_2320, %mul3A_2 : i32
    "tpu.region"() ({
      %run_scoped3A = tpu.sem_alloc : memref<!tpu.dma_semaphore, #tpu.memory_space<semaphore_mem>>
      %dma_start3A_2332 = arith.constant 640 : i32
      %dma_start3A_2333 = tpu.memref_slice %arg8[%dma_start3A_2332] : memref<1024xf32, #tpu.memory_space<vmem>> -> memref<128xf32, #tpu.memory_space<vmem>>
      %dma_start3A_2334 = tpu.memref_slice %arg4[%add3A_2321] : memref<32768xf32, #tpu.memory_space<hbm>> -> memref<128xf32, #tpu.memory_space<hbm>>
      %dma_start3A_2335 = tpu.memref_slice %arg4[%add3A_2321] : memref<32768xf32, #tpu.memory_space<hbm>> -> memref<128xf32, #tpu.memory_space<hbm>>
      %dma_start3A_2336 = arith.constant 640 : i32
      %dma_start3A_2337 = tpu.memref_slice %arg8[%dma_start3A_2336] : memref<1024xf32, #tpu.memory_space<vmem>> -> memref<128xf32, #tpu.memory_space<vmem>>
      tpu.enqueue_dma source(%dma_start3A_2337 : memref<128xf32, #tpu.memory_space<vmem>>) target(%dma_start3A_2335 : memref<128xf32, #tpu.memory_space<hbm>>) target_semaphore(%run_scoped3A : memref<!tpu.dma_semaphore, #tpu.memory_space<semaphore_mem>>)
      %dma_wait3A_2338 = arith.constant 640 : i32
      %dma_wait3A_2339 = tpu.memref_slice %arg8[%dma_wait3A_2338] : memref<1024xf32, #tpu.memory_space<vmem>> -> memref<128xf32, #tpu.memory_space<vmem>>
      %dma_wait3A_2340 = tpu.memref_slice %arg4[%add3A_2321] : memref<32768xf32, #tpu.memory_space<hbm>> -> memref<128xf32, #tpu.memory_space<hbm>>
      %dma_wait3A_2341 = tpu.memref_slice %arg4[%add3A_2321] : memref<32768xf32, #tpu.memory_space<hbm>> -> memref<128xf32, #tpu.memory_space<hbm>>
      %dma_wait3A_2342 = arith.constant 640 : i32
      %dma_wait3A_2343 = tpu.memref_slice %arg8[%dma_wait3A_2342] : memref<1024xf32, #tpu.memory_space<vmem>> -> memref<128xf32, #tpu.memory_space<vmem>>
      tpu.wait_dma2 semaphore(%run_scoped3A : memref<!tpu.dma_semaphore, #tpu.memory_space<semaphore_mem>>) src(%dma_wait3A_2343 : memref<128xf32, #tpu.memory_space<vmem>>) dst(%dma_wait3A_2341 : memref<128xf32, #tpu.memory_space<hbm>>)
      tpu.yield
    }) : () -> ()
    %add3A_2322 = arith.constant 20480 : i32
    %add3A_2323 = arith.addi %add3A_2322, %mul3A_2 : i32
    "tpu.region"() ({
      %run_scoped3A = tpu.sem_alloc : memref<!tpu.dma_semaphore, #tpu.memory_space<semaphore_mem>>
      %dma_start3A_2332 = arith.constant 640 : i32
      %dma_start3A_2333 = tpu.memref_slice %arg9[%dma_start3A_2332] : memref<1024xf32, #tpu.memory_space<vmem>> -> memref<128xf32, #tpu.memory_space<vmem>>
      %dma_start3A_2334 = tpu.memref_slice %arg5[%add3A_2323] : memref<32768xf32, #tpu.memory_space<hbm>> -> memref<128xf32, #tpu.memory_space<hbm>>
      %dma_start3A_2335 = tpu.memref_slice %arg5[%add3A_2323] : memref<32768xf32, #tpu.memory_space<hbm>> -> memref<128xf32, #tpu.memory_space<hbm>>
      %dma_start3A_2336 = arith.constant 640 : i32
      %dma_start3A_2337 = tpu.memref_slice %arg9[%dma_start3A_2336] : memref<1024xf32, #tpu.memory_space<vmem>> -> memref<128xf32, #tpu.memory_space<vmem>>
      tpu.enqueue_dma source(%dma_start3A_2337 : memref<128xf32, #tpu.memory_space<vmem>>) target(%dma_start3A_2335 : memref<128xf32, #tpu.memory_space<hbm>>) target_semaphore(%run_scoped3A : memref<!tpu.dma_semaphore, #tpu.memory_space<semaphore_mem>>)
      %dma_wait3A_2338 = arith.constant 640 : i32
      %dma_wait3A_2339 = tpu.memref_slice %arg9[%dma_wait3A_2338] : memref<1024xf32, #tpu.memory_space<vmem>> -> memref<128xf32, #tpu.memory_space<vmem>>
      %dma_wait3A_2340 = tpu.memref_slice %arg5[%add3A_2323] : memref<32768xf32, #tpu.memory_space<hbm>> -> memref<128xf32, #tpu.memory_space<hbm>>
      %dma_wait3A_2341 = tpu.memref_slice %arg5[%add3A_2323] : memref<32768xf32, #tpu.memory_space<hbm>> -> memref<128xf32, #tpu.memory_space<hbm>>
      %dma_wait3A_2342 = arith.constant 640 : i32
      %dma_wait3A_2343 = tpu.memref_slice %arg9[%dma_wait3A_2342] : memref<1024xf32, #tpu.memory_space<vmem>> -> memref<128xf32, #tpu.memory_space<vmem>>
      tpu.wait_dma2 semaphore(%run_scoped3A : memref<!tpu.dma_semaphore, #tpu.memory_space<semaphore_mem>>) src(%dma_wait3A_2343 : memref<128xf32, #tpu.memory_space<vmem>>) dst(%dma_wait3A_2341 : memref<128xf32, #tpu.memory_space<hbm>>)
      tpu.yield
    }) : () -> ()
    %add3A_2324 = arith.constant 24576 : i32
    %add3A_2325 = arith.addi %add3A_2324, %mul3A_2 : i32
    "tpu.region"() ({
      %run_scoped3A = tpu.sem_alloc : memref<!tpu.dma_semaphore, #tpu.memory_space<semaphore_mem>>
      %dma_start3A_2332 = arith.constant 768 : i32
      %dma_start3A_2333 = tpu.memref_slice %arg8[%dma_start3A_2332] : memref<1024xf32, #tpu.memory_space<vmem>> -> memref<128xf32, #tpu.memory_space<vmem>>
      %dma_start3A_2334 = tpu.memref_slice %arg4[%add3A_2325] : memref<32768xf32, #tpu.memory_space<hbm>> -> memref<128xf32, #tpu.memory_space<hbm>>
      %dma_start3A_2335 = tpu.memref_slice %arg4[%add3A_2325] : memref<32768xf32, #tpu.memory_space<hbm>> -> memref<128xf32, #tpu.memory_space<hbm>>
      %dma_start3A_2336 = arith.constant 768 : i32
      %dma_start3A_2337 = tpu.memref_slice %arg8[%dma_start3A_2336] : memref<1024xf32, #tpu.memory_space<vmem>> -> memref<128xf32, #tpu.memory_space<vmem>>
      tpu.enqueue_dma source(%dma_start3A_2337 : memref<128xf32, #tpu.memory_space<vmem>>) target(%dma_start3A_2335 : memref<128xf32, #tpu.memory_space<hbm>>) target_semaphore(%run_scoped3A : memref<!tpu.dma_semaphore, #tpu.memory_space<semaphore_mem>>)
      %dma_wait3A_2338 = arith.constant 768 : i32
      %dma_wait3A_2339 = tpu.memref_slice %arg8[%dma_wait3A_2338] : memref<1024xf32, #tpu.memory_space<vmem>> -> memref<128xf32, #tpu.memory_space<vmem>>
      %dma_wait3A_2340 = tpu.memref_slice %arg4[%add3A_2325] : memref<32768xf32, #tpu.memory_space<hbm>> -> memref<128xf32, #tpu.memory_space<hbm>>
      %dma_wait3A_2341 = tpu.memref_slice %arg4[%add3A_2325] : memref<32768xf32, #tpu.memory_space<hbm>> -> memref<128xf32, #tpu.memory_space<hbm>>
      %dma_wait3A_2342 = arith.constant 768 : i32
      %dma_wait3A_2343 = tpu.memref_slice %arg8[%dma_wait3A_2342] : memref<1024xf32, #tpu.memory_space<vmem>> -> memref<128xf32, #tpu.memory_space<vmem>>
      tpu.wait_dma2 semaphore(%run_scoped3A : memref<!tpu.dma_semaphore, #tpu.memory_space<semaphore_mem>>) src(%dma_wait3A_2343 : memref<128xf32, #tpu.memory_space<vmem>>) dst(%dma_wait3A_2341 : memref<128xf32, #tpu.memory_space<hbm>>)
      tpu.yield
    }) : () -> ()
    %add3A_2326 = arith.constant 24576 : i32
    %add3A_2327 = arith.addi %add3A_2326, %mul3A_2 : i32
    "tpu.region"() ({
      %run_scoped3A = tpu.sem_alloc : memref<!tpu.dma_semaphore, #tpu.memory_space<semaphore_mem>>
      %dma_start3A_2332 = arith.constant 768 : i32
      %dma_start3A_2333 = tpu.memref_slice %arg9[%dma_start3A_2332] : memref<1024xf32, #tpu.memory_space<vmem>> -> memref<128xf32, #tpu.memory_space<vmem>>
      %dma_start3A_2334 = tpu.memref_slice %arg5[%add3A_2327] : memref<32768xf32, #tpu.memory_space<hbm>> -> memref<128xf32, #tpu.memory_space<hbm>>
      %dma_start3A_2335 = tpu.memref_slice %arg5[%add3A_2327] : memref<32768xf32, #tpu.memory_space<hbm>> -> memref<128xf32, #tpu.memory_space<hbm>>
      %dma_start3A_2336 = arith.constant 768 : i32
      %dma_start3A_2337 = tpu.memref_slice %arg9[%dma_start3A_2336] : memref<1024xf32, #tpu.memory_space<vmem>> -> memref<128xf32, #tpu.memory_space<vmem>>
      tpu.enqueue_dma source(%dma_start3A_2337 : memref<128xf32, #tpu.memory_space<vmem>>) target(%dma_start3A_2335 : memref<128xf32, #tpu.memory_space<hbm>>) target_semaphore(%run_scoped3A : memref<!tpu.dma_semaphore, #tpu.memory_space<semaphore_mem>>)
      %dma_wait3A_2338 = arith.constant 768 : i32
      %dma_wait3A_2339 = tpu.memref_slice %arg9[%dma_wait3A_2338] : memref<1024xf32, #tpu.memory_space<vmem>> -> memref<128xf32, #tpu.memory_space<vmem>>
      %dma_wait3A_2340 = tpu.memref_slice %arg5[%add3A_2327] : memref<32768xf32, #tpu.memory_space<hbm>> -> memref<128xf32, #tpu.memory_space<hbm>>
      %dma_wait3A_2341 = tpu.memref_slice %arg5[%add3A_2327] : memref<32768xf32, #tpu.memory_space<hbm>> -> memref<128xf32, #tpu.memory_space<hbm>>
      %dma_wait3A_2342 = arith.constant 768 : i32
      %dma_wait3A_2343 = tpu.memref_slice %arg9[%dma_wait3A_2342] : memref<1024xf32, #tpu.memory_space<vmem>> -> memref<128xf32, #tpu.memory_space<vmem>>
      tpu.wait_dma2 semaphore(%run_scoped3A : memref<!tpu.dma_semaphore, #tpu.memory_space<semaphore_mem>>) src(%dma_wait3A_2343 : memref<128xf32, #tpu.memory_space<vmem>>) dst(%dma_wait3A_2341 : memref<128xf32, #tpu.memory_space<hbm>>)
      tpu.yield
    }) : () -> ()
    %add3A_2328 = arith.constant 28672 : i32
    %add3A_2329 = arith.addi %add3A_2328, %mul3A_2 : i32
    "tpu.region"() ({
      %run_scoped3A = tpu.sem_alloc : memref<!tpu.dma_semaphore, #tpu.memory_space<semaphore_mem>>
      %dma_start3A_2332 = arith.constant 896 : i32
      %dma_start3A_2333 = tpu.memref_slice %arg8[%dma_start3A_2332] : memref<1024xf32, #tpu.memory_space<vmem>> -> memref<128xf32, #tpu.memory_space<vmem>>
      %dma_start3A_2334 = tpu.memref_slice %arg4[%add3A_2329] : memref<32768xf32, #tpu.memory_space<hbm>> -> memref<128xf32, #tpu.memory_space<hbm>>
      %dma_start3A_2335 = tpu.memref_slice %arg4[%add3A_2329] : memref<32768xf32, #tpu.memory_space<hbm>> -> memref<128xf32, #tpu.memory_space<hbm>>
      %dma_start3A_2336 = arith.constant 896 : i32
      %dma_start3A_2337 = tpu.memref_slice %arg8[%dma_start3A_2336] : memref<1024xf32, #tpu.memory_space<vmem>> -> memref<128xf32, #tpu.memory_space<vmem>>
      tpu.enqueue_dma source(%dma_start3A_2337 : memref<128xf32, #tpu.memory_space<vmem>>) target(%dma_start3A_2335 : memref<128xf32, #tpu.memory_space<hbm>>) target_semaphore(%run_scoped3A : memref<!tpu.dma_semaphore, #tpu.memory_space<semaphore_mem>>)
      %dma_wait3A_2338 = arith.constant 896 : i32
      %dma_wait3A_2339 = tpu.memref_slice %arg8[%dma_wait3A_2338] : memref<1024xf32, #tpu.memory_space<vmem>> -> memref<128xf32, #tpu.memory_space<vmem>>
      %dma_wait3A_2340 = tpu.memref_slice %arg4[%add3A_2329] : memref<32768xf32, #tpu.memory_space<hbm>> -> memref<128xf32, #tpu.memory_space<hbm>>
      %dma_wait3A_2341 = tpu.memref_slice %arg4[%add3A_2329] : memref<32768xf32, #tpu.memory_space<hbm>> -> memref<128xf32, #tpu.memory_space<hbm>>
      %dma_wait3A_2342 = arith.constant 896 : i32
      %dma_wait3A_2343 = tpu.memref_slice %arg8[%dma_wait3A_2342] : memref<1024xf32, #tpu.memory_space<vmem>> -> memref<128xf32, #tpu.memory_space<vmem>>
      tpu.wait_dma2 semaphore(%run_scoped3A : memref<!tpu.dma_semaphore, #tpu.memory_space<semaphore_mem>>) src(%dma_wait3A_2343 : memref<128xf32, #tpu.memory_space<vmem>>) dst(%dma_wait3A_2341 : memref<128xf32, #tpu.memory_space<hbm>>)
      tpu.yield
    }) : () -> ()
    %add3A_2330 = arith.constant 28672 : i32
    %add3A_2331 = arith.addi %add3A_2330, %mul3A_2 : i32
    "tpu.region"() ({
      %run_scoped3A = tpu.sem_alloc : memref<!tpu.dma_semaphore, #tpu.memory_space<semaphore_mem>>
      %dma_start3A_2332 = arith.constant 896 : i32
      %dma_start3A_2333 = tpu.memref_slice %arg9[%dma_start3A_2332] : memref<1024xf32, #tpu.memory_space<vmem>> -> memref<128xf32, #tpu.memory_space<vmem>>
      %dma_start3A_2334 = tpu.memref_slice %arg5[%add3A_2331] : memref<32768xf32, #tpu.memory_space<hbm>> -> memref<128xf32, #tpu.memory_space<hbm>>
      %dma_start3A_2335 = tpu.memref_slice %arg5[%add3A_2331] : memref<32768xf32, #tpu.memory_space<hbm>> -> memref<128xf32, #tpu.memory_space<hbm>>
      %dma_start3A_2336 = arith.constant 896 : i32
      %dma_start3A_2337 = tpu.memref_slice %arg9[%dma_start3A_2336] : memref<1024xf32, #tpu.memory_space<vmem>> -> memref<128xf32, #tpu.memory_space<vmem>>
      tpu.enqueue_dma source(%dma_start3A_2337 : memref<128xf32, #tpu.memory_space<vmem>>) target(%dma_start3A_2335 : memref<128xf32, #tpu.memory_space<hbm>>) target_semaphore(%run_scoped3A : memref<!tpu.dma_semaphore, #tpu.memory_space<semaphore_mem>>)
      %dma_wait3A_2338 = arith.constant 896 : i32
      %dma_wait3A_2339 = tpu.memref_slice %arg9[%dma_wait3A_2338] : memref<1024xf32, #tpu.memory_space<vmem>> -> memref<128xf32, #tpu.memory_space<vmem>>
      %dma_wait3A_2340 = tpu.memref_slice %arg5[%add3A_2331] : memref<32768xf32, #tpu.memory_space<hbm>> -> memref<128xf32, #tpu.memory_space<hbm>>
      %dma_wait3A_2341 = tpu.memref_slice %arg5[%add3A_2331] : memref<32768xf32, #tpu.memory_space<hbm>> -> memref<128xf32, #tpu.memory_space<hbm>>
      %dma_wait3A_2342 = arith.constant 896 : i32
      %dma_wait3A_2343 = tpu.memref_slice %arg9[%dma_wait3A_2342] : memref<1024xf32, #tpu.memory_space<vmem>> -> memref<128xf32, #tpu.memory_space<vmem>>
      tpu.wait_dma2 semaphore(%run_scoped3A : memref<!tpu.dma_semaphore, #tpu.memory_space<semaphore_mem>>) src(%dma_wait3A_2343 : memref<128xf32, #tpu.memory_space<vmem>>) dst(%dma_wait3A_2341 : memref<128xf32, #tpu.memory_space<hbm>>)
      tpu.yield
    }) : () -> ()
    return
  }
}

module attributes {stable_mosaic.version = 14 : i64} {
  func.func @_dense_body(%arg0: i32, %arg1: memref<125x8x8x128xf32, #tpu.memory_space<vmem>>, %arg2: memref<1x1xf32, #tpu.memory_space<vmem>>) attributes {dimension_semantics = [#tpu.dimension_semantics<arbitrary>], iteration_bounds = array<i64: 4>, scalar_prefetch = 0 : i64, scratch_operands = 0 : i64, tpu.core_type = #tpu.core_type<tc>, window_params = [{transform_indices = @transform_0, window_bounds = array<i64: 125, 8, 8, 128>}, {pipeline_mode = #tpu.pipeline_mode<synchronous>, transform_indices = @transform_1, window_bounds = array<i64: 1, 1>}]} {
    %get3A = arith.constant 0 : index
    %get3A_0 = arith.constant 0 : index
    %get3A_1 = arith.constant 0 : index
    %get3A_2 = arith.constant 0 : index
    %get3A_3 = vector.load %arg1[%get3A, %get3A_0, %get3A_1, %get3A_2] : memref<125x8x8x128xf32, #tpu.memory_space<vmem>>, vector<125x8x8x128xf32>
    %exp3A = math.exp %get3A_3 : vector<125x8x8x128xf32>
    %log1p3A = math.log1p %exp3A : vector<125x8x8x128xf32>
    %reduce_sum3A = vector.shape_cast %log1p3A : vector<125x8x8x128xf32> to vector<1x125x8x8x128xf32>
    %reduce_sum3A_4 = arith.constant dense<0.000000e+00> : vector<1xf32>
    %reduce_sum3A_5 = vector.multi_reduction <add>, %reduce_sum3A, %reduce_sum3A_4 [1, 2, 3, 4] : vector<1x125x8x8x128xf32> to vector<1xf32>
    %reduce_sum3A_6 = vector.shape_cast %reduce_sum3A_5 : vector<1xf32> to vector<1x1x1x1x1xf32>
    %reduce_sum3A_7 = vector.extract %reduce_sum3A_6[0, 0, 0, 0, 0] : f32 from vector<1x1x1x1x1xf32>
    %eq3A = arith.constant 0 : i32
    %eq3A_8 = arith.cmpi eq, %arg0, %eq3A : i32
    %convert_element_type3A = arith.extui %eq3A_8 : i1 to i32
    %cond3A = arith.constant 0 : i32
    %cond3A_9 = arith.cmpi ne, %convert_element_type3A, %cond3A : i32
    scf.if %cond3A_9 {
      %broadcast_in_dim3A = arith.constant 0.000000e+00 : f32
      %broadcast_in_dim3A_15 = vector.broadcast %broadcast_in_dim3A : f32 to vector<1x1xf32>
      %swap3A_16 = arith.constant 0 : index
      %swap3A_17 = arith.constant 0 : index
      %swap3A_18 = vector.load %arg2[%swap3A_16, %swap3A_17] : memref<1x1xf32, #tpu.memory_space<vmem>>, vector<1x1xf32>
      tpu.vector_store %arg2[%swap3A_16, %swap3A_17], %broadcast_in_dim3A_15 {strides = array<i32>} : memref<1x1xf32, #tpu.memory_space<vmem>>, vector<1x1xf32>,
    } else {
    }
    %get3A_10 = arith.constant 0 : index
    %get3A_11 = arith.constant 0 : index
    %get3A_12 = vector.load %arg2[%get3A_10, %get3A_11] : memref<1x1xf32, #tpu.memory_space<vmem>>, vector<1x1xf32>
    %reshape3A = vector.broadcast %reduce_sum3A_7 : f32 to vector<1x1xf32>
    %add3A = arith.addf %get3A_12, %reshape3A : vector<1x1xf32>
    %swap3A = arith.constant 0 : index
    %swap3A_13 = arith.constant 0 : index
    %swap3A_14 = vector.load %arg2[%swap3A, %swap3A_13] : memref<1x1xf32, #tpu.memory_space<vmem>>, vector<1x1xf32>
    tpu.vector_store %arg2[%swap3A, %swap3A_13], %add3A {strides = array<i32>} : memref<1x1xf32, #tpu.memory_space<vmem>>, vector<1x1xf32>,
    return
  }
  func.func @transform_0(%arg0: i32) -> (i32, i32, i32, i32) {
    %c0_i32 = arith.constant 0 : i32
    %c0_i32_0 = arith.constant 0 : i32
    %c0_i32_1 = arith.constant 0 : i32
    %c0_i32_2 = arith.constant 0 : i32
    return %c0_i32, %arg0, %c0_i32_0, %c0_i32_1 : i32, i32, i32, i32
  }
  func.func @transform_1(%arg0: i32) -> (i32, i32) {
    %c0_i32 = arith.constant 0 : i32
    %c0_i32_0 = arith.constant 0 : i32
    %c0_i32_1 = arith.constant 0 : i32
    return %c0_i32, %c0_i32_0 : i32, i32
  }
}

module attributes {stable_mosaic.version = 14 : i64} {
  func.func @_combine_body(%arg0: memref<256x128xf32, #tpu.memory_space<vmem>>, %arg1: memref<256x128xf32, #tpu.memory_space<vmem>>, %arg2: memref<1x1xf32, #tpu.memory_space<vmem>>, %arg3: memref<1x1xf32, #tpu.memory_space<vmem>>) attributes {dimension_semantics = [], scalar_prefetch = 0 : i64, scratch_operands = 0 : i64, tpu.core_type = #tpu.core_type<tc>} {
    %get3A = arith.constant 0 : index
    %get3A_0 = arith.constant 0 : index
    %get3A_1 = vector.load %arg0[%get3A, %get3A_0] : memref<256x128xf32, #tpu.memory_space<vmem>>, vector<256x128xf32>
    %reshape3A = vector.shape_cast %get3A_1 : vector<256x128xf32> to vector<8x32x128xf32>
    %get3A_2 = arith.constant 0 : index
    %get3A_3 = arith.constant 0 : index
    %get3A_4 = vector.load %arg1[%get3A_2, %get3A_3] : memref<256x128xf32, #tpu.memory_space<vmem>>, vector<256x128xf32>
    %reshape3A_5 = vector.shape_cast %get3A_4 : vector<256x128xf32> to vector<8x32x128xf32>
    %mul3A = arith.mulf %reshape3A, %reshape3A_5 : vector<8x32x128xf32>
    %reduce_sum3A = arith.constant dense<0.000000e+00> : vector<32x128xf32>
    %reduce_sum3A_6 = vector.multi_reduction <add>, %mul3A, %reduce_sum3A [0] : vector<8x32x128xf32> to vector<32x128xf32>
    %reduce_sum3A_7 = arith.constant dense<0.000000e+00> : vector<32x128xf32>
    %reduce_sum3A_8 = vector.multi_reduction <add>, %reshape3A_5, %reduce_sum3A_7 [0] : vector<8x32x128xf32> to vector<32x128xf32>
    %max3A = arith.constant 1.000000e+00 : f32
    %max3A_9 = vector.broadcast %max3A : f32 to vector<32x128xf32>
    %max3A_10 = arith.maximumf %reduce_sum3A_8, %max3A_9 : vector<32x128xf32>
    %div3A = arith.divf %reduce_sum3A_6, %max3A_10 : vector<32x128xf32>
    %neg3A = arith.constant 0.000000e+00 : f32
    %neg3A_11 = vector.broadcast %neg3A : f32 to vector<32x128xf32>
    %neg3A_12 = arith.subf %neg3A_11, %div3A : vector<32x128xf32>
    %exp3A = math.exp %neg3A_12 : vector<32x128xf32>
    %log1p3A = math.log1p %exp3A : vector<32x128xf32>
    %gt3A = arith.constant 0.000000e+00 : f32
    %gt3A_13 = vector.broadcast %gt3A : f32 to vector<8x32x128xf32>
    %gt3A_14 = arith.cmpf ogt, %reshape3A_5, %gt3A_13 : vector<8x32x128xf32>
    %exp3A_15 = math.exp %reshape3A : vector<8x32x128xf32>
    %log1p3A_16 = math.log1p %exp3A_15 : vector<8x32x128xf32>
    %jit3A = arith.constant 0.000000e+00 : f32
    %broadcast_in_dim3A = vector.broadcast %jit3A : f32 to vector<8x32x128xf32>
    %select_n3A = arith.select %gt3A_14, %log1p3A_16, %broadcast_in_dim3A : vector<8x32x128xi1>, vector<8x32x128xf32>
    %reduce_sum3A_17 = arith.constant dense<0.000000e+00> : vector<32x128xf32>
    %reduce_sum3A_18 = vector.multi_reduction <add>, %select_n3A, %reduce_sum3A_17 [0] : vector<8x32x128xf32> to vector<32x128xf32>
    %sub3A = arith.subf %log1p3A, %reduce_sum3A_18 : vector<32x128xf32>
    %reduce_sum3A_19 = vector.shape_cast %sub3A : vector<32x128xf32> to vector<1x32x128xf32>
    %reduce_sum3A_20 = arith.constant dense<0.000000e+00> : vector<1xf32>
    %reduce_sum3A_21 = vector.multi_reduction <add>, %reduce_sum3A_19, %reduce_sum3A_20 [1, 2] : vector<1x32x128xf32> to vector<1xf32>
    %reduce_sum3A_22 = vector.shape_cast %reduce_sum3A_21 : vector<1xf32> to vector<1x1x1xf32>
    %reduce_sum3A_23 = vector.extract %reduce_sum3A_22[0, 0, 0] : f32 from vector<1x1x1xf32>
    %reshape3A_24 = vector.broadcast %reduce_sum3A_23 : f32 to vector<1x1xf32>
    %get3A_25 = arith.constant 0 : index
    %get3A_26 = arith.constant 0 : index
    %get3A_27 = vector.load %arg2[%get3A_25, %get3A_26] : memref<1x1xf32, #tpu.memory_space<vmem>>, vector<1x1xf32>
    %add3A = arith.addf %get3A_27, %reshape3A_24 : vector<1x1xf32>
    %mul3A_28 = arith.constant 2.44140625E-4 : f32
    %mul3A_29 = vector.broadcast %mul3A_28 : f32 to vector<1x1xf32>
    %mul3A_30 = arith.mulf %add3A, %mul3A_29 : vector<1x1xf32>
    %swap3A = arith.constant 0 : index
    %swap3A_31 = arith.constant 0 : index
    %swap3A_32 = vector.load %arg3[%swap3A, %swap3A_31] : memref<1x1xf32, #tpu.memory_space<vmem>>, vector<1x1xf32>
    tpu.vector_store %arg3[%swap3A, %swap3A_31], %mul3A_30 {strides = array<i32>} : memref<1x1xf32, #tpu.memory_space<vmem>>, vector<1x1xf32>,
    return
  }
}

</mosaic_0001>

<sc_bundles>
// kernel: kernel.5.cloned.1.call-start
scs
__scs_entry_jumppad:
0x0: {  	(pc) =	sbr.rel $0x88, $3  }
0x1: {  	(tag) =	ssettag $0x0;
	lr =	simm.s32 $0x1  }
0x2: {  	[smem:$0x3F9F] =	sst lr;
	_ =	strace $0xD0000000  }
0x3: {  	_ = 	snop  }
0x4: {  	_ = 	snop  }
0x5: {  	_ = 	snop  }
0x6: {  	_ = 	snop  }
0x7: {  	_ = 	snop  }
__scs_overlays_trampoline_lowered:
0x8: {  	[smem:$0x3FAE] =	sst s0  }
0x9: {  	[smem:$0x3FAF] =	sst s1  }
0xa: {  	[smem:$0x3FB0] =	sst s2  }
0xb: {  	[smem:$0x3FB1] =	sst s3  }
0xc: {  	[smem:$0x3FB2] =	sst s4  }
0xd: {  	[smem:$0x3FB3] =	sst s5  }
0xe: {  	[smem:$0x3FB4] =	sst s6  }
0xf: {  	[smem:$0x3FB5] =	sst s7  }
0x10: {  	[smem:$0x3FB6] =	sst s8  }
0x11: {  	[smem:$0x3FB7] =	sst s9;
	s0 =	simm.s32 @!p0 $0x0  }
0x12: {  	s1 =	sld [smem:$0x3F9D];
	s0 =	simm.s32 @p0 $0x1  }
0x13: {  	[smem:$0x3FB8] =	sst s0;
	s0 =	simm.s32 @!p1 $0x0  }
0x14: {  	s2 =	sld [smem:$0x3F9C];
	s0 =	simm.s32 @p1 $0x1  }
0x15: {  	[smem:$0x3FB9] =	sst s0;
	s0 =	simm.s32 @!p2 $0x0  }
0x16: {  	s3 =	sld [smem:$0x3FDB];
	s0 =	simm.s32 @p2 $0x1  }
0x17: {  	s4 =	simm.s32 $0x1BF5;
	[smem:$0x3FBB] =	sst s0  }
0x18: {  	s0 =	sld [smem:$0x3F9E];
	_ =	swait.ge [sflag:s4], $0x0  }
0x19: {  	s7 =	sld [smem:$0x3F9F]  }
0x1a: {  	s8 =	sadd.s32 $0xFFFFE003, lr  }
0x1b: {  	s9 =	sadd.s32 $0xFFFFFEF7, lr;
	s5 =	simm.s32 $0xFFFFFFFF;
	p2 =	slt.u32 s8, $0xFFFFF086  }
0x1c: {  	p1 =	slt.u32 s9, $0xF7A;
	s5 =	simm.s32 @!p2 $0x0  }
0x1d: {  	s5 =	simm.s32 @p1 $0x1;
	p0 =	seq.s32 s7, s2  }
0x1e: {  	s7 =	smul.u32 @!p0 $0xF7A, s2;
	p2 =	seq.s32 @!p0 s5, $0x0  }
0x1f: {  	s9 =	smul.u32 $0xF7A, s1;
	s8 =	simm.s32 @!p0 $0x1BF5;
	p2 =	por !p2, p0  }
0x20: {  	[sflag:s8] =	ssyncset.s32 @!p0 $0xFFFFF086;
	s6 =	sadd.s32 @!p0 s3, s7;
	s7 =	simm.s32 @!p0 $0x108  }
0x21: {  	s3 =	sadd.s32 s3, s9;
	s6 =	sadd.s32 @!p0 $0x88, s6;
	s7 =	simm.s32 @p2 $0x1082  }
0x22: {  	[simem:s7], [sflag:s8] =	dma.local @!p0 [hbm:s6], $0xF7A  }
0x23: {  	s9 =	sor.u32 $0xD0000000, s2;
	s6 =	simm.s32 $0x108;
	_ =	swait.ge @!p0 [sflag:s8], $0x0  }
0x24: {  	s3 =	sadd.s32 $0x88, s3;
	s6 =	simm.s32 @!p1 $0x1082;
	[sflag:s4] =	ssyncset.s32 $0xFFFFF086  }
0x25: {  	[simem:s6], [sflag:s4] =	dma.local [hbm:s3], $0xF7A  }
0x26: {  	[smem:$0x3F9F] =	sst s1;
	(tag) =	ssettag s2;
	_ =	strace s9  }
0x27: {  	s1 =	sld [smem:$0x3FAF]  }
0x28: {  	s2 =	sld [smem:$0x3FB0]  }
0x29: {  	s4 =	sld [smem:$0x3FB2]  }
0x2a: {  	p0 =	seq.s32 s5, $0x0;
	s5 =	sld [smem:$0x3FB3]  }
0x2b: {  	s6 =	sld [smem:$0x3FB4]  }
0x2c: {  	s7 =	sld [smem:$0x3FB5]  }
0x2d: {  	s3 =	simm.s32 $0x108;
	s8 =	sld [smem:$0x3FB6]  }
0x2e: {  	s3 =	simm.s32 @!p0 $0x1082;
	s9 =	sld [smem:$0x3FB7]  }
0x2f: {  	lr =	sadd.s32 s0, s3;
	s0 =	sld [smem:$0x3FAE]  }
0x30: {  	s3 =	sld [smem:$0x3FB1]  }
0x31: {  	[smem:$0x3FBA] =	sst s10  }
0x32: {  	s10 =	sld [smem:$0x3FB8];
	_ =	sdelay $0x3  }
0x33: {  	p0 =	seq.s32 s10, $0x1;
	s10 =	sld [smem:$0x3FBA];
	_ =	sdelay $0x3  }
0x34: {  	[smem:$0x3FBA] =	sst s10  }
0x35: {  	s10 =	sld [smem:$0x3FB9];
	_ =	sdelay $0x3  }
0x36: {  	p1 =	seq.s32 s10, $0x1;
	s10 =	sld [smem:$0x3FBA];
	_ =	sdelay $0x3  }
0x37: {  	[smem:$0x3FBA] =	sst s10  }
0x38: {  	s10 =	sld [smem:$0x3FBB]  }
0x39: {  	_ = 	snop;
	(pc) =	sbr.ind lr, $3  }
0x3a: {  	_ = 	snop  }
0x3b: {  	_ = 	snop  }
0x3c: {  	p2 =	seq.s32 s10, $0x1;
	s10 =	sld [smem:$0x3FBA]  }
0x3d: {  	_ =	shalt  }
0x3e: {  	_ =	shalt  }
0x3f: {  	_ =	shalt  }
0x40: {  	_ =	shalt  }
0x41: {  	_ =	shalt  }
0x42: {  	_ =	shalt  }
0x43: {  	_ =	shalt  }
0x44: {  	_ =	shalt  }
0x45: {  	_ =	shalt  }
0x46: {  	_ =	shalt  }
0x47: {  	_ =	shalt  }
0x48: {  	_ =	shalt  }
0x49: {  	_ =	shalt  }
0x4a: {  	_ =	shalt  }
0x4b: {  	_ =	shalt  }
0x4c: {  	_ =	shalt  }
0x4d: {  	_ =	shalt  }
0x4e: {  	_ =	shalt  }
0x4f: {  	_ =	shalt  }
0x50: {  	_ =	shalt  }
0x51: {  	_ =	shalt  }
0x52: {  	_ =	shalt  }
0x53: {  	_ =	shalt  }
0x54: {  	_ =	shalt  }
0x55: {  	_ =	shalt  }
0x56: {  	_ =	shalt  }
0x57: {  	_ =	shalt  }
0x58: {  	_ =	shalt  }
0x59: {  	_ =	shalt  }
0x5a: {  	_ =	shalt  }
0x5b: {  	_ =	shalt  }
0x5c: {  	_ =	shalt  }
0x5d: {  	_ =	shalt  }
0x5e: {  	_ =	shalt  }
0x5f: {  	_ =	shalt  }
0x60: {  	_ =	shalt  }
0x61: {  	_ =	shalt  }
0x62: {  	_ =	shalt  }
0x63: {  	_ =	shalt  }
0x64: {  	_ =	shalt  }
0x65: {  	_ =	shalt  }
0x66: {  	_ =	shalt  }
0x67: {  	_ =	shalt  }
0x68: {  	_ =	shalt  }
0x69: {  	_ =	shalt  }
0x6a: {  	_ =	shalt  }
0x6b: {  	_ =	shalt  }
0x6c: {  	_ =	shalt  }
0x6d: {  	_ =	shalt  }
0x6e: {  	_ =	shalt  }
0x6f: {  	_ =	shalt  }
0x70: {  	_ =	shalt  }
0x71: {  	_ =	shalt  }
0x72: {  	_ =	shalt  }
0x73: {  	_ =	shalt  }
0x74: {  	_ =	shalt  }
0x75: {  	_ =	shalt  }
0x76: {  	_ =	shalt  }
0x77: {  	_ =	shalt  }
0x78: {  	_ =	shalt  }
0x79: {  	_ =	shalt  }
0x7a: {  	_ =	shalt  }
0x7b: {  	_ =	shalt  }
0x7c: {  	_ =	shalt  }
0x7d: {  	_ =	shalt  }
0x7e: {  	_ =	shalt  }
0x7f: {  	_ =	shalt  }
0x80: {  	_ =	shalt  }
0x81: {  	_ =	shalt  }
0x82: {  	_ =	shalt  }
0x83: {  	_ =	shalt  }
0x84: {  	_ =	shalt  }
0x85: {  	_ =	shalt  }
0x86: {  	_ =	shalt  }
0x87: {  	_ =	shalt  }
.Lfunc_end0:
.L_simem_size_0:
called_computation_lowered:
.L_overlay_start_0:
0x88: {  	s2 =	sld [smem:$0x3FD9]  }
0x89: {  	s3 =	sld [smem:$0x3FFE];
	_ =	sdelay $0x1  }
0x8a: {  	s1 =	srdreg.scid  }
0x8b: {  	s0 =	sand.u32 $0x1, s1  }
0x8c: {  	s17 =	sshll.u32 s0, $0xA;
	s2 =	sadd.s32 s3, s2  }
0x8d: {  	s2 =	sadd.s32 s2, s17  }
0x8e: {  	[smem:$0x3FC6] =	sst s2  }
0x8f: {  	_ = 	snop  }
0x90: {  	s2 =	sld [smem:$0x3FC9];
	(tm) =	ssettm $0x1  }
0x91: {  	s18 =	sld [smem:$0x3FFB];
	_ =	sdelay $0x3  }
0x92: {  	_ =	strace s18  }
0x93: {  	s3 =	sld [smem:$0x3FFC];
	_ =	sdelay $0x3  }
0x94: {  	_ =	strace s3  }
0x95: {  	s3 =	sld [smem:$0x3FFD];
	_ =	sdelay $0x3  }
0x96: {  	_ =	strace s3  }
0x97: {  	_ =	strace $0x8FFFFFFF  }
0x98: {  	s19 =	sld [smem:$0x3FDB];
	_ =	sdelay $0x1  }
0x99: {  	s4 =	simm.s32 $_scs_section_size  }
0x9a: {  	s5 =	simm.s32 $_size__tile_overlayer_lowered;
	s6 =	simm.s32 $_tile_overlayer_lowered  }
0x9b: {  	s22 =	simm.s32 $0x1BFF;
	s21 =	sshll.u32 s6, $0x1;
	s3 =	sadd.s32 s4, s19  }
0x9c: {  	s7 =	simm.s32 $0x0;
	s20 =	sshll.u32 s5, $0x1;
	s5 =	sadd.s32 s21, s3  }
0x9d: {  	[timem:s7], [sflag:s22] =	dma.local [hbm:s5], s20  }
0x9e: {  	_ =	swait.ge [sflag:s22], s20  }
0x9f: {  	s4 =	ssub.s32 $0x0, s20;
	[sflag:s22] =	ssyncset.done $0x0  }
0xa0: {  	[sflag:s22] =	ssyncadd.s32 s4;
	_ =	sdelay $0x1  }
0xa1: {  	s23 =	simm.s32 $0x1B8B  }
0xa2: {  	_ =	swait.ge [sflag:s23], $0x1  }
0xa3: {  	[sflag:s23] =	ssyncset.done $0x0  }
0xa4: {  	s25 =	simm.s32 $0x1B8E;
	s24 =	sld [smem:$0x3FFE];
	[sflag:s23] =	ssyncadd.s32 $0xFFFFFFFF  }
0xa5: {  	s26 =	simm.s32 $execute0_lowered;
	[smem:$0x3FD2] =	sst s25  }
0xa6: {  	s5 =	sshll.u32 s26, $0x1;
	_ =	strace $0x80000046;
	[dreg:$0x1] =	wrdreg $0xFFFFFFFF  }
0xa7: {  	s28 =	simm.s32 $_size_execute0_lowered;
	s3 =	sadd.s32 s3, s5;
	[dreg:$0x0] =	wrdreg $0x0  }
0xa8: {  	s5 =	sshll.u32 s28, $0x1;
	[dreg:$0x2] =	wrdreg s3  }
0xa9: {  	[dreg:$0x3] =	wrdreg s5  }
0xaa: {  	[dreg:$0x4] =	wrdreg $0xC0  }
0xab: {  	_ =	task [dreg:s7], $0x5FFFF  }
0xac: {  	[dreg:$0x1] =	wrdreg $0xFFFFFFFF  }
0xad: {  	[dreg:$0x0] =	wrdreg $0x60  }
0xae: {  	[dreg:$0x2] =	wrdreg s2  }
0xaf: {  	[dreg:$0x3] =	wrdreg s24  }
0xb0: {  	[dreg:$0x4] =	wrdreg $0x9  }
0xb1: {  	_ =	task.clear_ibuf [dreg:s7], $0x5FFFF;
	_ =	strace $0x90000046  }
0xb2: {  	s29 =	simm.s32 $0x9;
	_ =	strace $0x80000048  }
0xb3: {  	_ =	swait.ge [sflag:s29], $0x1  }
0xb4: {  	[sflag:s29] =	ssyncadd.s32 $0xFFFFFFFF  }
0xb5: {  	_ =	strace $0x90000048  }
0xb6: {  	_ =	sfence  }
0xb7: {  	s30 =	sld [smem:$0x0];
	_ =	sdelay $0x2  }
0xb8: {  	s31 =	sshll.u32 s1, $0xD;
	s1 =	sshrl.u32 s1, $0x2  }
0xb9: {  	s3 =	sand.u32 $0x4000, s31;
	s1 =	sadd.s32 s1, s30  }
0xba: {  	s0 =	sor.u32 s3, s0;
	s1 =	sshll.u32 s1, $0x11  }
0xbb: {  	s0 =	sor.u32 s1, s0  }
0xbc: {  	s0 =	sadd.s32 $0x8F2B, s0  }
0xbd: {  	[sflag:s0] =	ssyncadd.remote.s32 $0x1  }
0xbe: {  	_ =	sfence.sel $0xFFFF  }
0xbf: {  	[dreg:$0x0] =	wrdreg $0xFFFFFFFF;
	(pc) =	sbr.abs _section_cstart, $3  }
0xc0: {  	[dreg:$0x1] =	wrdreg $0xFFFFFFFF  }
0xc1: {  	_ =	task.clear_ibuf [dreg:s7], $0x2FFFF;
	_ =	strace $0x9FFFFFFF  }
0xc2: {  	(tm) =	ssettm $0x7FFFFFFF  }
0xc3: {  	_ =	shalt  }
tec
execute0_lowered:
.L_overlay_start_1:
0x0: {  	(tag) =	ssettag $0x1  }
0x1: {  	s2 =	rddreg [dreg:$0x0];
	s1 =	srdreg.scid  }
0x2: {  	s0 =	stileid.u32;
	s4 =	rddreg [dreg:$0x1]  }
0x3: {  	s3 =	simm.s32 $0x0;
	s5 =	sand.u32 $0x1, s1;
	s21 =	sshll.u32 s0, $0x1  }
0x4: {  	s28 =	simm.s32 $0xB80;
	s29 =	simm.s32 $0x800;
	s1 =	sor.u32 s5, s21  }
0x5: {  	[smem:$0x7FF] =	sst s3;
	s6 =	sadd.s32 $0xE00, s4;
	s7 =	sshll.u32 s1, $0x4  }
0x6: {  	s13 =	sadd.s32 $0x1800, s4;
	s4 =	sadd.s32 $0x2800, s4;
	s8 =	sadd.s32 s6, s7  }
0x7: {  	_ =	strace $0x80000047;
	s25 =	sadd.s32 s13, s7;
	[dreg:$0x3] =	wrdreg s8  }
0x8: {  	s9 =	sor.u32 $0x200, s7;
	s26 =	sadd.s32 s4, s7;
	[dreg:$0x8] =	wrdreg s25  }
0x9: {  	s10 =	sor.u32 $0x400, s7;
	s22 =	sadd.s32 s6, s9;
	[dreg:$0x9] =	wrdreg s26  }
0xa: {  	s11 =	sor.u32 $0x600, s7;
	s23 =	sadd.s32 s6, s10;
	[dreg:$0x4] =	wrdreg s22  }
0xb: {  	s12 =	sor.u32 $0x800, s7;
	s24 =	sadd.s32 s6, s11;
	[dreg:$0x5] =	wrdreg s23  }
0xc: {  	s30 =	simm.s32 $0xC00;
	s6 =	sadd.s32 s6, s12;
	[dreg:$0x6] =	wrdreg s24  }
0xd: {  	s31 =	simm.s32 $0x880;
	s0 =	sadd.s32 s13, s9;
	[dreg:$0x7] =	wrdreg s6  }
0xe: {  	s5 =	ssub.s32 $0x2, s5;
	s8 =	sadd.s32 s4, s9;
	[dreg:$0xa] =	wrdreg s0  }
0xf: {  	v1 =	vmov s1;
	s1 =	simm.s32 $0xC80;
	s9 =	sadd.s32 s13, s10;
	[dreg:$0xb] =	wrdreg s8  }
0x10: {  	s19 =	sor.u32 $0xA00, s7;
	s14 =	sadd.s32 s4, s10;
	[dreg:$0xc] =	wrdreg s9  }
0x11: {  	s15 =	sadd.s32 s13, s11;
	s16 =	sadd.s32 s4, s11;
	[dreg:$0xd] =	wrdreg s14  }
0x12: {  	s17 =	sadd.s32 s13, s12;
	s18 =	sadd.s32 s4, s12;
	[dreg:$0xe] =	wrdreg s15  }
0x13: {  	s20 =	sadd.s32 s13, s19;
	s21 =	sadd.s32 s4, s19;
	[dreg:$0xf] =	wrdreg s16  }
0x14: {  	s25 =	sshrl.u32 s5, $0x1;
	s10 =	simm.s32 $0x280;
	[dreg:$0x10] =	wrdreg s17  }
0x15: {  	s11 =	simm.s32 $0x500;
	s12 =	simm.s32 $0x300;
	[dreg:$0x11] =	wrdreg s18  }
0x16: {  	s19 =	simm.s32 $0x700;
	[dreg:$0x12] =	wrdreg s20;
	s22 =	sor.u32 $0xC00, s7  }
0x17: {  	[dreg:$0x13] =	wrdreg s21;
	s7 =	sor.u32 $0xE00, s7;
	s5 =	ssub.s32 s5, s25  }
0x18: {  	s6 =	simm.s32 $0x80;
	s8 =	simm.s32 $0x180;
	s9 =	simm.s32 $0x200  }
0x19: {  	s14 =	simm.s32 $0x380;
	s15 =	simm.s32 $0x600;
	s16 =	simm.s32 $0x400  }
0x1a: {  	s17 =	simm.s32 $0x680;
	s18 =	simm.s32 $0x480;
	s20 =	simm.s32 $0x1  }
0x1b: {  	s21 =	simm.s32 $0x900;
	s25 =	simm.s32 $0xB00;
	s23 =	sadd.s32 s13, s22  }
0x1c: {  	s24 =	sadd.s32 s4, s22;
	s26 =	sadd.s32 s13, s7;
	[dreg:$0x14] =	wrdreg s23  }
0x1d: {  	v0 =	vlaneseq.u32;
	s4 =	sadd.s32 s4, s7;
	s7 =	simm.s32 $0x100;
	[dreg:$0x15] =	wrdreg s24  }
0x1e: {  	v2 =	vimm.f32 $0.0e+00;
	v3 =	vor.u32 $0x10, v0;
	s13 =	simm.s32 $0x580;
	s22 =	simm.s32 $0x980;
	[dreg:$0x16] =	wrdreg s26  }
0x1f: {  	v4 =	vor.u32 $0x20, v0;
	v5 =	vor.u32 $0x30, v0;
	v6 =	vor.u32 $0x40, v0;
	[dreg:$0x17] =	wrdreg s4;
	s4 =	smax.u32 s5, $0x1;
	s5 =	simm.s32 $0x2  }
0x20: {  	v7 =	vor.u32 $0x50, v0;
	v8 =	vor.u32 $0x60, v0;
	v9 =	vor.u32 $0x70, v0;
	s23 =	simm.s32 $0xA00;
	s24 =	simm.s32 $0xA80;
	s26 =	simm.s32 $0x780  }
.LBB2_1:
0x21: {  	s0 =	rddreg [dreg:$0x3]  }
0x22: {  	[tilespmem:s3], [sflag:$0x2] =	stream.linear.gather [hbm4b:s0+s3], $0x80, $0x38;
	[tilespmem:$0xD00] =	vst v63  }
0x23: {  	_ =	swait.ge [sflag:s5], $0x80  }
0x24: {  	[sflag:s5] =	ssyncset.done $0x0  }
0x25: {  	s0 =	rddreg [dreg:$0x4];
	[sflag:s5] =	ssyncadd.s32 $0xFFFFFF80  }
0x26: {  	[tilespmem:s6], [sflag:$0x2] =	stream.linear.gather [hbm4b:s0+s3], $0x80, $0x38;
	[tilespmem:$0xD00] =	vst v63  }
0x27: {  	_ =	swait.ge [sflag:s5], $0x80  }
0x28: {  	[sflag:s5] =	ssyncset.done $0x0  }
0x29: {  	s0 =	rddreg [dreg:$0x5];
	[sflag:s5] =	ssyncadd.s32 $0xFFFFFF80  }
0x2a: {  	[tilespmem:s7], [sflag:$0x2] =	stream.linear.gather [hbm4b:s0+s3], $0x80, $0x38;
	[tilespmem:$0xD00] =	vst v63  }
0x2b: {  	_ =	swait.ge [sflag:s5], $0x80  }
0x2c: {  	[sflag:s5] =	ssyncset.done $0x0  }
0x2d: {  	s0 =	rddreg [dreg:$0x6];
	[sflag:s5] =	ssyncadd.s32 $0xFFFFFF80  }
0x2e: {  	[tilespmem:s8], [sflag:$0x2] =	stream.linear.gather [hbm4b:s0+s3], $0x80, $0x38;
	[tilespmem:$0xD00] =	vst v63  }
0x2f: {  	_ =	swait.ge [sflag:s5], $0x80  }
0x30: {  	[sflag:s5] =	ssyncset.done $0x0  }
0x31: {  	s0 =	rddreg [dreg:$0x7];
	[sflag:s5] =	ssyncadd.s32 $0xFFFFFF80  }
0x32: {  	[tilespmem:s9], [sflag:$0x2] =	stream.linear.gather [hbm4b:s0+s3], $0x80, $0x38;
	[tilespmem:$0xD00] =	vst v63  }
0x33: {  	_ =	swait.ge [sflag:s5], $0x80  }
0x34: {  	[sflag:s5] =	ssyncset.done $0x0  }
0x35: {  	[sflag:s5] =	ssyncadd.s32 $0xFFFFFF80  }
0x36: {  	v16 =	vld [tilespmem:$0x0]  }
0x37: {  	v17 =	vld [tilespmem:$0x80]  }
0x38: {  	v18 =	vld [tilespmem:$0x100]  }
0x39: {  	v19 =	vld [tilespmem:$0x180];
	_ =	sdelay $0x1  }
0x3a: {  	vm0 =	vgt.s32 v16, $0x0  }
0x3b: {  	v21 =	vld [tilespmem:$0x200];
	vm11 =	vgt.s32 v17, $0x0;
	vm1 =	vgt.s32 v16, $0xFFFFFFFF;
	vm12 =	vgt.s32 v17, $0xFFFFFFFF  }
0x3c: {  	vm2 =	vne.s32 v17, v16;
	vm13 =	vgt.s32 v18, $0x0;
	vm14 =	vgt.s32 v18, $0xFFFFFFFF  }
0x3d: {  	vm15 =	vne.s32 v18, v16;
	vm4 =	vne.s32 v18, v17;
	vm5 =	vgt.s32 v19, $0x0  }
0x3e: {  	vm6 =	vne.s32 v19, v16;
	vm7 =	vne.s32 v19, v17;
	vm8 =	vgt.s32 v19, $0xFFFFFFFF  }
0x3f: {  	vm9 =	vne.s32 v19, v18;
	v10 =	vnsel vm0, $0x0, v16;
	vm0 =	vmand vm12, vm2  }
0x40: {  	v14 =	vnsel vm13, $0x0, v18;
	v20 =	vnsel vm5, $0x0, v19;
	vm12 =	vne.s32 v21, v17  }
0x41: {  	vm13 =	vgt.s32 v21, $0xFFFFFFFF;
	v11 =	vshll.u32 v10, $0x2;
	v10 =	vshll.u32 v10, $0x7  }
0x42: {  	v15 =	vshll.u32 v14, $0x2;
	v14 =	vshll.u32 v14, $0x7;
	v57 =	vshll.u32 v20, $0x2  }
0x43: {  	v58 =	vshll.u32 v20, $0x7;
	v11 =	vand.u32 $0x3FFFE0, v11;
	v10 =	vand.u32 $0x380, v10  }
0x44: {  	v15 =	vand.u32 $0x3FFFE0, v15;
	v14 =	vand.u32 $0x380, v14;
	v22 =	vand.u32 $0x3FFFE0, v57  }
0x45: {  	v11 =	vor.u32 v1, v11;
	v15 =	vor.u32 v1, v15;
	v22 =	vor.u32 v1, v22  }
0x46: {  	v11 =	vshll.u32 v11, $0xA;
	v15 =	vshll.u32 v15, $0xA;
	v22 =	vshll.u32 v22, $0xA  }
0x47: {  	v12 =	vor.u32 v10, v11;
	v11 =	vnsel vm11, $0x0, v17;
	v10 =	vsel vm1, $0x3F800000, v2  }
0x48: {  	vm1 =	vmand vm15, vm4;
	v15 =	vor.u32 v14, v15;
	vm11 =	vne.s32 v21, v16  }
0x49: {  	v23 =	vld [tilespmem:$0x10];
	v16 =	vand.u32 $0x380, v58;
	vm15 =	vne.s32 v21, v18;
	v13 =	vshll.u32 v11, $0x2  }
0x4a: {  	v24 =	vld [tilespmem:$0x90];
	vm4 =	vne.s32 v21, v19;
	v11 =	vshll.u32 v11, $0x7;
	v13 =	vand.u32 $0x3FFFE0, v13  }
0x4b: {  	v25 =	vld [tilespmem:$0x110];
	v20 =	vor.u32 v16, v22;
	v12 =	vor.u32 v0, v12;
	v13 =	vor.u32 v1, v13  }
0x4c: {  	v26 =	vld [tilespmem:$0x190];
	v11 =	vand.u32 $0x380, v11;
	v20 =	vor.u32 v0, v20;
	v13 =	vshll.u32 v13, $0xA  }
0x4d: {  	v13 =	vor.u32 v11, v13;
	v11 =	vsel vm0, $0x3F800000, v2;
	vm0 =	vmand vm1, vm14  }
0x4e: {  	vm1 =	vmand vm6, vm7;
	vm14 =	vgt.s32 v21, $0x0;
	vm6 =	vgt.s32 v23, $0xFFFFFFFF  }
0x4f: {  	vm7 =	vgt.s32 v23, $0x0;
	vm1 =	vmand vm1, vm8;
	v14 =	vsel vm0, $0x3F800000, v2  }
0x50: {  	v59 =	vnsel vm14, $0x0, v21;
	v29 =	vnsel vm7, $0x0, v23;
	vm8 =	vgt.s32 v24, $0xFFFFFFFF  }
0x51: {  	v16 =	vsel vm6, $0x3F800000, v2;
	vm14 =	vgt.s32 v25, $0xFFFFFFFF;
	vm6 =	vne.s32 v26, v24  }
0x52: {  	[tilespmem:$0x900] =	vst v10;
	vm7 =	vgt.s32 v26, $0xFFFFFFFF;
	v10 =	vor.u32 v0, v13;
	vm10 =	vmand vm9, vm1  }
0x53: {  	v28 =	vld [tilespmem:$0x210];
	vm1 =	vmand vm11, vm12;
	v60 =	vshll.u32 v59, $0x2;
	vm9 =	vne.s32 v24, v23  }
0x54: {  	vm11 =	vgt.s32 v24, $0x0;
	vm12 =	vne.s32 v25, v23;
	v30 =	vshll.u32 v59, $0x7  }
0x55: {  	v40 =	vshll.u32 v29, $0x2;
	v43 =	vshll.u32 v29, $0x7;
	vm1 =	vmand vm1, vm13  }
0x56: {  	v21 =	vsel vm10, $0x3F800000, v2;
	v61 =	vand.u32 $0x3FFFE0, v60;
	vm10 =	vmand vm8, vm9  }
0x57: {  	v18 =	vnsel vm11, $0x0, v24;
	vm13 =	vne.s32 v25, v24;
	vm8 =	vne.s32 v26, v25  }
0x58: {  	vm11 =	vne.s32 v28, v23;
	v62 =	vand.u32 $0x380, v30;
	vm1 =	vmand vm15, vm1  }
0x59: {  	v27 =	vor.u32 v1, v61;
	v19 =	vsel vm10, $0x3F800000, v2;
	vm10 =	vgt.s32 v26, $0x0  }
0x5a: {  	v61 =	vand.u32 $0x380, v43;
	vm5 =	vmand vm4, vm1;
	vm1 =	vmand vm12, vm13  }
0x5b: {  	vm4 =	vgt.s32 v25, $0x0;
	v27 =	vshll.u32 v27, $0xA;
	v48 =	vnsel vm10, $0x0, v26  }
0x5c: {  	v31 =	vld [tilespmem:$0x20];
	vm12 =	vne.s32 v28, v24;
	vm13 =	vgt.s32 v28, $0xFFFFFFFF;
	v17 =	vsel vm5, $0x3F800000, v2  }
0x5d: {  	v63 =	vld [tilespmem:$0xA0];
	vm15 =	vmand vm1, vm14;
	v42 =	vnsel vm4, $0x0, v25;
	vm5 =	vne.s32 v26, v23  }
0x5e: {  	v33 =	vld [tilespmem:$0x1A0];
	vm4 =	vne.s32 v28, v26;
	v38 =	vor.u32 v62, v27;
	v27 =	vand.u32 $0x3FFFE0, v40  }
0x5f: {  	v62 =	vshll.u32 v18, $0x2;
	v18 =	vshll.u32 v18, $0x7;
	vm1 =	vmand vm5, vm6  }
0x60: {  	v22 =	vsel vm15, $0x3F800000, v2;
	vm15 =	vne.s32 v28, v25;
	vm5 =	vgt.s32 v28, $0x0  }
0x61: {  	v32 =	vld [tilespmem:$0x120];
	vm6 =	vgt.s32 v31, $0xFFFFFFFF;
	v41 =	vor.u32 v1, v27;
	v38 =	vor.u32 v0, v38  }
0x62: {  	vm1 =	vmand vm1, vm7;
	v57 =	vnsel vm5, $0x0, v28;
	vm7 =	vgt.s32 v31, $0x0  }
0x63: {  	v34 =	vld [tilespmem:$0x220];
	v24 =	vsel vm6, $0x3F800000, v2;
	vm5 =	vne.s32 v33, v31;
	vm6 =	vne.s32 v33, v63  }
0x64: {  	v36 =	vshll.u32 v41, $0xA;
	vm9 =	vmand vm8, vm1;
	vm1 =	vmand vm11, vm12  }
0x65: {  	v52 =	vnsel vm7, $0x0, v31;
	vm8 =	vgt.s32 v63, $0xFFFFFFFF;
	vm11 =	vgt.s32 v63, $0x0  }
0x66: {  	vm12 =	vne.s32 v32, v31;
	vm7 =	vgt.s32 v33, $0xFFFFFFFF;
	v58 =	vor.u32 v61, v36  }
0x67: {  	v23 =	vsel vm9, $0x3F800000, v2;
	vm14 =	vmand vm1, vm13;
	vm9 =	vne.s32 v63, v31  }
0x68: {  	v55 =	vnsel vm11, $0x0, v63;
	vm13 =	vne.s32 v32, v63;
	vm11 =	vne.s32 v34, v31  }
0x69: {  	v35 =	vld [tilespmem:$0x30];
	vm0 =	vmand vm15, vm14;
	vm10 =	vmand vm8, vm9;
	vm1 =	vmand vm12, vm13  }
0x6a: {  	vm14 =	vgt.s32 v32, $0xFFFFFFFF;
	vm8 =	vne.s32 v33, v32;
	vm12 =	vne.s32 v34, v63  }
0x6b: {  	vm13 =	vgt.s32 v34, $0xFFFFFFFF;
	v63 =	vand.u32 $0x3FFFE0, v62;
	v62 =	vand.u32 $0x380, v18  }
0x6c: {  	vm0 =	vmand vm4, vm0;
	v26 =	vsel vm10, $0x3F800000, v2;
	vm15 =	vmand vm1, vm14  }
0x6d: {  	v60 =	vld [tilespmem:$0x1B0];
	vm4 =	vgt.s32 v32, $0x0;
	vm1 =	vmand vm5, vm6;
	vm10 =	vgt.s32 v33, $0x0  }
0x6e: {  	v37 =	vld [tilespmem:$0xB0];
	vm5 =	vgt.s32 v34, $0x0;
	vm6 =	vgt.s32 v35, $0xFFFFFFFF;
	v36 =	vor.u32 v1, v63  }
0x6f: {  	v63 =	vor.u32 v0, v15;
	v25 =	vsel vm0, $0x3F800000, v2;
	v53 =	vnsel vm4, $0x0, v32  }
0x70: {  	vm1 =	vmand vm1, vm7;
	v27 =	vsel vm15, $0x3F800000, v2;
	v54 =	vnsel vm10, $0x0, v33  }
0x71: {  	vm15 =	vne.s32 v34, v32;
	vm4 =	vne.s32 v34, v33;
	v56 =	vnsel vm5, $0x0, v34  }
0x72: {  	v39 =	vld [tilespmem:$0x230];
	vm7 =	vgt.s32 v35, $0x0;
	v29 =	vsel vm6, $0x3F800000, v2;
	vm5 =	vne.s32 v60, v35  }
0x73: {  	vm6 =	vne.s32 v60, v37;
	vm9 =	vmand vm8, vm1;
	vm1 =	vmand vm11, vm12  }
0x74: {  	v47 =	vnsel vm7, $0x0, v35;
	vm8 =	vgt.s32 v37, $0xFFFFFFFF;
	vm11 =	vgt.s32 v37, $0x0  }
0x75: {  	v32 =	vld [tilespmem:$0x130];
	[tilespmem:$0x380] =	vst v63;
	vm7 =	vgt.s32 v60, $0xFFFFFFFF;
	v63 =	vshll.u32 v54, $0x7;
	v28 =	vsel vm9, $0x3F800000, v2  }
0x76: {  	vm14 =	vmand vm1, vm13;
	vm9 =	vne.s32 v37, v35;
	v50 =	vnsel vm11, $0x0, v37  }
0x77: {  	[tilespmem:$0x480] =	vst v38;
	vm11 =	vne.s32 v39, v35;
	v13 =	vand.u32 $0x380, v63;
	v38 =	vshll.u32 v47, $0x7  }
0x78: {  	[tilespmem:$0xB00] =	vst v17;
	vm0 =	vmand vm15, vm14;
	vm10 =	vmand vm8, vm9;
	v17 =	vand.u32 $0x380, v38  }
0x79: {  	vm0 =	vmand vm4, vm0;
	v31 =	vsel vm10, $0x3F800000, v2;
	vm10 =	vgt.s32 v60, $0x0  }
0x7a: {  	v40 =	vld [tilespmem:$0x40];
	v30 =	vsel vm0, $0x3F800000, v2;
	vm12 =	vne.s32 v32, v35;
	vm13 =	vne.s32 v32, v37  }
0x7b: {  	vm14 =	vgt.s32 v32, $0xFFFFFFFF;
	vm4 =	vgt.s32 v32, $0x0;
	vm8 =	vne.s32 v60, v32  }
0x7c: {  	v49 =	vnsel vm10, $0x0, v60;
	vm1 =	vmand vm12, vm13;
	v46 =	vnsel vm4, $0x0, v32  }
0x7d: {  	v44 =	vld [tilespmem:$0xC0];
	vm12 =	vne.s32 v39, v37;
	vm13 =	vgt.s32 v39, $0xFFFFFFFF;
	vm4 =	vne.s32 v39, v60  }
0x7e: {  	v59 =	vld [tilespmem:$0x140];
	vm15 =	vmand vm1, vm14;
	vm1 =	vmand vm5, vm6;
	vm5 =	vgt.s32 v39, $0x0  }
0x7f: {  	vm6 =	vgt.s32 v40, $0xFFFFFFFF;
	vm1 =	vmand vm1, vm7;
	v34 =	vsel vm15, $0x3F800000, v2  }
0x80: {  	v61 =	vld [tilespmem:$0x240];
	vm15 =	vne.s32 v39, v32;
	v51 =	vnsel vm5, $0x0, v39;
	vm7 =	vgt.s32 v40, $0x0  }
0x81: {  	v32 =	vsel vm6, $0x3F800000, v2;
	v39 =	vshll.u32 v36, $0xA;
	vm9 =	vmand vm8, vm1  }
0x82: {  	v60 =	vld [tilespmem:$0x1C0];
	vm1 =	vmand vm11, vm12;
	v43 =	vnsel vm7, $0x0, v40;
	vm8 =	vgt.s32 v44, $0xFFFFFFFF  }
0x83: {  	vm11 =	vgt.s32 v44, $0x0;
	vm12 =	vne.s32 v59, v40;
	v62 =	vor.u32 v62, v39  }
0x84: {  	v37 =	vsel vm9, $0x3F800000, v2;
	vm14 =	vmand vm1, vm13;
	vm9 =	vne.s32 v44, v40  }
0x85: {  	v45 =	vnsel vm11, $0x0, v44;
	vm13 =	vne.s32 v59, v44;
	vm11 =	vne.s32 v61, v40  }
0x86: {  	vm0 =	vmand vm15, vm14;
	vm10 =	vmand vm8, vm9;
	vm1 =	vmand vm12, vm13  }
0x87: {  	vm14 =	vgt.s32 v59, $0xFFFFFFFF;
	vm5 =	vne.s32 v60, v40;
	vm6 =	vne.s32 v60, v44  }
0x88: {  	vm7 =	vgt.s32 v60, $0xFFFFFFFF;
	vm8 =	vne.s32 v60, v59;
	vm12 =	vne.s32 v61, v44  }
0x89: {  	[tilespmem:$0x920] =	vst v24;
	vm13 =	vgt.s32 v61, $0xFFFFFFFF;
	v44 =	vshll.u32 v42, $0x2;
	v42 =	vshll.u32 v42, $0x7  }
0x8a: {  	[tilespmem:$0xA90] =	vst v23;
	v23 =	vshll.u32 v45, $0x2;
	v24 =	vshll.u32 v45, $0x7;
	vm0 =	vmand vm4, vm0  }
0x8b: {  	v18 =	vld [tilespmem:$0x50];
	v36 =	vsel vm10, $0x3F800000, v2;
	vm15 =	vmand vm1, vm14;
	vm4 =	vgt.s32 v59, $0x0  }
0x8c: {  	vm1 =	vmand vm5, vm6;
	vm10 =	vgt.s32 v60, $0x0;
	vm14 =	vne.s32 v61, v59  }
0x8d: {  	v39 =	vand.u32 $0x3FFFE0, v44;
	vm5 =	vne.s32 v61, v60;
	v42 =	vand.u32 $0x380, v42  }
0x8e: {  	v35 =	vsel vm0, $0x3F800000, v2;
	v41 =	vnsel vm4, $0x0, v59;
	vm1 =	vmand vm1, vm7  }
0x8f: {  	v33 =	vsel vm15, $0x3F800000, v2;
	v40 =	vnsel vm10, $0x0, v60;
	vm15 =	vgt.s32 v61, $0x0  }
0x90: {  	v59 =	vor.u32 v1, v39;
	vm4 =	vgt.s32 v18, $0x0;
	v60 =	vshll.u32 v48, $0x2  }
0x91: {  	v48 =	vshll.u32 v48, $0x7;
	vm9 =	vmand vm8, vm1;
	vm1 =	vmand vm11, vm12  }
0x92: {  	[tilespmem:$0x9A0] =	vst v26;
	v44 =	vnsel vm15, $0x0, v61;
	v39 =	vnsel vm4, $0x0, v18;
	v59 =	vshll.u32 v59, $0xA  }
0x93: {  	[tilespmem:$0x930] =	vst v29;
	v60 =	vand.u32 $0x3FFFE0, v60;
	v48 =	vand.u32 $0x380, v48;
	v61 =	vshll.u32 v57, $0x2  }
0x94: {  	[tilespmem:$0xAA0] =	vst v28;
	v57 =	vshll.u32 v57, $0x7;
	v26 =	vshll.u32 v41, $0x2;
	v28 =	vshll.u32 v41, $0x7  }
0x95: {  	[tilespmem:$0x9B0] =	vst v31;
	v29 =	vshll.u32 v40, $0x2;
	v31 =	vshll.u32 v40, $0x7;
	vm8 =	vgt.s32 v18, $0xFFFFFFFF  }
0x96: {  	vm1 =	vmand vm1, vm13;
	v60 =	vor.u32 v1, v60;
	v42 =	vor.u32 v42, v59  }
0x97: {  	v57 =	vand.u32 $0x380, v57;
	v38 =	vshll.u32 v44, $0x2;
	v41 =	vshll.u32 v44, $0x7  }
0x98: {  	v44 =	vshll.u32 v39, $0x2;
	v45 =	vsel vm9, $0x3F800000, v2;
	vm1 =	vmand vm14, vm1  }
0x99: {  	v60 =	vshll.u32 v60, $0xA;
	v63 =	vor.u32 v3, v42;
	v42 =	vshll.u32 v50, $0x7  }
0x9a: {  	v48 =	vor.u32 v48, v60;
	v60 =	vand.u32 $0x3FFFE0, v61;
	v61 =	vshll.u32 v53, $0x2  }
0x9b: {  	[tilespmem:$0x390] =	vst v63;
	v63 =	vshll.u32 v43, $0x2;
	vm6 =	vmand vm5, vm1;
	v59 =	vor.u32 v1, v60  }
0x9c: {  	v60 =	vshll.u32 v52, $0x2;
	v52 =	vshll.u32 v52, $0x7;
	v59 =	vshll.u32 v59, $0xA  }
0x9d: {  	[tilespmem:$0xB80] =	vst v2;
	v60 =	vand.u32 $0x3FFFE0, v60;
	v52 =	vand.u32 $0x380, v52;
	v57 =	vor.u32 v57, v59  }
0x9e: {  	[tilespmem:$0x780] =	vst v2;
	v59 =	vor.u32 v1, v60;
	v60 =	vshll.u32 v55, $0x2;
	v55 =	vshll.u32 v55, $0x7  }
0x9f: {  	[tilespmem:$0xC00] =	vst v2;
	v59 =	vshll.u32 v59, $0xA;
	v60 =	vand.u32 $0x3FFFE0, v60;
	v55 =	vand.u32 $0x380, v55  }
0xa0: {  	[tilespmem:$0x280] =	vst v12;
	v60 =	vor.u32 v1, v60;
	v12 =	vor.u32 v52, v59;
	v59 =	vshll.u32 v53, $0x7  }
0xa1: {  	[tilespmem:$0x980] =	vst v11;
	v53 =	vshll.u32 v56, $0x2;
	v60 =	vshll.u32 v60, $0xA;
	v11 =	vand.u32 $0x380, v59  }
0xa2: {  	[tilespmem:$0x800] =	vst v2;
	v59 =	vshll.u32 v47, $0x2;
	v47 =	vand.u32 $0x380, v42;
	v12 =	vor.u32 v4, v12  }
0xa3: {  	[tilespmem:$0xC80] =	vst v2;
	v52 =	vor.u32 v55, v60;
	v55 =	vand.u32 $0x3FFFE0, v61;
	v60 =	vshll.u32 v54, $0x2  }
0xa4: {  	[tilespmem:$0x400] =	vst v20;
	v54 =	vor.u32 v3, v58;
	v58 =	vshll.u32 v56, $0x7;
	v56 =	vshll.u32 v49, $0x2  }
0xa5: {  	[tilespmem:$0x300] =	vst v10;
	v10 =	vor.u32 v1, v55;
	v61 =	vand.u32 $0x3FFFE0, v60;
	v55 =	vor.u32 v3, v62  }
0xa6: {  	[tilespmem:$0xA00] =	vst v14;
	v14 =	vand.u32 $0x380, v58;
	v60 =	vand.u32 $0x3FFFE0, v59;
	v62 =	vshll.u32 v50, $0x2  }
0xa7: {  	[tilespmem:$0x290] =	vst v54;
	v50 =	vshll.u32 v46, $0x2;
	v54 =	vor.u32 v3, v57;
	v20 =	vand.u32 $0x3FFFE0, v56  }
0xa8: {  	[tilespmem:$0x910] =	vst v16;
	v58 =	vshll.u32 v49, $0x7;
	v59 =	vor.u32 v4, v52;
	v52 =	vsel vm8, $0x3F800000, v2  }
0xa9: {  	[tilespmem:$0x990] =	vst v19;
	v10 =	vshll.u32 v10, $0xA;
	v15 =	vand.u32 $0x3FFFE0, v62;
	v16 =	vand.u32 $0x3FFFE0, v50  }
0xaa: {  	[tilespmem:$0x310] =	vst v55;
	v55 =	vshll.u32 v46, $0x7;
	v57 =	vor.u32 v1, v20;
	v19 =	vand.u32 $0x380, v58  }
0xab: {  	[tilespmem:$0x880] =	vst v2;
	v42 =	vld [tilespmem:$0xD0];
	v62 =	vshll.u32 v51, $0x7;
	v20 =	vand.u32 $0x3FFFE0, v63;
	v46 =	vshll.u32 v39, $0x7  }
0xac: {  	[tilespmem:$0xB90] =	vst v2;
	v10 =	vor.u32 v11, v10;
	v11 =	vor.u32 v1, v61;
	v61 =	vor.u32 v1, v60  }
0xad: {  	[tilespmem:$0x790] =	vst v2;
	v15 =	vor.u32 v1, v15;
	v16 =	vor.u32 v1, v16;
	v60 =	vshll.u32 v51, $0x2  }
0xae: {  	[tilespmem:$0xA10] =	vst v22;
	v22 =	vor.u32 v1, v20;
	v20 =	vand.u32 $0x380, v24;
	v11 =	vshll.u32 v11, $0xA  }
0xaf: {  	[tilespmem:$0xC10] =	vst v2;
	v15 =	vshll.u32 v15, $0xA;
	v16 =	vshll.u32 v16, $0xA;
	v10 =	vor.u32 v4, v10  }
0xb0: {  	[tilespmem:$0x810] =	vst v2;
	vm7 =	vgt.s32 v42, $0x0;
	vm9 =	vgt.s32 v42, $0xFFFFFFFF;
	vm10 =	vne.s32 v42, v18  }
0xb1: {  	[tilespmem:$0xC90] =	vst v2;
	v58 =	vld [tilespmem:$0x60];
	v11 =	vor.u32 v13, v11;
	v13 =	vand.u32 $0x3FFFE0, v53;
	v15 =	vor.u32 v47, v15  }
0xb2: {  	[tilespmem:$0x890] =	vst v2;
	v53 =	vor.u32 v3, v48;
	v47 =	vsel vm6, $0x3F800000, v2;
	v48 =	vnsel vm7, $0x0, v42  }
0xb3: {  	[tilespmem:$0x490] =	vst v54;
	v51 =	vld [tilespmem:$0x1D0];
	vm11 =	vmand vm9, vm10;
	v13 =	vor.u32 v1, v13;
	v11 =	vor.u32 v4, v11  }
0xb4: {  	v15 =	vor.u32 v5, v15;
	v50 =	vshll.u32 v48, $0x2;
	v54 =	vshll.u32 v48, $0x7;
	[tilespmem:$0x420] =	vst v11  }
0xb5: {  	v13 =	vshll.u32 v13, $0xA;
	v11 =	vshll.u32 v43, $0x7;
	[tilespmem:$0x330] =	vst v15;
	v15 =	vand.u32 $0x3FFFE0, v29  }
0xb6: {  	[tilespmem:$0xBA0] =	vst v2;
	vm3 =	vgt.s32 v58, $0x0;
	v13 =	vor.u32 v14, v13;
	v14 =	vshll.u32 v61, $0xA  }
0xb7: {  	[tilespmem:$0xB20] =	vst v30;
	v11 =	vand.u32 $0x380, v11;
	v30 =	vor.u32 v1, v15;
	v15 =	vand.u32 $0x380, v31  }
0xb8: {  	[tilespmem:$0x7A0] =	vst v2;
	vm5 =	vne.s32 v51, v18;
	vm6 =	vne.s32 v51, v42;
	vm7 =	vgt.s32 v51, $0xFFFFFFFF  }
0xb9: {  	[tilespmem:$0xC20] =	vst v2;
	vm10 =	vgt.s32 v51, $0x0;
	v14 =	vor.u32 v17, v14;
	v17 =	vand.u32 $0x380, v55  }
0xba: {  	[tilespmem:$0x820] =	vst v2;
	v13 =	vor.u32 v4, v13;
	v55 =	vsel vm11, $0x3F800000, v2;
	v16 =	vor.u32 v17, v16  }
0xbb: {  	v17 =	vshll.u32 v57, $0xA;
	[tilespmem:$0x4A0] =	vst v13;
	v14 =	vor.u32 v5, v14;
	v13 =	vand.u32 $0x3FFFE0, v26  }
0xbc: {  	[tilespmem:$0xCA0] =	vst v2;
	v29 =	vld [tilespmem:$0xE0];
	v57 =	vand.u32 $0x380, v54;
	v17 =	vor.u32 v19, v17;
	v19 =	vand.u32 $0x3FFFE0, v60  }
0xbd: {  	[tilespmem:$0xA20] =	vst v27;
	v27 =	vor.u32 v5, v16;
	v13 =	vor.u32 v1, v13;
	v16 =	vand.u32 $0x380, v28  }
0xbe: {  	[tilespmem:$0x2B0] =	vst v14;
	v14 =	vshll.u32 v30, $0xA;
	v61 =	vor.u32 v1, v19;
	v19 =	vand.u32 $0x380, v62  }
0xbf: {  	[tilespmem:$0x8A0] =	vst v2;
	v17 =	vor.u32 v5, v17;
	v13 =	vshll.u32 v13, $0xA;
	v14 =	vor.u32 v15, v14  }
0xc0: {  	[tilespmem:$0x2A0] =	vst v12;
	v12 =	vshll.u32 v61, $0xA;
	v13 =	vor.u32 v16, v13;
	v16 =	vand.u32 $0x3FFFE0, v38  }
0xc1: {  	[tilespmem:$0x3A0] =	vst v10;
	v61 =	vnsel vm10, $0x0, v51;
	vm10 =	vne.s32 v29, v58;
	v10 =	vor.u32 v19, v12  }
0xc2: {  	[tilespmem:$0xBB0] =	vst v2;
	v12 =	vshll.u32 v22, $0xA;
	v19 =	vand.u32 $0x3FFFE0, v23;
	v40 =	vor.u32 v1, v16  }
0xc3: {  	[tilespmem:$0x7B0] =	vst v2;
	v16 =	vand.u32 $0x380, v41;
	v19 =	vor.u32 v1, v19;
	v11 =	vor.u32 v11, v12  }
0xc4: {  	[tilespmem:$0xB10] =	vst v25;
	v10 =	vor.u32 v5, v10;
	v15 =	vshll.u32 v40, $0xA;
	v19 =	vshll.u32 v19, $0xA  }
0xc5: {  	v11 =	vor.u32 v6, v11;
	[tilespmem:$0x4B0] =	vst v10;
	v43 =	vor.u32 v16, v15;
	v15 =	vand.u32 $0x3FFFE0, v44  }
0xc6: {  	v10 =	vor.u32 v6, v14;
	v25 =	vor.u32 v20, v19;
	v15 =	vor.u32 v1, v15;
	[tilespmem:$0x2C0] =	vst v11;
	v11 =	vld [tilespmem:$0x150]  }
0xc7: {  	[tilespmem:$0xC30] =	vst v2;
	v14 =	vor.u32 v6, v43;
	v19 =	vand.u32 $0x380, v46;
	v15 =	vshll.u32 v15, $0xA  }
0xc8: {  	[tilespmem:$0x440] =	vst v10;
	v10 =	vld [tilespmem:$0x250];
	v12 =	vor.u32 v6, v25;
	v25 =	vshll.u32 v61, $0x2;
	v15 =	vor.u32 v19, v15  }
0xc9: {  	[tilespmem:$0x4C0] =	vst v14;
	v14 =	vand.u32 $0x3FFFE0, v25;
	v49 =	vor.u32 v7, v15;
	v15 =	vand.u32 $0x3FFFE0, v50  }
0xca: {  	[tilespmem:$0x830] =	vst v2;
	v31 =	vld [tilespmem:$0x160];
	v13 =	vor.u32 v6, v13;
	v14 =	vor.u32 v1, v14;
	v15 =	vor.u32 v1, v15  }
0xcb: {  	[tilespmem:$0x410] =	vst v53;
	v53 =	vshll.u32 v15, $0xA;
	vm12 =	vne.s32 v11, v18;
	vm13 =	vne.s32 v11, v42  }
0xcc: {  	[tilespmem:$0xCB0] =	vst v2;
	vm14 =	vgt.s32 v11, $0xFFFFFFFF;
	vm4 =	vgt.s32 v11, $0x0;
	vm8 =	vne.s32 v51, v11  }
0xcd: {  	[tilespmem:$0x8B0] =	vst v2;
	vm11 =	vne.s32 v10, v18;
	v18 =	vshll.u32 v61, $0x7;
	vm1 =	vmand vm12, vm13  }
0xce: {  	[tilespmem:$0xBC0] =	vst v2;
	v56 =	vnsel vm4, $0x0, v11;
	vm12 =	vne.s32 v10, v42;
	v26 =	vand.u32 $0x380, v18  }
0xcf: {  	[tilespmem:$0x7C0] =	vst v2;
	vm4 =	vgt.s32 v31, $0x0;
	vm15 =	vmand vm1, vm14;
	vm1 =	vmand vm5, vm6  }
0xd0: {  	[tilespmem:$0x320] =	vst v59;
	v59 =	vshll.u32 v56, $0x2;
	vm13 =	vmand vm11, vm12;
	vm14 =	vgt.s32 v10, $0xFFFFFFFF  }
0xd1: {  	[tilespmem:$0xC40] =	vst v2;
	vm5 =	vne.s32 v10, v11;
	v11 =	vnsel vm3, $0x0, v58;
	vm6 =	vne.s32 v10, v51  }
0xd2: {  	[tilespmem:$0x840] =	vst v2;
	v16 =	vshll.u32 v56, $0x7;
	vm12 =	vne.s32 v31, v58;
	vm1 =	vmand vm1, vm7  }
0xd3: {  	[tilespmem:$0xCC0] =	vst v2;
	v60 =	vsel vm15, $0x3F800000, v2;
	vm0 =	vmand vm13, vm14;
	vm15 =	vgt.s32 v10, $0x0  }
0xd4: {  	[tilespmem:$0xAB0] =	vst v37;
	v37 =	vld [tilespmem:$0x260];
	v24 =	vand.u32 $0x3FFFE0, v59;
	v16 =	vand.u32 $0x380, v16;
	v30 =	vshll.u32 v11, $0x2  }
0xd5: {  	[tilespmem:$0x8C0] =	vst v2;
	v11 =	vshll.u32 v11, $0x7;
	vm7 =	vgt.s32 v29, $0x0;
	vm13 =	vne.s32 v31, v29  }
0xd6: {  	[tilespmem:$0xBD0] =	vst v2;
	vm14 =	vgt.s32 v31, $0xFFFFFFFF;
	vm9 =	vmand vm8, vm1;
	v63 =	vnsel vm15, $0x0, v10  }
0xd7: {  	[tilespmem:$0x3C0] =	vst v13;
	v10 =	vor.u32 v57, v53;
	v13 =	vor.u32 v1, v24;
	vm0 =	vmand vm5, vm0  }
0xd8: {  	[tilespmem:$0x940] =	vst v32;
	v11 =	vand.u32 $0x380, v11;
	v32 =	vnsel vm7, $0x0, v29;
	vm8 =	vgt.s32 v58, $0xFFFFFFFF  }
0xd9: {  	[tilespmem:$0xA30] =	vst v34;
	vm1 =	vmand vm12, vm13;
	vm12 =	vne.s32 v37, v29;
	vm13 =	vgt.s32 v37, $0xFFFFFFFF  }
0xda: {  	[tilespmem:$0x3B0] =	vst v27;
	v62 =	vsel vm9, $0x3F800000, v2;
	v10 =	vor.u32 v7, v10;
	v13 =	vshll.u32 v13, $0xA  }
0xdb: {  	[tilespmem:$0x340] =	vst v12;
	v27 =	vshll.u32 v63, $0x2;
	v12 =	vshll.u32 v63, $0x7;
	vm0 =	vmand vm6, vm0  }
0xdc: {  	[tilespmem:$0xB30] =	vst v35;
	v34 =	vshll.u32 v32, $0x2;
	vm9 =	vgt.s32 v29, $0xFFFFFFFF;
	v35 =	vsel vm8, $0x3F800000, v2  }
0xdd: {  	[tilespmem:$0x7D0] =	vst v2;
	v18 =	vshll.u32 v32, $0x7;
	vm15 =	vmand vm1, vm14;
	vm14 =	vgt.s32 v37, $0x0  }
0xde: {  	[tilespmem:$0x350] =	vst v10;
	v10 =	vshll.u32 v14, $0xA;
	v13 =	vor.u32 v16, v13;
	v28 =	vand.u32 $0x3FFFE0, v27  }
0xdf: {  	[tilespmem:$0xA40] =	vst v33;
	v48 =	vld [tilespmem:$0xF0];
	v12 =	vand.u32 $0x380, v12;
	v33 =	vsel vm0, $0x3F800000, v2;
	vm11 =	vmand vm9, vm10  }
0xe0: {  	[tilespmem:$0x9C0] =	vst v36;
	v51 =	vld [tilespmem:$0x170];
	v36 =	vand.u32 $0x380, v18;
	v39 =	vsel vm15, $0x3F800000, v2;
	vm15 =	vne.s32 v37, v31  }
0xe1: {  	[tilespmem:$0xC50] =	vst v2;
	v43 =	vnsel vm14, $0x0, v37;
	v10 =	vor.u32 v26, v10;
	v14 =	vor.u32 v1, v28  }
0xe2: {  	[tilespmem:$0x850] =	vst v2;
	v13 =	vor.u32 v7, v13;
	v10 =	vor.u32 v7, v10;
	v14 =	vshll.u32 v14, $0xA  }
0xe3: {  	v38 =	vsel vm11, $0x3F800000, v2;
	v12 =	vor.u32 v12, v14;
	v14 =	vand.u32 $0x3FFFE0, v30;
	[tilespmem:$0x450] =	vst v10;
	v10 =	vld [tilespmem:$0x1E0]  }
0xe4: {  	[tilespmem:$0xB40] =	vst v47;
	vm11 =	vne.s32 v37, v58;
	v47 =	vshll.u32 v43, $0x2;
	v14 =	vor.u32 v1, v14  }
0xe5: {  	vm14 =	vne.s32 v51, v48;
	[tilespmem:$0x3D0] =	vst v13;
	v13 =	vshll.u32 v43, $0x7;
	v14 =	vshll.u32 v14, $0xA  }
0xe6: {  	[tilespmem:$0xCD0] =	vst v2;
	v13 =	vand.u32 $0x380, v13;
	v11 =	vor.u32 v11, v14;
	v14 =	vand.u32 $0x3FFFE0, v34  }
0xe7: {  	[tilespmem:$0x8D0] =	vst v2;
	v12 =	vor.u32 v7, v12;
	v11 =	vor.u32 v8, v11;
	v14 =	vor.u32 v1, v14  }
0xe8: {  	v14 =	vshll.u32 v14, $0xA;
	[tilespmem:$0x2E0] =	vst v11;
	v11 =	vnsel vm4, $0x0, v31;
	vm5 =	vne.s32 v10, v58  }
0xe9: {  	[tilespmem:$0xAC0] =	vst v45;
	vm6 =	vne.s32 v10, v29;
	vm7 =	vgt.s32 v10, $0xFFFFFFFF;
	vm8 =	vne.s32 v10, v31  }
0xea: {  	v45 =	vld [tilespmem:$0x70];
	[tilespmem:$0x4D0] =	vst v12;
	vm10 =	vgt.s32 v10, $0x0;
	vm4 =	vgt.s32 v51, $0xFFFFFFFF;
	v12 =	vor.u32 v36, v14  }
0xeb: {  	[tilespmem:$0xBE0] =	vst v2;
	vm1 =	vmand vm5, vm6;
	v40 =	vnsel vm10, $0x0, v10;
	v41 =	vshll.u32 v11, $0x2  }
0xec: {  	[tilespmem:$0x7E0] =	vst v2;
	vm6 =	vne.s32 v37, v10;
	v11 =	vshll.u32 v11, $0x7;
	vm10 =	vgt.s32 v48, $0xFFFFFFFF  }
0xed: {  	[tilespmem:$0xC60] =	vst v2;
	v12 =	vor.u32 v8, v12;
	vm1 =	vmand vm1, vm7;
	v16 =	vand.u32 $0x3FFFE0, v41  }
0xee: {  	[tilespmem:$0x860] =	vst v2;
	v44 =	vshll.u32 v40, $0x2;
	v11 =	vand.u32 $0x380, v11;
	v15 =	vshll.u32 v40, $0x7  }
0xef: {  	[tilespmem:$0xCE0] =	vst v2;
	vm7 =	vgt.s32 v45, $0x0;
	vm9 =	vmand vm8, vm1;
	vm1 =	vmand vm11, vm12  }
0xf0: {  	[tilespmem:$0x360] =	vst v12;
	v10 =	vor.u32 v1, v16;
	v12 =	vand.u32 $0x3FFFE0, v44;
	v46 =	vand.u32 $0x380, v15  }
0xf1: {  	[tilespmem:$0x2D0] =	vst v49;
	v49 =	vnsel vm7, $0x0, v45;
	vm8 =	vgt.s32 v48, $0x0;
	vm11 =	vgt.s32 v51, $0x0  }
0xf2: {  	[tilespmem:$0x8E0] =	vst v2;
	vm12 =	vne.s32 v48, v45;
	vm1 =	vmand vm1, vm13;
	v42 =	vsel vm9, $0x3F800000, v2  }
0xf3: {  	[tilespmem:$0xBF0] =	vst v2;
	v10 =	vshll.u32 v10, $0xA;
	v12 =	vor.u32 v1, v12;
	v50 =	vshll.u32 v49, $0x2  }
0xf4: {  	[tilespmem:$0x7F0] =	vst v2;
	v14 =	vshll.u32 v49, $0x7;
	v53 =	vnsel vm8, $0x0, v48;
	vm9 =	vgt.s32 v45, $0xFFFFFFFF  }
0xf5: {  	[tilespmem:$0x9D0] =	vst v55;
	v58 =	vld [tilespmem:$0x270];
	v55 =	vnsel vm11, $0x0, v51;
	v10 =	vor.u32 v11, v10;
	v11 =	vshll.u32 v12, $0xA  }
0xf6: {  	[tilespmem:$0xC70] =	vst v2;
	vm13 =	vne.s32 v51, v45;
	v10 =	vor.u32 v8, v10;
	v11 =	vor.u32 v46, v11  }
0xf7: {  	vm1 =	vmand vm15, vm1;
	[tilespmem:$0x3E0] =	vst v10;
	v10 =	vor.u32 v8, v11;
	v11 =	vand.u32 $0x3FFFE0, v47  }
0xf8: {  	[tilespmem:$0x950] =	vst v52;
	v52 =	vand.u32 $0x380, v14;
	v54 =	vshll.u32 v53, $0x2;
	v11 =	vor.u32 v1, v11  }
0xf9: {  	[tilespmem:$0x870] =	vst v2;
	v14 =	vshll.u32 v53, $0x7;
	v56 =	vshll.u32 v55, $0x2;
	v11 =	vshll.u32 v11, $0xA  }
0xfa: {  	[tilespmem:$0xCF0] =	vst v2;
	vm11 =	vne.s32 v58, v45;
	vm0 =	vmand vm6, vm1;
	v11 =	vor.u32 v13, v11  }
0xfb: {  	v14 =	vand.u32 $0x380, v14;
	[tilespmem:$0x460] =	vst v10;
	v13 =	vand.u32 $0x3FFFE0, v50;
	v10 =	vor.u32 v8, v11  }
0xfc: {  	[tilespmem:$0xA50] =	vst v60;
	v11 =	vsel vm0, $0x3F800000, v2;
	v13 =	vor.u32 v1, v13;
	vm0 =	vmand vm10, vm12  }
0xfd: {  	vm10 =	vgt.s32 v58, $0x0;
	vm12 =	vne.s32 v58, v48;
	[tilespmem:$0x4E0] =	vst v10;
	v10 =	vshll.u32 v13, $0xA  }
0xfe: {  	[tilespmem:$0xB60] =	vst v11;
	v11 =	vsel vm9, $0x3F800000, v2;
	v13 =	vand.u32 $0x3FFFE0, v54;
	v60 =	vnsel vm10, $0x0, v58  }
0xff: {  	[tilespmem:$0x8F0] =	vst v2;
	v10 =	vor.u32 v52, v10;
	v13 =	vor.u32 v1, v13;
	v61 =	vshll.u32 v60, $0x2  }
0x100: {  	[tilespmem:$0xA80] =	vst v21;
	v16 =	vshll.u32 v60, $0x7;
	v10 =	vor.u32 v9, v10;
	v13 =	vshll.u32 v13, $0xA  }
0x101: {  	[tilespmem:$0x970] =	vst v11;
	v12 =	vand.u32 $0x3FFFE0, v61;
	v63 =	vand.u32 $0x380, v16;
	v13 =	vor.u32 v14, v13  }
0x102: {  	[tilespmem:$0x2F0] =	vst v10;
	v10 =	vld [tilespmem:$0x1F0];
	v14 =	vshll.u32 v55, $0x7;
	v12 =	vor.u32 v1, v12;
	v11 =	vor.u32 v9, v13  }
0x103: {  	[tilespmem:$0x430] =	vst v17;
	v13 =	vand.u32 $0x3FFFE0, v56;
	v14 =	vand.u32 $0x380, v14;
	v12 =	vshll.u32 v12, $0xA  }
0x104: {  	[tilespmem:$0x370] =	vst v11;
	v11 =	vsel vm0, $0x3F800000, v2;
	v13 =	vor.u32 v1, v13;
	vm0 =	vmand vm13, vm14  }
0x105: {  	[tilespmem:$0xAD0] =	vst v62;
	vm13 =	vgt.s32 v58, $0xFFFFFFFF;
	v13 =	vshll.u32 v13, $0xA;
	vm0 =	vmand vm0, vm4  }
0x106: {  	[tilespmem:$0x960] =	vst v35;
	vm14 =	vne.s32 v58, v51;
	v13 =	vor.u32 v14, v13;
	v59 =	vsel vm0, $0x3F800000, v2  }
0x107: {  	[tilespmem:$0x9F0] =	vst v11;
	vm15 =	vgt.s32 v10, $0x0;
	v11 =	vor.u32 v9, v13;
	vm5 =	vne.s32 v10, v45  }
0x108: {  	[tilespmem:$0xB50] =	vst v33;
	vm6 =	vne.s32 v10, v48;
	vm7 =	vgt.s32 v10, $0xFFFFFFFF;
	vm8 =	vne.s32 v10, v51  }
0x109: {  	[tilespmem:$0xA60] =	vst v39;
	v57 =	vnsel vm15, $0x0, v10;
	vm1 =	vmand vm5, vm6;
	vm15 =	vne.s32 v58, v10  }
0x10a: {  	[tilespmem:$0x3F0] =	vst v11;
	v10 =	vor.u32 v63, v12;
	v11 =	vshll.u32 v57, $0x2;
	v13 =	vshll.u32 v57, $0x7  }
0x10b: {  	[tilespmem:$0x9E0] =	vst v38;
	vm1 =	vmand vm1, vm7;
	v10 =	vor.u32 v9, v10;
	v11 =	vand.u32 $0x3FFFE0, v11  }
0x10c: {  	[tilespmem:$0xAE0] =	vst v42;
	vm9 =	vmand vm8, vm1;
	vm1 =	vmand vm11, vm12;
	v11 =	vor.u32 v1, v11  }
0x10d: {  	[tilespmem:$0xA70] =	vst v59;
	v13 =	vand.u32 $0x380, v13;
	vm1 =	vmand vm1, vm13;
	v11 =	vshll.u32 v11, $0xA  }
0x10e: {  	[tilespmem:$0x4F0] =	vst v10;
	v62 =	vsel vm9, $0x3F800000, v2;
	vm0 =	vmand vm14, vm1;
	v11 =	vor.u32 v13, v11  }
0x10f: {  	[tilespmem:$0xAF0] =	vst v62;
	vm0 =	vmand vm15, vm0;
	v11 =	vor.u32 v9, v11  }
0x110: {  	v10 =	vsel vm0, $0x3F800000, v2;
	[tilespmem:$0x470] =	vst v11  }
0x111: {  	[tilespmem:$0xB70] =	vst v10  }
0x112: {  	[tilespmem:s11], [sflag:$0x1] =	stream.indirect.gather [hbm4b:s2+s6], $0x1, s10, s6, $0xb8;
	[tilespmem:$0xD00] =	vst v63  }
0x113: {  	_ = 	snop  }
0x114: {  	[tilespmem:s13], [sflag:$0x1] =	stream.indirect.gather [hbm4b:s2+s6], $0x1, s12, s6, $0xb8;
	[tilespmem:$0xD00] =	vst v63  }
0x115: {  	_ = 	snop  }
0x116: {  	[tilespmem:s15], [sflag:$0x1] =	stream.indirect.gather [hbm4b:s2+s6], $0x1, s14, s6, $0xb8;
	[tilespmem:$0xD00] =	vst v63  }
0x117: {  	_ = 	snop  }
0x118: {  	[tilespmem:s17], [sflag:$0x1] =	stream.indirect.gather [hbm4b:s2+s6], $0x1, s16, s6, $0xb8;
	[tilespmem:$0xD00] =	vst v63  }
0x119: {  	_ = 	snop  }
0x11a: {  	[tilespmem:s19], [sflag:$0x1] =	stream.indirect.gather [hbm4b:s2+s6], $0x1, s18, s6, $0xb8;
	[tilespmem:$0xD00] =	vst v63  }
0x11b: {  	_ =	swait.ge [sflag:s20], $0x80  }
0x11c: {  	[sflag:s20] =	ssyncset.done $0x0  }
0x11d: {  	[sflag:s20] =	ssyncadd.s32 $0xFFFFFF80  }
0x11e: {  	_ =	swait.ge [sflag:s20], $0x80  }
0x11f: {  	[sflag:s20] =	ssyncset.done $0x0  }
0x120: {  	[sflag:s20] =	ssyncadd.s32 $0xFFFFFF80  }
0x121: {  	_ =	swait.ge [sflag:s20], $0x80  }
0x122: {  	[sflag:s20] =	ssyncset.done $0x0  }
0x123: {  	[sflag:s20] =	ssyncadd.s32 $0xFFFFFF80  }
0x124: {  	_ =	swait.ge [sflag:s20], $0x80  }
0x125: {  	[sflag:s20] =	ssyncset.done $0x0  }
0x126: {  	[sflag:s20] =	ssyncadd.s32 $0xFFFFFF80  }
0x127: {  	_ =	swait.ge [sflag:s20], $0x80  }
0x128: {  	[sflag:s20] =	ssyncset.done $0x0  }
0x129: {  	s0 =	rddreg [dreg:$0x8];
	[sflag:s20] =	ssyncadd.s32 $0xFFFFFF80  }
0x12a: {  	[hbm4b:s0+s3] =	stream.linear.scatter [tilespmem:s11], [sflag:$0x2], $0x80, $0x38;
	[tilespmem:$0xD00] =	vst v63  }
0x12b: {  	_ =	swait.ge [sflag:s5], $0x80  }
0x12c: {  	[sflag:s5] =	ssyncset.done $0x0  }
0x12d: {  	s0 =	rddreg [dreg:$0x9];
	[sflag:s5] =	ssyncadd.s32 $0xFFFFFF80  }
0x12e: {  	[hbm4b:s0+s3] =	stream.linear.scatter [tilespmem:s21], [sflag:$0x2], $0x80, $0x38;
	[tilespmem:$0xD00] =	vst v63  }
0x12f: {  	_ =	swait.ge [sflag:s5], $0x80  }
0x130: {  	[sflag:s5] =	ssyncset.done $0x0  }
0x131: {  	s0 =	rddreg [dreg:$0xa];
	[sflag:s5] =	ssyncadd.s32 $0xFFFFFF80  }
0x132: {  	[hbm4b:s0+s3] =	stream.linear.scatter [tilespmem:s13], [sflag:$0x2], $0x80, $0x38;
	[tilespmem:$0xD00] =	vst v63  }
0x133: {  	_ =	swait.ge [sflag:s5], $0x80  }
0x134: {  	[sflag:s5] =	ssyncset.done $0x0  }
0x135: {  	s0 =	rddreg [dreg:$0xb];
	[sflag:s5] =	ssyncadd.s32 $0xFFFFFF80  }
0x136: {  	[hbm4b:s0+s3] =	stream.linear.scatter [tilespmem:s22], [sflag:$0x2], $0x80, $0x38;
	[tilespmem:$0xD00] =	vst v63  }
0x137: {  	_ =	swait.ge [sflag:s5], $0x80  }
0x138: {  	[sflag:s5] =	ssyncset.done $0x0  }
0x139: {  	s0 =	rddreg [dreg:$0xc];
	[sflag:s5] =	ssyncadd.s32 $0xFFFFFF80  }
0x13a: {  	[hbm4b:s0+s3] =	stream.linear.scatter [tilespmem:s15], [sflag:$0x2], $0x80, $0x38;
	[tilespmem:$0xD00] =	vst v63  }
0x13b: {  	_ =	swait.ge [sflag:s5], $0x80  }
0x13c: {  	[sflag:s5] =	ssyncset.done $0x0  }
0x13d: {  	s0 =	rddreg [dreg:$0xd];
	[sflag:s5] =	ssyncadd.s32 $0xFFFFFF80  }
0x13e: {  	[hbm4b:s0+s3] =	stream.linear.scatter [tilespmem:s23], [sflag:$0x2], $0x80, $0x38;
	[tilespmem:$0xD00] =	vst v63  }
0x13f: {  	_ =	swait.ge [sflag:s5], $0x80  }
0x140: {  	[sflag:s5] =	ssyncset.done $0x0  }
0x141: {  	s0 =	rddreg [dreg:$0xe];
	[sflag:s5] =	ssyncadd.s32 $0xFFFFFF80  }
0x142: {  	[hbm4b:s0+s3] =	stream.linear.scatter [tilespmem:s17], [sflag:$0x2], $0x80, $0x38;
	[tilespmem:$0xD00] =	vst v63  }
0x143: {  	_ =	swait.ge [sflag:s5], $0x80  }
0x144: {  	[sflag:s5] =	ssyncset.done $0x0  }
0x145: {  	s0 =	rddreg [dreg:$0xf];
	[sflag:s5] =	ssyncadd.s32 $0xFFFFFF80  }
0x146: {  	[hbm4b:s0+s3] =	stream.linear.scatter [tilespmem:s24], [sflag:$0x2], $0x80, $0x38;
	[tilespmem:$0xD00] =	vst v63  }
0x147: {  	_ =	swait.ge [sflag:s5], $0x80  }
0x148: {  	[sflag:s5] =	ssyncset.done $0x0  }
0x149: {  	s0 =	rddreg [dreg:$0x10];
	[sflag:s5] =	ssyncadd.s32 $0xFFFFFF80  }
0x14a: {  	[hbm4b:s0+s3] =	stream.linear.scatter [tilespmem:s19], [sflag:$0x2], $0x80, $0x38;
	[tilespmem:$0xD00] =	vst v63  }
0x14b: {  	_ =	swait.ge [sflag:s5], $0x80  }
0x14c: {  	[sflag:s5] =	ssyncset.done $0x0  }
0x14d: {  	s0 =	rddreg [dreg:$0x11];
	[sflag:s5] =	ssyncadd.s32 $0xFFFFFF80  }
0x14e: {  	[hbm4b:s0+s3] =	stream.linear.scatter [tilespmem:s25], [sflag:$0x2], $0x80, $0x38;
	[tilespmem:$0xD00] =	vst v63  }
0x14f: {  	_ =	swait.ge [sflag:s5], $0x80  }
0x150: {  	[sflag:s5] =	ssyncset.done $0x0  }
0x151: {  	s0 =	rddreg [dreg:$0x12];
	[sflag:s5] =	ssyncadd.s32 $0xFFFFFF80  }
0x152: {  	[hbm4b:s0+s3] =	stream.linear.scatter [tilespmem:s26], [sflag:$0x2], $0x80, $0x38;
	[tilespmem:$0xD00] =	vst v63  }
0x153: {  	_ =	swait.ge [sflag:s5], $0x80  }
0x154: {  	[sflag:s5] =	ssyncset.done $0x0  }
0x155: {  	s0 =	rddreg [dreg:$0x13];
	[sflag:s5] =	ssyncadd.s32 $0xFFFFFF80  }
0x156: {  	[hbm4b:s0+s3] =	stream.linear.scatter [tilespmem:s28], [sflag:$0x2], $0x80, $0x38;
	[tilespmem:$0xD00] =	vst v63  }
0x157: {  	_ =	swait.ge [sflag:s5], $0x80  }
0x158: {  	[sflag:s5] =	ssyncset.done $0x0  }
0x159: {  	s0 =	rddreg [dreg:$0x14];
	[sflag:s5] =	ssyncadd.s32 $0xFFFFFF80  }
0x15a: {  	[hbm4b:s0+s3] =	stream.linear.scatter [tilespmem:s29], [sflag:$0x2], $0x80, $0x38;
	[tilespmem:$0xD00] =	vst v63  }
0x15b: {  	_ =	swait.ge [sflag:s5], $0x80  }
0x15c: {  	[sflag:s5] =	ssyncset.done $0x0  }
0x15d: {  	s0 =	rddreg [dreg:$0x15];
	[sflag:s5] =	ssyncadd.s32 $0xFFFFFF80  }
0x15e: {  	[hbm4b:s0+s3] =	stream.linear.scatter [tilespmem:s30], [sflag:$0x2], $0x80, $0x38;
	[tilespmem:$0xD00] =	vst v63  }
0x15f: {  	_ =	swait.ge [sflag:s5], $0x80  }
0x160: {  	[sflag:s5] =	ssyncset.done $0x0  }
0x161: {  	s0 =	rddreg [dreg:$0x16];
	[sflag:s5] =	ssyncadd.s32 $0xFFFFFF80  }
0x162: {  	[hbm4b:s0+s3] =	stream.linear.scatter [tilespmem:s31], [sflag:$0x2], $0x80, $0x38;
	[tilespmem:$0xD00] =	vst v63  }
0x163: {  	_ =	swait.ge [sflag:s5], $0x80  }
0x164: {  	p0 =	sne.s32 s4, $0x1;
	[sflag:s5] =	ssyncset.done $0x0  }
.Ltmp0:
0x165: {  	s0 =	rddreg [dreg:$0x17];
	[sflag:s5] =	ssyncadd.s32 $0xFFFFFF80;
	(pc) =	sbr.rel @p0 .LBB2_1-.Ltmp0, $4  }
0x166: {  	[hbm4b:s0+s3] =	stream.linear.scatter [tilespmem:s1], [sflag:$0x2], $0x80, $0x38;
	[tilespmem:$0xD00] =	vst v63  }
0x167: {  	_ =	swait.ge [sflag:s5], $0x80  }
0x168: {  	[sflag:s5] =	ssyncset.done $0x0  }
0x169: {  	s4 =	sadd.s32 $0xFFFFFFFF, s4;
	[sflag:s5] =	ssyncadd.s32 $0xFFFFFF80  }
0x16a: {  	_ =	sfence.sel $0x180000  }
0x16b: {  	[bflag:$0x0] =	sbarrier.arrive $0xFFFF  }
0x16c: {  	_ =	strace $0x90000047  }
0x16d: {  	s0 =	stileid.u32;
	[bflag:$0x2] =	sbarrier.arrive $0xFFFF  }
0x16e: {  	p0 =	sne.s32 s0, $0x0;
	s0 =	rddreg [dreg:$0x2]  }
0x16f: {  	s0 =	sadd.s32 @!p0 $0x100000, s0  }
0x170: {  	[sflag:s0] =	ssyncadd.tile.s32 @!p0 $0x1;
	_ =	shalt  }
.Lfunc_end2:
_tile_overlayer_lowered:
.L_overlay_start_2:
0x171: {  	(tag) =	ssettag $0x2  }
0x172: {  	s0 =	rddreg [dreg:$0x0];
	s2 =	stileid.u32  }
0x173: {  	s1 =	rddreg [dreg:$0x1];
	p0 =	sne.s32 s2, $0x0  }
0x174: {  	s3 =	rddreg [dreg:$0x2];
	[bflag:$0x3] =	sbarrier.arrive $0xFFFF;
	s2 =	simm.s32 @!p0 $0x1C02  }
0x175: {  	[timem:s3], [sflag:s2] =	dma.local @!p0 [hbm:s0], s1  }
0x176: {  	s0 =	simm.s32 @!p0 $0x2  }
0x177: {  	_ =	swait.ge @!p0 [sflag:s0], s1  }
0x178: {  	s1 =	ssub.s32 @!p0 $0x0, s1;
	[sflag:s0] =	ssyncset.done @!p0 $0x0  }
0x179: {  	[sflag:s0] =	ssyncadd.s32 @!p0 s1  }
0x17a: {  	[bflag:$0x3] =	sbarrier.arrive $0xFFFF  }
0x17b: {  	_ =	shalt  }

</sc_bundles>
